<compile_context>
chip_gen: v7x
topology: tpu7x:2x2x1
jax: 0.10.2.dev20260603
libtpu: 0.0.44.dev20260713+nightly
codegen_flags: <defaults>
</compile_context>

<pallas_src>
import functools

import jax
import jax.numpy as jnp
from jax import lax
from jax.experimental import pallas as pl
from jax.experimental.pallas import tpu as pltpu
from jax.experimental.pallas import tpu_sc as plsc

T, N, E, F, H = 20, 10000, 320000, 128, 128
NC, NS = 2, 16
K = 125
CS = (E // NC // NS) // K
NPAD = 10240
ZR = NPAD // NS
R = 2048
G = NPAD // R


def _sc_mesh():
    return plsc.VectorSubcoreMesh(
        core_axis_name="c", subcore_axis_name="s", num_cores=NC, num_subcores=NS
    )


@functools.partial(
    pl.kernel,
    out_type=jax.ShapeDtypeStruct((NC, NPAD, H), jnp.float32),
    mesh=_sc_mesh(),
    scratch_types=[
        [pltpu.VMEM((2, K), jnp.int32) for _ in range(2)],
        [pltpu.VMEM((K, H), jnp.float32) for _ in range(2)],
        pltpu.VMEM_SHARED((NPAD, H), jnp.float32),
        [pltpu.SemaphoreType.DMA for _ in range(2)],
        [pltpu.SemaphoreType.DMA for _ in range(2)],
    ],
)
def _sc_segsum(table, idx, zeros, out, idx_v, rows, accum, isems, rsems):
    cid = lax.axis_index("c")
    sid = lax.axis_index("s")
    pltpu.sync_copy(zeros.at[pl.ds(sid * ZR, ZR)],
                    accum.at[pl.ds(sid * ZR, ZR)])
    plsc.subcore_barrier()
    my = idx.at[cid].at[sid]
    pltpu.async_copy(my.at[0], idx_v[0], isems[0])
    pltpu.async_copy(my.at[1], idx_v[1], isems[1])
    pltpu.make_async_copy(my.at[0], idx_v[0], isems[0]).wait()
    pltpu.async_copy(table.at[idx_v[0].at[0]], rows[0], rsems[0])

    def pair(i, _):
        for b in range(2):
            j = 2 * i + b
            nb = 1 - b

            @pl.when(j + 1 < CS)
            def _():
                pltpu.make_async_copy(my.at[j + 1], idx_v[nb],
                                      isems[nb]).wait()
                pltpu.async_copy(table.at[idx_v[nb].at[0]], rows[nb],
                                 rsems[nb])

            pltpu.make_async_copy(table.at[idx_v[b].at[0]], rows[b],
                                  rsems[b]).wait()
            pltpu.sync_copy(rows[b], accum.at[idx_v[b].at[1]], add=True)

            @pl.when(j + 2 < CS)
            def _():
                pltpu.async_copy(my.at[j + 2], idx_v[b], isems[b])
        return ()

    lax.fori_loop(0, CS // 2, pair, (), unroll=False)
    if CS % 2 == 1:
        pltpu.make_async_copy(table.at[idx_v[0].at[0]], rows[0],
                              rsems[0]).wait()
        pltpu.sync_copy(rows[0], accum.at[idx_v[0].at[1]], add=True)
    plsc.subcore_barrier()
    pltpu.sync_copy(accum.at[pl.ds(sid * ZR, ZR)],
                    out.at[cid, pl.ds(sid * ZR, ZR)])


def _tc_sage1_body(p_ref, x_ref, degp_ref, wl_ref, bl_ref, wr_ref, o_ref):
    deg = degp_ref[0, :, 0:1] + degp_ref[1, :, 0:1]
    inv = 1.0 / jnp.maximum(deg, 1.0)
    mean = (p_ref[0] + p_ref[1]) * inv
    h = lax.dot_general(mean, wl_ref[...], (((1,), (1,)), ((), ())),
                        preferred_element_type=jnp.float32)
    h = h + bl_ref[...]
    h = h + lax.dot_general(x_ref[...], wr_ref[...], (((1,), (1,)), ((), ())),
                            preferred_element_type=jnp.float32)
    o_ref[...] = jnp.maximum(h, 0.0)


def _tc_sage1(p, xt, degp, Wl, bl, Wr):
    return pl.pallas_call(
        _tc_sage1_body,
        grid=(G,),
        in_specs=[
            pl.BlockSpec((NC, R, H), lambda i: (0, i, 0)),
            pl.BlockSpec((R, H), lambda i: (i, 0)),
            pl.BlockSpec((NC, R, H), lambda i: (0, i, 0)),
            pl.BlockSpec((H, H), lambda i: (0, 0)),
            pl.BlockSpec((1, H), lambda i: (0, 0)),
            pl.BlockSpec((H, H), lambda i: (0, 0)),
        ],
        out_specs=pl.BlockSpec((R, H), lambda i: (i, 0)),
        out_shape=jax.ShapeDtypeStruct((NPAD, H), jnp.float32),
    )(p, xt, degp, Wl, bl, Wr)


def _tc_step_body(p_ref, h1_ref, degp_ref, hprev_ref,
                  wl_ref, bl_ref, wr_ref, g_ref, b_ref,
                  wi_ref, bi_ref, wh_ref, bh_ref,
                  tw1_ref, tb1_ref, tw2_ref,
                  pw1_ref, pb1_ref, pw2_ref, b2_ref,
                  hout_ref, o8_ref):
    deg = degp_ref[0, :, 0:1] + degp_ref[1, :, 0:1]
    inv = 1.0 / jnp.maximum(deg, 1.0)
    mean = (p_ref[0] + p_ref[1]) * inv
    h = lax.dot_general(mean, wl_ref[...], (((1,), (1,)), ((), ())),
                        preferred_element_type=jnp.float32)
    h = h + bl_ref[...]
    h = h + lax.dot_general(h1_ref[...], wr_ref[...], (((1,), (1,)), ((), ())),
                            preferred_element_type=jnp.float32)
    h = jnp.maximum(h, 0.0)
    mu = jnp.mean(h, axis=-1, keepdims=True)
    var = jnp.mean((h - mu) ** 2, axis=-1, keepdims=True)
    e = (h - mu) / jnp.sqrt(var + 1e-5) * g_ref[...] + b_ref[...]
    hprev = hprev_ref[...]
    gi = lax.dot_general(e, wi_ref[...], (((1,), (1,)), ((), ())),
                         preferred_element_type=jnp.float32) + bi_ref[...]
    gh = lax.dot_general(hprev, wh_ref[...], (((1,), (1,)), ((), ())),
                         preferred_element_type=jnp.float32) + bh_ref[...]
    r = jax.nn.sigmoid(gi[:, 0:H] + gh[:, 0:H])
    z = jax.nn.sigmoid(gi[:, H:2 * H] + gh[:, H:2 * H])
    n = jnp.tanh(gi[:, 2 * H:] + r * gh[:, 2 * H:])
    hn = (1.0 - z) * n + z * hprev
    hout_ref[...] = hn
    zt = jnp.maximum(lax.dot_general(hn, tw1_ref[...], (((1,), (1,)), ((), ())),
                                     preferred_element_type=jnp.float32)
                     + tb1_ref[...], 0.0)
    thick = lax.dot_general(zt, tw2_ref[...], (((1,), (1,)), ((), ())),
                            preferred_element_type=jnp.float32)
    zp = jnp.maximum(lax.dot_general(hn, pw1_ref[...], (((1,), (1,)), ((), ())),
                                     preferred_element_type=jnp.float32)
                     + pb1_ref[...], 0.0)
    phys = lax.dot_general(zp, pw2_ref[...], (((1,), (1,)), ((), ())),
                           preferred_element_type=jnp.float32)
    o8_ref[...] = thick + phys + b2_ref[...]


def _tc_step(p, h1, degp, hprev, Wl2, bl2, Wr2, ln_g, ln_b,
             Wi, bi, Wh, bh, tW1, tb1, tW2p, pW1, pb1, pW2p, b2):
    full = lambda shape: pl.BlockSpec(shape, lambda i: tuple(0 for _ in shape))
    return pl.pallas_call(
        _tc_step_body,
        grid=(G,),
        in_specs=[
            pl.BlockSpec((NC, R, H), lambda i: (0, i, 0)),
            pl.BlockSpec((R, H), lambda i: (i, 0)),
            pl.BlockSpec((NC, R, H), lambda i: (0, i, 0)),
            pl.BlockSpec((R, H), lambda i: (i, 0)),
            full((H, H)), full((1, H)), full((H, H)),
            full((1, H)), full((1, H)),
            full((3 * H, H)), full((1, 3 * H)),
            full((3 * H, H)), full((1, 3 * H)),
            full((H, H)), full((1, H)), full((128, H)),
            full((H, H)), full((1, H)), full((128, H)), full((1, 128)),
        ],
        out_specs=[
            pl.BlockSpec((R, H), lambda i: (i, 0)),
            pl.BlockSpec((R, 128), lambda i: (i, 0)),
        ],
        out_shape=[
            jax.ShapeDtypeStruct((NPAD, H), jnp.float32),
            jax.ShapeDtypeStruct((NPAD, 128), jnp.float32),
        ],
    )(p, h1, degp, hprev, Wl2, bl2, Wr2, ln_g, ln_b,
      Wi, bi, Wh, bh, tW1, tb1, tW2p, pW1, pb1, pW2p, b2)


def kernel(x, edge_index, Wl1, bl1, Wr1, Wl2, bl2, Wr2, ln_g, ln_b,
           Wi, bi, Wh, bh, tW1, tb1, tW2, tb2, pW1, pb1, pW2, pb2):
    idx = jnp.transpose(edge_index.reshape(2, NC, NS, CS, K), (1, 2, 3, 0, 4))
    zeros = jnp.zeros((NPAD, H), jnp.float32)
    ones_table = jnp.ones((NPAD, H), jnp.float32)
    degp = _sc_segsum(ones_table, idx, zeros)
    xp = jnp.pad(x, ((0, 0), (0, NPAD - N), (0, 0)))

    bl1r = bl1.reshape(1, H)
    bl2r = bl2.reshape(1, H)
    gr = ln_g.reshape(1, H)
    br = ln_b.reshape(1, H)
    bir = bi.reshape(1, 3 * H)
    bhr = bh.reshape(1, 3 * H)
    tb1r = tb1.reshape(1, H)
    pb1r = pb1.reshape(1, H)
    tW2p = jnp.zeros((128, H), jnp.float32).at[0:1].set(tW2)
    pW2p = jnp.zeros((128, H), jnp.float32).at[1:8].set(pW2)
    b2 = jnp.concatenate([tb2, pb2, jnp.zeros((120,), jnp.float32)]
                         ).reshape(1, 128)

    def step_t(carry, t):
        hprev, p1 = carry
        xt = lax.dynamic_slice(xp, (t, 0, 0), (1, NPAD, H))[0]
        h1 = _tc_sage1(p1, xt, degp, Wl1, bl1r, Wr1)
        p2 = _sc_segsum(h1, idx, zeros)
        hn, o8 = _tc_step(p2, h1, degp, hprev, Wl2, bl2r, Wr2, gr, br,
                          Wi, bir, Wh, bhr, tW1, tb1r, tW2p,
                          pW1, pb1r, pW2p, b2)
        xnext = lax.dynamic_slice(
            xp, (jnp.minimum(t + 1, T - 1), 0, 0), (1, NPAD, H))[0]
        p1n = _sc_segsum(xnext, idx, zeros)
        return (hn, p1n), o8

    h0 = jnp.zeros((NPAD, H), jnp.float32)
    p1_0 = _sc_segsum(xp[0], idx, zeros)
    (_, _), out8 = lax.scan(step_t, (h0, p1_0), jnp.arange(T))
    out8 = out8[:, :N]
    return out8[..., 0:1], out8[..., 1:8]

# --- scband reference (transcript-rebuilt; emitter-appended) ---
"""Pipeline reference for scband-masked-auto-encoder-89103391523120 (READ-ONLY COPY).

The authoritative reference and input builder live on the scoring server;
editing this copy changes nothing except your own understanding.
"""

import jax, jax.numpy as jnp
import numpy as np

T, N, E, F, H = 20, 10000, 320000, 128, 128

def setup_inputs(seed: int = 0):
    key = jax.random.key(seed)
    def nrm(i, shape, s=0.05):
        return jax.random.normal(jax.random.fold_in(key, i), shape, dtype=jnp.float32) * s
    inp = {}
    inp["x"] = jax.random.normal(jax.random.fold_in(key, 0), (T, N, F), dtype=jnp.float32)
    inp["edge_index"] = jax.random.randint(jax.random.fold_in(key, 1), (2, E), 0, N, dtype=jnp.int32)
    inp["Wl1"] = nrm(2, (H, F)); inp["bl1"] = nrm(3, (H,)); inp["Wr1"] = nrm(4, (H, F))
    inp["Wl2"] = nrm(5, (H, H)); inp["bl2"] = nrm(6, (H,)); inp["Wr2"] = nrm(7, (H, H))
    inp["ln_g"] = jnp.ones((H,), jnp.float32); inp["ln_b"] = jnp.zeros((H,), jnp.float32)
    inp["Wi"] = nrm(8, (3 * H, H)); inp["bi"] = nrm(9, (3 * H,))
    inp["Wh"] = nrm(10, (3 * H, H)); inp["bh"] = nrm(11, (3 * H,))
    inp["tW1"] = nrm(12, (H, H)); inp["tb1"] = nrm(13, (H,))
    inp["tW2"] = nrm(14, (1, H)); inp["tb2"] = nrm(15, (1,))
    inp["pW1"] = nrm(16, (H, H)); inp["pb1"] = nrm(17, (H,))
    inp["pW2"] = nrm(18, (7, H)); inp["pb2"] = nrm(19, (7,))
    return inp

def _sage(x, src, dst, Wl, bl, Wr):
    msg = x[src]
    agg = jax.ops.segment_sum(msg, dst, num_segments=N)
    deg = jax.ops.segment_sum(jnp.ones((src.shape[0],), jnp.float32), dst, num_segments=N)
    mean = agg / jnp.clip(deg, 1.0)[:, None]
    return mean @ Wl.T + bl + x @ Wr.T

def _layernorm(h, g, b, eps=1e-5):
    mu = h.mean(-1, keepdims=True)
    var = ((h - mu) ** 2).mean(-1, keepdims=True)
    return (h - mu) / jnp.sqrt(var + eps) * g + b

def _forward(x, edge_index, Wl1, bl1, Wr1, Wl2, bl2, Wr2, ln_g, ln_b, Wi, bi, Wh, bh, tW1, tb1, tW2, tb2, pW1, pb1, pW2, pb2):
    src, dst = edge_index[0], edge_index[1]
    def enc(xt):
        h = jax.nn.relu(_sage(xt, src, dst, Wl1, bl1, Wr1))
        h = jax.nn.relu(_sage(h, src, dst, Wl2, bl2, Wr2))
        return _layernorm(h, ln_g, ln_b)
    encoded = jax.vmap(enc)(x)
    def gru_step(h, xt):
        gi = xt @ Wi.T + bi
        gh = h @ Wh.T + bh
        i_r, i_z, i_n = jnp.split(gi, 3, axis=-1)
        h_r, h_z, h_n = jnp.split(gh, 3, axis=-1)
        r = jax.nn.sigmoid(i_r + h_r)
        z = jax.nn.sigmoid(i_z + h_z)
        n = jnp.tanh(i_n + r * h_n)
        h_new = (1.0 - z) * n + z * h
        return h_new, h_new
    h0 = jnp.zeros((N, H), jnp.float32)
    _, out = jax.lax.scan(gru_step, h0, encoded)
    thick = jax.nn.relu(out @ tW1.T + tb1) @ tW2.T + tb2
    phys = jax.nn.relu(out @ pW1.T + pb1) @ pW2.T + pb2
    return (thick, phys)

def reference(x, edge_index, Wl1, bl1, Wr1, Wl2, bl2, Wr2, ln_g, ln_b, Wi, bi, Wh, bh, tW1, tb1, tW2, tb2, pW1, pb1, pW2, pb2):
    return _forward(x, edge_index, Wl1, bl1, Wr1, Wl2, bl2, Wr2, ln_g, ln_b, Wi, bi, Wh, bh, tW1, tb1, tW2, tb2, pW1, pb1, pW2, pb2)

if __name__ == "__main__":
    import jax
    _d = setup_inputs()
    print(jax.jit(kernel)(*tuple(_d.values())))

</pallas_src>

<mosaic_0001>
#map = affine_map<(d0, d1) -> (0, 0)>
#map1 = affine_map<(d0, d1) -> (0, 0, 0, 0, 0)>
#map2 = affine_map<(d0, d1) -> (0, 0, 0)>
module attributes {stable_mosaic.version = 14 : i64} {
  func.func @_sc_segsum(%arg0: i32, %arg1: i32, %arg2: memref<10240x128xf32, #tpu.memory_space<hbm>>, %arg3: memref<2x16x80x2x125xi32, #tpu.memory_space<hbm>>, %arg4: memref<10240x128xf32, #tpu.memory_space<hbm>>, %arg5: memref<2x10240x128xf32, #tpu.memory_space<hbm>>, %arg6: memref<2x125xi32, #tpu.memory_space<vmem>>, %arg7: memref<2x125xi32, #tpu.memory_space<vmem>>, %arg8: memref<125x128xf32, #tpu.memory_space<vmem>>, %arg9: memref<125x128xf32, #tpu.memory_space<vmem>>, %arg10: memref<10240x128xf32, #tpu.memory_space<vmem_shared>>, %arg11: memref<!tpu.dma_semaphore, #tpu.memory_space<semaphore_mem>>, %arg12: memref<!tpu.dma_semaphore, #tpu.memory_space<semaphore_mem>>, %arg13: memref<!tpu.dma_semaphore, #tpu.memory_space<semaphore_mem>>, %arg14: memref<!tpu.dma_semaphore, #tpu.memory_space<semaphore_mem>>) attributes {dimension_semantics = [#tpu.dimension_semantics<core_parallel>, #tpu.dimension_semantics<subcore_parallel>], iteration_bounds = array<i64: 2, 16>, scalar_prefetch = 0 : i64, scratch_operands = 9 : i64, tpu.core_type = #tpu.core_type<sc_vector_subcore>, window_params = [{transform_indices = #map}, {transform_indices = #map1}, {transform_indices = #map}, {transform_indices = #map2}]} {
    %mul3A = arith.constant 640 : i32
    %mul3A_0 = arith.muli %arg1, %mul3A : i32
    %mul3A_1 = arith.constant 640 : i32
    %mul3A_2 = arith.muli %arg1, %mul3A_1 : i32
    "tpu.region"() ({
      %run_scoped3A = tpu.sem_alloc : memref<!tpu.dma_semaphore, #tpu.memory_space<semaphore_mem>>
      %dma_start3A_110 = arith.constant 0 : i32
      %dma_start3A_111 = tpu.memref_slice %arg10[%mul3A_2, %dma_start3A_110] : memref<10240x128xf32, #tpu.memory_space<vmem_shared>> -> memref<640x128xf32, #tpu.memory_space<vmem_shared>>
      %dma_start3A_112 = arith.constant 0 : i32
      %dma_start3A_113 = tpu.memref_slice %arg4[%mul3A_0, %dma_start3A_112] : memref<10240x128xf32, #tpu.memory_space<hbm>> -> memref<640x128xf32, #tpu.memory_space<hbm>>
      tpu.enqueue_dma source(%dma_start3A_113 : memref<640x128xf32, #tpu.memory_space<hbm>>) target(%dma_start3A_111 : memref<640x128xf32, #tpu.memory_space<vmem_shared>>) target_semaphore(%run_scoped3A : memref<!tpu.dma_semaphore, #tpu.memory_space<semaphore_mem>>)
      %dma_wait3A_114 = arith.constant 0 : i32
      %dma_wait3A_115 = tpu.memref_slice %arg10[%mul3A_2, %dma_wait3A_114] : memref<10240x128xf32, #tpu.memory_space<vmem_shared>> -> memref<640x128xf32, #tpu.memory_space<vmem_shared>>
      %dma_wait3A_116 = arith.constant 0 : i32
      %dma_wait3A_117 = tpu.memref_slice %arg4[%mul3A_0, %dma_wait3A_116] : memref<10240x128xf32, #tpu.memory_space<hbm>> -> memref<640x128xf32, #tpu.memory_space<hbm>>
      tpu.wait_dma2 semaphore(%run_scoped3A : memref<!tpu.dma_semaphore, #tpu.memory_space<semaphore_mem>>) src(%dma_wait3A_117 : memref<640x128xf32, #tpu.memory_space<hbm>>) dst(%dma_wait3A_115 : memref<640x128xf32, #tpu.memory_space<vmem_shared>>)
      tpu.yield
    }) : () -> ()
    %barrier3A = arith.constant 0 : index
    tpu.barrier barrier_id(%barrier3A)
    %dma_start3A = arith.constant 0 : i32
    %dma_start3A_3 = arith.constant 0 : i32
    %dma_start3A_4 = arith.constant 0 : i32
    %dma_start3A_5 = arith.constant 0 : i32
    %dma_start3A_6 = arith.constant 0 : i32
    %dma_start3A_7 = tpu.memref_slice %arg3[%arg0, %dma_start3A_3, %dma_start3A_4, %dma_start3A_5, %dma_start3A_6] : memref<2x16x80x2x125xi32, #tpu.memory_space<hbm>> -> memref<1x16x80x2x125xi32, #tpu.memory_space<hbm>>
    %dma_start3A_8 = tpu.memref_squeeze %dma_start3A_7 : memref<1x16x80x2x125xi32, #tpu.memory_space<hbm>> -> memref<16x80x2x125xi32, #tpu.memory_space<hbm>>
    %dma_start3A_9 = arith.constant 0 : i32
    %dma_start3A_10 = arith.constant 0 : i32
    %dma_start3A_11 = arith.constant 0 : i32
    %dma_start3A_12 = tpu.memref_slice %dma_start3A_8[%arg1, %dma_start3A_9, %dma_start3A_10, %dma_start3A_11] : memref<16x80x2x125xi32, #tpu.memory_space<hbm>> -> memref<1x80x2x125xi32, #tpu.memory_space<hbm>>
    %dma_start3A_13 = tpu.memref_squeeze %dma_start3A_12 : memref<1x80x2x125xi32, #tpu.memory_space<hbm>> -> memref<80x2x125xi32, #tpu.memory_space<hbm>>
    %dma_start3A_14 = arith.constant 0 : i32
    %dma_start3A_15 = arith.constant 0 : i32
    %dma_start3A_16 = tpu.memref_slice %dma_start3A_13[%dma_start3A, %dma_start3A_14, %dma_start3A_15] : memref<80x2x125xi32, #tpu.memory_space<hbm>> -> memref<1x2x125xi32, #tpu.memory_space<hbm>>
    %dma_start3A_17 = tpu.memref_squeeze %dma_start3A_16 : memref<1x2x125xi32, #tpu.memory_space<hbm>> -> memref<2x125xi32, #tpu.memory_space<hbm>>
    %dma_start3A_18 = arith.constant 0 : i32
    %dma_start3A_19 = arith.constant 0 : i32
    %dma_start3A_20 = arith.constant 0 : i32
    %dma_start3A_21 = arith.constant 0 : i32
    %dma_start3A_22 = tpu.memref_slice %arg3[%arg0, %dma_start3A_18, %dma_start3A_19, %dma_start3A_20, %dma_start3A_21] : memref<2x16x80x2x125xi32, #tpu.memory_space<hbm>> -> memref<1x16x80x2x125xi32, #tpu.memory_space<hbm>>
    %dma_start3A_23 = tpu.memref_squeeze %dma_start3A_22 : memref<1x16x80x2x125xi32, #tpu.memory_space<hbm>> -> memref<16x80x2x125xi32, #tpu.memory_space<hbm>>
    %dma_start3A_24 = arith.constant 0 : i32
    %dma_start3A_25 = arith.constant 0 : i32
    %dma_start3A_26 = arith.constant 0 : i32
    %dma_start3A_27 = tpu.memref_slice %dma_start3A_23[%arg1, %dma_start3A_24, %dma_start3A_25, %dma_start3A_26] : memref<16x80x2x125xi32, #tpu.memory_space<hbm>> -> memref<1x80x2x125xi32, #tpu.memory_space<hbm>>
    %dma_start3A_28 = tpu.memref_squeeze %dma_start3A_27 : memref<1x80x2x125xi32, #tpu.memory_space<hbm>> -> memref<80x2x125xi32, #tpu.memory_space<hbm>>
    %dma_start3A_29 = arith.constant 0 : i32
    %dma_start3A_30 = arith.constant 0 : i32
    %dma_start3A_31 = tpu.memref_slice %dma_start3A_28[%dma_start3A, %dma_start3A_29, %dma_start3A_30] : memref<80x2x125xi32, #tpu.memory_space<hbm>> -> memref<1x2x125xi32, #tpu.memory_space<hbm>>
    %dma_start3A_32 = tpu.memref_squeeze %dma_start3A_31 : memref<1x2x125xi32, #tpu.memory_space<hbm>> -> memref<2x125xi32, #tpu.memory_space<hbm>>
    tpu.enqueue_dma source(%dma_start3A_32 : memref<2x125xi32, #tpu.memory_space<hbm>>) target(%arg6 : memref<2x125xi32, #tpu.memory_space<vmem>>) target_semaphore(%arg11 : memref<!tpu.dma_semaphore, #tpu.memory_space<semaphore_mem>>)
    %dma_start3A_33 = arith.constant 1 : i32
    %dma_start3A_34 = arith.constant 0 : i32
    %dma_start3A_35 = arith.constant 0 : i32
    %dma_start3A_36 = arith.constant 0 : i32
    %dma_start3A_37 = arith.constant 0 : i32
    %dma_start3A_38 = tpu.memref_slice %arg3[%arg0, %dma_start3A_34, %dma_start3A_35, %dma_start3A_36, %dma_start3A_37] : memref<2x16x80x2x125xi32, #tpu.memory_space<hbm>> -> memref<1x16x80x2x125xi32, #tpu.memory_space<hbm>>
    %dma_start3A_39 = tpu.memref_squeeze %dma_start3A_38 : memref<1x16x80x2x125xi32, #tpu.memory_space<hbm>> -> memref<16x80x2x125xi32, #tpu.memory_space<hbm>>
    %dma_start3A_40 = arith.constant 0 : i32
    %dma_start3A_41 = arith.constant 0 : i32
    %dma_start3A_42 = arith.constant 0 : i32
    %dma_start3A_43 = tpu.memref_slice %dma_start3A_39[%arg1, %dma_start3A_40, %dma_start3A_41, %dma_start3A_42] : memref<16x80x2x125xi32, #tpu.memory_space<hbm>> -> memref<1x80x2x125xi32, #tpu.memory_space<hbm>>
    %dma_start3A_44 = tpu.memref_squeeze %dma_start3A_43 : memref<1x80x2x125xi32, #tpu.memory_space<hbm>> -> memref<80x2x125xi32, #tpu.memory_space<hbm>>
    %dma_start3A_45 = arith.constant 0 : i32
    %dma_start3A_46 = arith.constant 0 : i32
    %dma_start3A_47 = tpu.memref_slice %dma_start3A_44[%dma_start3A_33, %dma_start3A_45, %dma_start3A_46] : memref<80x2x125xi32, #tpu.memory_space<hbm>> -> memref<1x2x125xi32, #tpu.memory_space<hbm>>
    %dma_start3A_48 = tpu.memref_squeeze %dma_start3A_47 : memref<1x2x125xi32, #tpu.memory_space<hbm>> -> memref<2x125xi32, #tpu.memory_space<hbm>>
    %dma_start3A_49 = arith.constant 0 : i32
    %dma_start3A_50 = arith.constant 0 : i32
    %dma_start3A_51 = arith.constant 0 : i32
    %dma_start3A_52 = arith.constant 0 : i32
    %dma_start3A_53 = tpu.memref_slice %arg3[%arg0, %dma_start3A_49, %dma_start3A_50, %dma_start3A_51, %dma_start3A_52] : memref<2x16x80x2x125xi32, #tpu.memory_space<hbm>> -> memref<1x16x80x2x125xi32, #tpu.memory_space<hbm>>
    %dma_start3A_54 = tpu.memref_squeeze %dma_start3A_53 : memref<1x16x80x2x125xi32, #tpu.memory_space<hbm>> -> memref<16x80x2x125xi32, #tpu.memory_space<hbm>>
    %dma_start3A_55 = arith.constant 0 : i32
    %dma_start3A_56 = arith.constant 0 : i32
    %dma_start3A_57 = arith.constant 0 : i32
    %dma_start3A_58 = tpu.memref_slice %dma_start3A_54[%arg1, %dma_start3A_55, %dma_start3A_56, %dma_start3A_57] : memref<16x80x2x125xi32, #tpu.memory_space<hbm>> -> memref<1x80x2x125xi32, #tpu.memory_space<hbm>>
    %dma_start3A_59 = tpu.memref_squeeze %dma_start3A_58 : memref<1x80x2x125xi32, #tpu.memory_space<hbm>> -> memref<80x2x125xi32, #tpu.memory_space<hbm>>
    %dma_start3A_60 = arith.constant 0 : i32
    %dma_start3A_61 = arith.constant 0 : i32
    %dma_start3A_62 = tpu.memref_slice %dma_start3A_59[%dma_start3A_33, %dma_start3A_60, %dma_start3A_61] : memref<80x2x125xi32, #tpu.memory_space<hbm>> -> memref<1x2x125xi32, #tpu.memory_space<hbm>>
    %dma_start3A_63 = tpu.memref_squeeze %dma_start3A_62 : memref<1x2x125xi32, #tpu.memory_space<hbm>> -> memref<2x125xi32, #tpu.memory_space<hbm>>
    tpu.enqueue_dma source(%dma_start3A_63 : memref<2x125xi32, #tpu.memory_space<hbm>>) target(%arg7 : memref<2x125xi32, #tpu.memory_space<vmem>>) target_semaphore(%arg12 : memref<!tpu.dma_semaphore, #tpu.memory_space<semaphore_mem>>)
    %dma_wait3A = arith.constant 0 : i32
    %dma_wait3A_64 = arith.constant 0 : i32
    %dma_wait3A_65 = arith.constant 0 : i32
    %dma_wait3A_66 = arith.constant 0 : i32
    %dma_wait3A_67 = arith.constant 0 : i32
    %dma_wait3A_68 = tpu.memref_slice %arg3[%arg0, %dma_wait3A_64, %dma_wait3A_65, %dma_wait3A_66, %dma_wait3A_67] : memref<2x16x80x2x125xi32, #tpu.memory_space<hbm>> -> memref<1x16x80x2x125xi32, #tpu.memory_space<hbm>>
    %dma_wait3A_69 = tpu.memref_squeeze %dma_wait3A_68 : memref<1x16x80x2x125xi32, #tpu.memory_space<hbm>> -> memref<16x80x2x125xi32, #tpu.memory_space<hbm>>
    %dma_wait3A_70 = arith.constant 0 : i32
    %dma_wait3A_71 = arith.constant 0 : i32
    %dma_wait3A_72 = arith.constant 0 : i32
    %dma_wait3A_73 = tpu.memref_slice %dma_wait3A_69[%arg1, %dma_wait3A_70, %dma_wait3A_71, %dma_wait3A_72] : memref<16x80x2x125xi32, #tpu.memory_space<hbm>> -> memref<1x80x2x125xi32, #tpu.memory_space<hbm>>
    %dma_wait3A_74 = tpu.memref_squeeze %dma_wait3A_73 : memref<1x80x2x125xi32, #tpu.memory_space<hbm>> -> memref<80x2x125xi32, #tpu.memory_space<hbm>>
    %dma_wait3A_75 = arith.constant 0 : i32
    %dma_wait3A_76 = arith.constant 0 : i32
    %dma_wait3A_77 = tpu.memref_slice %dma_wait3A_74[%dma_wait3A, %dma_wait3A_75, %dma_wait3A_76] : memref<80x2x125xi32, #tpu.memory_space<hbm>> -> memref<1x2x125xi32, #tpu.memory_space<hbm>>
    %dma_wait3A_78 = tpu.memref_squeeze %dma_wait3A_77 : memref<1x2x125xi32, #tpu.memory_space<hbm>> -> memref<2x125xi32, #tpu.memory_space<hbm>>
    %dma_wait3A_79 = arith.constant 0 : i32
    %dma_wait3A_80 = arith.constant 0 : i32
    %dma_wait3A_81 = arith.constant 0 : i32
    %dma_wait3A_82 = arith.constant 0 : i32
    %dma_wait3A_83 = tpu.memref_slice %arg3[%arg0, %dma_wait3A_79, %dma_wait3A_80, %dma_wait3A_81, %dma_wait3A_82] : memref<2x16x80x2x125xi32, #tpu.memory_space<hbm>> -> memref<1x16x80x2x125xi32, #tpu.memory_space<hbm>>
    %dma_wait3A_84 = tpu.memref_squeeze %dma_wait3A_83 : memref<1x16x80x2x125xi32, #tpu.memory_space<hbm>> -> memref<16x80x2x125xi32, #tpu.memory_space<hbm>>
    %dma_wait3A_85 = arith.constant 0 : i32
    %dma_wait3A_86 = arith.constant 0 : i32
    %dma_wait3A_87 = arith.constant 0 : i32
    %dma_wait3A_88 = tpu.memref_slice %dma_wait3A_84[%arg1, %dma_wait3A_85, %dma_wait3A_86, %dma_wait3A_87] : memref<16x80x2x125xi32, #tpu.memory_space<hbm>> -> memref<1x80x2x125xi32, #tpu.memory_space<hbm>>
    %dma_wait3A_89 = tpu.memref_squeeze %dma_wait3A_88 : memref<1x80x2x125xi32, #tpu.memory_space<hbm>> -> memref<80x2x125xi32, #tpu.memory_space<hbm>>
    %dma_wait3A_90 = arith.constant 0 : i32
    %dma_wait3A_91 = arith.constant 0 : i32
    %dma_wait3A_92 = tpu.memref_slice %dma_wait3A_89[%dma_wait3A, %dma_wait3A_90, %dma_wait3A_91] : memref<80x2x125xi32, #tpu.memory_space<hbm>> -> memref<1x2x125xi32, #tpu.memory_space<hbm>>
    %dma_wait3A_93 = tpu.memref_squeeze %dma_wait3A_92 : memref<1x2x125xi32, #tpu.memory_space<hbm>> -> memref<2x125xi32, #tpu.memory_space<hbm>>
    tpu.wait_dma2 semaphore(%arg11 : memref<!tpu.dma_semaphore, #tpu.memory_space<semaphore_mem>>) src(%dma_wait3A_93 : memref<2x125xi32, #tpu.memory_space<hbm>>) dst(%arg6 : memref<2x125xi32, #tpu.memory_space<vmem>>)
    %dma_start3A_94 = arith.constant 0 : i32
    %dma_start3A_95 = arith.constant 0 : i32
    %dma_start3A_96 = tpu.memref_slice %arg6[%dma_start3A_94, %dma_start3A_95] : memref<2x125xi32, #tpu.memory_space<vmem>> -> memref<1x125xi32, #tpu.memory_space<vmem>>
    %dma_start3A_97 = tpu.memref_squeeze %dma_start3A_96 : memref<1x125xi32, #tpu.memory_space<vmem>> -> memref<125xi32, #tpu.memory_space<vmem>>
    %dma_start3A_98 = arith.constant 0 : i32
    %dma_start3A_99 = arith.constant 0 : i32
    %dma_start3A_100 = tpu.memref_slice %arg2[%dma_start3A_98, %dma_start3A_99] : memref<10240x128xf32, #tpu.memory_space<hbm>> -> memref<10240x128xf32, #tpu.memory_space<hbm>>
    tpu.enqueue_indirect_dma source(%dma_start3A_100 : memref<10240x128xf32, #tpu.memory_space<hbm>>) target(%arg8 : memref<125x128xf32, #tpu.memory_space<vmem>>) offsets(%dma_start3A_97 : memref<125xi32, #tpu.memory_space<vmem>>) semaphore(%arg13 : memref<!tpu.dma_semaphore, #tpu.memory_space<semaphore_mem>>)
    %scan3A = arith.constant 0 : i32
    %scan3A_101 = arith.constant 40 : i32
    %scan3A_102 = arith.addi %scan3A, %scan3A_101 : i32
    %scan3A_103 = arith.constant 1 : i32
    scf.for %scan3A_110 = %scan3A to %scan3A_102 step %scan3A_103  : i32 {
      %mul3A_111 = arith.constant 2 : i32
      %mul3A_112 = arith.muli %mul3A_111, %scan3A_110 : i32
      %add3A = arith.constant 0 : i32
      %add3A_113 = arith.addi %mul3A_112, %add3A : i32
      %add3A_114 = arith.constant 1 : i32
      %add3A_115 = arith.addi %add3A_113, %add3A_114 : i32
      %lt3A = arith.constant 80 : i32
      %lt3A_116 = arith.cmpi slt, %add3A_115, %lt3A : i32
      %convert_element_type3A = arith.extui %lt3A_116 : i1 to i32
      %cond3A = arith.constant 0 : i32
      %cond3A_117 = arith.cmpi ne, %convert_element_type3A, %cond3A : i32
      scf.if %cond3A_117 {
        %add3A_158 = arith.constant 1 : i32
        %add3A_159 = arith.addi %add3A_113, %add3A_158 : i32
        %dma_wait3A_160 = arith.constant 0 : i32
        %dma_wait3A_161 = arith.constant 0 : i32
        %dma_wait3A_162 = arith.constant 0 : i32
        %dma_wait3A_163 = arith.constant 0 : i32
        %dma_wait3A_164 = tpu.memref_slice %arg3[%arg0, %dma_wait3A_160, %dma_wait3A_161, %dma_wait3A_162, %dma_wait3A_163] : memref<2x16x80x2x125xi32, #tpu.memory_space<hbm>> -> memref<1x16x80x2x125xi32, #tpu.memory_space<hbm>>
        %dma_wait3A_165 = tpu.memref_squeeze %dma_wait3A_164 : memref<1x16x80x2x125xi32, #tpu.memory_space<hbm>> -> memref<16x80x2x125xi32, #tpu.memory_space<hbm>>
        %dma_wait3A_166 = arith.constant 0 : i32
        %dma_wait3A_167 = arith.constant 0 : i32
        %dma_wait3A_168 = arith.constant 0 : i32
        %dma_wait3A_169 = tpu.memref_slice %dma_wait3A_165[%arg1, %dma_wait3A_166, %dma_wait3A_167, %dma_wait3A_168] : memref<16x80x2x125xi32, #tpu.memory_space<hbm>> -> memref<1x80x2x125xi32, #tpu.memory_space<hbm>>
        %dma_wait3A_170 = tpu.memref_squeeze %dma_wait3A_169 : memref<1x80x2x125xi32, #tpu.memory_space<hbm>> -> memref<80x2x125xi32, #tpu.memory_space<hbm>>
        %dma_wait3A_171 = arith.constant 0 : i32
        %dma_wait3A_172 = arith.constant 0 : i32
        %dma_wait3A_173 = tpu.memref_slice %dma_wait3A_170[%add3A_159, %dma_wait3A_171, %dma_wait3A_172] : memref<80x2x125xi32, #tpu.memory_space<hbm>> -> memref<1x2x125xi32, #tpu.memory_space<hbm>>
        %dma_wait3A_174 = tpu.memref_squeeze %dma_wait3A_173 : memref<1x2x125xi32, #tpu.memory_space<hbm>> -> memref<2x125xi32, #tpu.memory_space<hbm>>
        %dma_wait3A_175 = arith.constant 0 : i32
        %dma_wait3A_176 = arith.constant 0 : i32
        %dma_wait3A_177 = arith.constant 0 : i32
        %dma_wait3A_178 = arith.constant 0 : i32
        %dma_wait3A_179 = tpu.memref_slice %arg3[%arg0, %dma_wait3A_175, %dma_wait3A_176, %dma_wait3A_177, %dma_wait3A_178] : memref<2x16x80x2x125xi32, #tpu.memory_space<hbm>> -> memref<1x16x80x2x125xi32, #tpu.memory_space<hbm>>
        %dma_wait3A_180 = tpu.memref_squeeze %dma_wait3A_179 : memref<1x16x80x2x125xi32, #tpu.memory_space<hbm>> -> memref<16x80x2x125xi32, #tpu.memory_space<hbm>>
        %dma_wait3A_181 = arith.constant 0 : i32
        %dma_wait3A_182 = arith.constant 0 : i32
        %dma_wait3A_183 = arith.constant 0 : i32
        %dma_wait3A_184 = tpu.memref_slice %dma_wait3A_180[%arg1, %dma_wait3A_181, %dma_wait3A_182, %dma_wait3A_183] : memref<16x80x2x125xi32, #tpu.memory_space<hbm>> -> memref<1x80x2x125xi32, #tpu.memory_space<hbm>>
        %dma_wait3A_185 = tpu.memref_squeeze %dma_wait3A_184 : memref<1x80x2x125xi32, #tpu.memory_space<hbm>> -> memref<80x2x125xi32, #tpu.memory_space<hbm>>
        %dma_wait3A_186 = arith.constant 0 : i32
        %dma_wait3A_187 = arith.constant 0 : i32
        %dma_wait3A_188 = tpu.memref_slice %dma_wait3A_185[%add3A_159, %dma_wait3A_186, %dma_wait3A_187] : memref<80x2x125xi32, #tpu.memory_space<hbm>> -> memref<1x2x125xi32, #tpu.memory_space<hbm>>
        %dma_wait3A_189 = tpu.memref_squeeze %dma_wait3A_188 : memref<1x2x125xi32, #tpu.memory_space<hbm>> -> memref<2x125xi32, #tpu.memory_space<hbm>>
        tpu.wait_dma2 semaphore(%arg12 : memref<!tpu.dma_semaphore, #tpu.memory_space<semaphore_mem>>) src(%dma_wait3A_189 : memref<2x125xi32, #tpu.memory_space<hbm>>) dst(%arg7 : memref<2x125xi32, #tpu.memory_space<vmem>>)
        %dma_start3A_190 = arith.constant 0 : i32
        %dma_start3A_191 = arith.constant 0 : i32
        %dma_start3A_192 = tpu.memref_slice %arg7[%dma_start3A_190, %dma_start3A_191] : memref<2x125xi32, #tpu.memory_space<vmem>> -> memref<1x125xi32, #tpu.memory_space<vmem>>
        %dma_start3A_193 = tpu.memref_squeeze %dma_start3A_192 : memref<1x125xi32, #tpu.memory_space<vmem>> -> memref<125xi32, #tpu.memory_space<vmem>>
        %dma_start3A_194 = arith.constant 0 : i32
        %dma_start3A_195 = arith.constant 0 : i32
        %dma_start3A_196 = tpu.memref_slice %arg2[%dma_start3A_194, %dma_start3A_195] : memref<10240x128xf32, #tpu.memory_space<hbm>> -> memref<10240x128xf32, #tpu.memory_space<hbm>>
        tpu.enqueue_indirect_dma source(%dma_start3A_196 : memref<10240x128xf32, #tpu.memory_space<hbm>>) target(%arg9 : memref<125x128xf32, #tpu.memory_space<vmem>>) offsets(%dma_start3A_193 : memref<125xi32, #tpu.memory_space<vmem>>) semaphore(%arg14 : memref<!tpu.dma_semaphore, #tpu.memory_space<semaphore_mem>>)
      } else {
      }
      %dma_wait3A_118 = arith.constant 0 : i32
      %dma_wait3A_119 = arith.constant 0 : i32
      %dma_wait3A_120 = tpu.memref_slice %arg6[%dma_wait3A_118, %dma_wait3A_119] : memref<2x125xi32, #tpu.memory_space<vmem>> -> memref<1x125xi32, #tpu.memory_space<vmem>>
      %dma_wait3A_121 = tpu.memref_squeeze %dma_wait3A_120 : memref<1x125xi32, #tpu.memory_space<vmem>> -> memref<125xi32, #tpu.memory_space<vmem>>
      %dma_wait3A_122 = arith.constant 0 : i32
      %dma_wait3A_123 = arith.constant 0 : i32
      %dma_wait3A_124 = tpu.memref_slice %arg2[%dma_wait3A_122, %dma_wait3A_123] : memref<10240x128xf32, #tpu.memory_space<hbm>> -> memref<10240x128xf32, #tpu.memory_space<hbm>>
      tpu.wait_indirect_dma semaphore(%arg13 : memref<!tpu.dma_semaphore, #tpu.memory_space<semaphore_mem>>) src(%dma_wait3A_124 : memref<10240x128xf32, #tpu.memory_space<hbm>>) dst(%arg8 : memref<125x128xf32, #tpu.memory_space<vmem>>)
      %run_scoped3A = arith.constant 1 : i32
      "tpu.region"() ({
        %run_scoped3A_158 = tpu.sem_alloc : memref<!tpu.dma_semaphore, #tpu.memory_space<semaphore_mem>>
        %dma_start3A_159 = arith.constant 0 : i32
        %dma_start3A_160 = tpu.memref_slice %arg6[%run_scoped3A, %dma_start3A_159] : memref<2x125xi32, #tpu.memory_space<vmem>> -> memref<1x125xi32, #tpu.memory_space<vmem>>
        %dma_start3A_161 = tpu.memref_squeeze %dma_start3A_160 : memref<1x125xi32, #tpu.memory_space<vmem>> -> memref<125xi32, #tpu.memory_space<vmem>>
        %dma_start3A_162 = arith.constant 0 : i32
        %dma_start3A_163 = arith.constant 0 : i32
        %dma_start3A_164 = tpu.memref_slice %arg10[%dma_start3A_162, %dma_start3A_163] : memref<10240x128xf32, #tpu.memory_space<vmem_shared>> -> memref<10240x128xf32, #tpu.memory_space<vmem_shared>>
        tpu.enqueue_indirect_dma source(%arg8 : memref<125x128xf32, #tpu.memory_space<vmem>>) target(%dma_start3A_164 : memref<10240x128xf32, #tpu.memory_space<vmem_shared>>) offsets(%dma_start3A_161 : memref<125xi32, #tpu.memory_space<vmem>>) semaphore(%run_scoped3A_158 : memref<!tpu.dma_semaphore, #tpu.memory_space<semaphore_mem>>) {add = true}
        %dma_wait3A_165 = arith.constant 0 : i32
        %dma_wait3A_166 = tpu.memref_slice %arg6[%run_scoped3A, %dma_wait3A_165] : memref<2x125xi32, #tpu.memory_space<vmem>> -> memref<1x125xi32, #tpu.memory_space<vmem>>
        %dma_wait3A_167 = tpu.memref_squeeze %dma_wait3A_166 : memref<1x125xi32, #tpu.memory_space<vmem>> -> memref<125xi32, #tpu.memory_space<vmem>>
        %dma_wait3A_168 = arith.constant 0 : i32
        %dma_wait3A_169 = arith.constant 0 : i32
        %dma_wait3A_170 = tpu.memref_slice %arg10[%dma_wait3A_168, %dma_wait3A_169] : memref<10240x128xf32, #tpu.memory_space<vmem_shared>> -> memref<10240x128xf32, #tpu.memory_space<vmem_shared>>
        tpu.wait_indirect_dma semaphore(%run_scoped3A_158 : memref<!tpu.dma_semaphore, #tpu.memory_space<semaphore_mem>>) src(%arg8 : memref<125x128xf32, #tpu.memory_space<vmem>>) dst(%dma_wait3A_170 : memref<10240x128xf32, #tpu.memory_space<vmem_shared>>)
        tpu.yield
      }) : () -> ()
      %add3A_125 = arith.constant 2 : i32
      %add3A_126 = arith.addi %add3A_113, %add3A_125 : i32
      %lt3A_127 = arith.constant 80 : i32
      %lt3A_128 = arith.cmpi slt, %add3A_126, %lt3A_127 : i32
      %convert_element_type3A_129 = arith.extui %lt3A_128 : i1 to i32
      %cond3A_130 = arith.constant 0 : i32
      %cond3A_131 = arith.cmpi ne, %convert_element_type3A_129, %cond3A_130 : i32
      scf.if %cond3A_131 {
        %add3A_158 = arith.constant 2 : i32
        %add3A_159 = arith.addi %add3A_113, %add3A_158 : i32
        %dma_start3A_160 = arith.constant 0 : i32
        %dma_start3A_161 = arith.constant 0 : i32
        %dma_start3A_162 = arith.constant 0 : i32
        %dma_start3A_163 = arith.constant 0 : i32
        %dma_start3A_164 = tpu.memref_slice %arg3[%arg0, %dma_start3A_160, %dma_start3A_161, %dma_start3A_162, %dma_start3A_163] : memref<2x16x80x2x125xi32, #tpu.memory_space<hbm>> -> memref<1x16x80x2x125xi32, #tpu.memory_space<hbm>>
        %dma_start3A_165 = tpu.memref_squeeze %dma_start3A_164 : memref<1x16x80x2x125xi32, #tpu.memory_space<hbm>> -> memref<16x80x2x125xi32, #tpu.memory_space<hbm>>
        %dma_start3A_166 = arith.constant 0 : i32
        %dma_start3A_167 = arith.constant 0 : i32
        %dma_start3A_168 = arith.constant 0 : i32
        %dma_start3A_169 = tpu.memref_slice %dma_start3A_165[%arg1, %dma_start3A_166, %dma_start3A_167, %dma_start3A_168] : memref<16x80x2x125xi32, #tpu.memory_space<hbm>> -> memref<1x80x2x125xi32, #tpu.memory_space<hbm>>
        %dma_start3A_170 = tpu.memref_squeeze %dma_start3A_169 : memref<1x80x2x125xi32, #tpu.memory_space<hbm>> -> memref<80x2x125xi32, #tpu.memory_space<hbm>>
        %dma_start3A_171 = arith.constant 0 : i32
        %dma_start3A_172 = arith.constant 0 : i32
        %dma_start3A_173 = tpu.memref_slice %dma_start3A_170[%add3A_159, %dma_start3A_171, %dma_start3A_172] : memref<80x2x125xi32, #tpu.memory_space<hbm>> -> memref<1x2x125xi32, #tpu.memory_space<hbm>>
        %dma_start3A_174 = tpu.memref_squeeze %dma_start3A_173 : memref<1x2x125xi32, #tpu.memory_space<hbm>> -> memref<2x125xi32, #tpu.memory_space<hbm>>
        %dma_start3A_175 = arith.constant 0 : i32
        %dma_start3A_176 = arith.constant 0 : i32
        %dma_start3A_177 = arith.constant 0 : i32
        %dma_start3A_178 = arith.constant 0 : i32
        %dma_start3A_179 = tpu.memref_slice %arg3[%arg0, %dma_start3A_175, %dma_start3A_176, %dma_start3A_177, %dma_start3A_178] : memref<2x16x80x2x125xi32, #tpu.memory_space<hbm>> -> memref<1x16x80x2x125xi32, #tpu.memory_space<hbm>>
        %dma_start3A_180 = tpu.memref_squeeze %dma_start3A_179 : memref<1x16x80x2x125xi32, #tpu.memory_space<hbm>> -> memref<16x80x2x125xi32, #tpu.memory_space<hbm>>
        %dma_start3A_181 = arith.constant 0 : i32
        %dma_start3A_182 = arith.constant 0 : i32
        %dma_start3A_183 = arith.constant 0 : i32
        %dma_start3A_184 = tpu.memref_slice %dma_start3A_180[%arg1, %dma_start3A_181, %dma_start3A_182, %dma_start3A_183] : memref<16x80x2x125xi32, #tpu.memory_space<hbm>> -> memref<1x80x2x125xi32, #tpu.memory_space<hbm>>
        %dma_start3A_185 = tpu.memref_squeeze %dma_start3A_184 : memref<1x80x2x125xi32, #tpu.memory_space<hbm>> -> memref<80x2x125xi32, #tpu.memory_space<hbm>>
        %dma_start3A_186 = arith.constant 0 : i32
        %dma_start3A_187 = arith.constant 0 : i32
        %dma_start3A_188 = tpu.memref_slice %dma_start3A_185[%add3A_159, %dma_start3A_186, %dma_start3A_187] : memref<80x2x125xi32, #tpu.memory_space<hbm>> -> memref<1x2x125xi32, #tpu.memory_space<hbm>>
        %dma_start3A_189 = tpu.memref_squeeze %dma_start3A_188 : memref<1x2x125xi32, #tpu.memory_space<hbm>> -> memref<2x125xi32, #tpu.memory_space<hbm>>
        tpu.enqueue_dma source(%dma_start3A_189 : memref<2x125xi32, #tpu.memory_space<hbm>>) target(%arg6 : memref<2x125xi32, #tpu.memory_space<vmem>>) target_semaphore(%arg11 : memref<!tpu.dma_semaphore, #tpu.memory_space<semaphore_mem>>)
      } else {
      }
      %mul3A_132 = arith.constant 2 : i32
      %mul3A_133 = arith.muli %mul3A_132, %scan3A_110 : i32
      %add3A_134 = arith.constant 1 : i32
      %add3A_135 = arith.addi %mul3A_133, %add3A_134 : i32
      %add3A_136 = arith.constant 1 : i32
      %add3A_137 = arith.addi %add3A_135, %add3A_136 : i32
      %lt3A_138 = arith.constant 80 : i32
      %lt3A_139 = arith.cmpi slt, %add3A_137, %lt3A_138 : i32
      %convert_element_type3A_140 = arith.extui %lt3A_139 : i1 to i32
      %cond3A_141 = arith.constant 0 : i32
      %cond3A_142 = arith.cmpi ne, %convert_element_type3A_140, %cond3A_141 : i32
      scf.if %cond3A_142 {
        %add3A_158 = arith.constant 1 : i32
        %add3A_159 = arith.addi %add3A_135, %add3A_158 : i32
        %dma_wait3A_160 = arith.constant 0 : i32
        %dma_wait3A_161 = arith.constant 0 : i32
        %dma_wait3A_162 = arith.constant 0 : i32
        %dma_wait3A_163 = arith.constant 0 : i32
        %dma_wait3A_164 = tpu.memref_slice %arg3[%arg0, %dma_wait3A_160, %dma_wait3A_161, %dma_wait3A_162, %dma_wait3A_163] : memref<2x16x80x2x125xi32, #tpu.memory_space<hbm>> -> memref<1x16x80x2x125xi32, #tpu.memory_space<hbm>>
        %dma_wait3A_165 = tpu.memref_squeeze %dma_wait3A_164 : memref<1x16x80x2x125xi32, #tpu.memory_space<hbm>> -> memref<16x80x2x125xi32, #tpu.memory_space<hbm>>
        %dma_wait3A_166 = arith.constant 0 : i32
        %dma_wait3A_167 = arith.constant 0 : i32
        %dma_wait3A_168 = arith.constant 0 : i32
        %dma_wait3A_169 = tpu.memref_slice %dma_wait3A_165[%arg1, %dma_wait3A_166, %dma_wait3A_167, %dma_wait3A_168] : memref<16x80x2x125xi32, #tpu.memory_space<hbm>> -> memref<1x80x2x125xi32, #tpu.memory_space<hbm>>
        %dma_wait3A_170 = tpu.memref_squeeze %dma_wait3A_169 : memref<1x80x2x125xi32, #tpu.memory_space<hbm>> -> memref<80x2x125xi32, #tpu.memory_space<hbm>>
        %dma_wait3A_171 = arith.constant 0 : i32
        %dma_wait3A_172 = arith.constant 0 : i32
        %dma_wait3A_173 = tpu.memref_slice %dma_wait3A_170[%add3A_159, %dma_wait3A_171, %dma_wait3A_172] : memref<80x2x125xi32, #tpu.memory_space<hbm>> -> memref<1x2x125xi32, #tpu.memory_space<hbm>>
        %dma_wait3A_174 = tpu.memref_squeeze %dma_wait3A_173 : memref<1x2x125xi32, #tpu.memory_space<hbm>> -> memref<2x125xi32, #tpu.memory_space<hbm>>
        %dma_wait3A_175 = arith.constant 0 : i32
        %dma_wait3A_176 = arith.constant 0 : i32
        %dma_wait3A_177 = arith.constant 0 : i32
        %dma_wait3A_178 = arith.constant 0 : i32
        %dma_wait3A_179 = tpu.memref_slice %arg3[%arg0, %dma_wait3A_175, %dma_wait3A_176, %dma_wait3A_177, %dma_wait3A_178] : memref<2x16x80x2x125xi32, #tpu.memory_space<hbm>> -> memref<1x16x80x2x125xi32, #tpu.memory_space<hbm>>
        %dma_wait3A_180 = tpu.memref_squeeze %dma_wait3A_179 : memref<1x16x80x2x125xi32, #tpu.memory_space<hbm>> -> memref<16x80x2x125xi32, #tpu.memory_space<hbm>>
        %dma_wait3A_181 = arith.constant 0 : i32
        %dma_wait3A_182 = arith.constant 0 : i32
        %dma_wait3A_183 = arith.constant 0 : i32
        %dma_wait3A_184 = tpu.memref_slice %dma_wait3A_180[%arg1, %dma_wait3A_181, %dma_wait3A_182, %dma_wait3A_183] : memref<16x80x2x125xi32, #tpu.memory_space<hbm>> -> memref<1x80x2x125xi32, #tpu.memory_space<hbm>>
        %dma_wait3A_185 = tpu.memref_squeeze %dma_wait3A_184 : memref<1x80x2x125xi32, #tpu.memory_space<hbm>> -> memref<80x2x125xi32, #tpu.memory_space<hbm>>
        %dma_wait3A_186 = arith.constant 0 : i32
        %dma_wait3A_187 = arith.constant 0 : i32
        %dma_wait3A_188 = tpu.memref_slice %dma_wait3A_185[%add3A_159, %dma_wait3A_186, %dma_wait3A_187] : memref<80x2x125xi32, #tpu.memory_space<hbm>> -> memref<1x2x125xi32, #tpu.memory_space<hbm>>
        %dma_wait3A_189 = tpu.memref_squeeze %dma_wait3A_188 : memref<1x2x125xi32, #tpu.memory_space<hbm>> -> memref<2x125xi32, #tpu.memory_space<hbm>>
        tpu.wait_dma2 semaphore(%arg11 : memref<!tpu.dma_semaphore, #tpu.memory_space<semaphore_mem>>) src(%dma_wait3A_189 : memref<2x125xi32, #tpu.memory_space<hbm>>) dst(%arg6 : memref<2x125xi32, #tpu.memory_space<vmem>>)
        %dma_start3A_190 = arith.constant 0 : i32
        %dma_start3A_191 = arith.constant 0 : i32
        %dma_start3A_192 = tpu.memref_slice %arg6[%dma_start3A_190, %dma_start3A_191] : memref<2x125xi32, #tpu.memory_space<vmem>> -> memref<1x125xi32, #tpu.memory_space<vmem>>
        %dma_start3A_193 = tpu.memref_squeeze %dma_start3A_192 : memref<1x125xi32, #tpu.memory_space<vmem>> -> memref<125xi32, #tpu.memory_space<vmem>>
        %dma_start3A_194 = arith.constant 0 : i32
        %dma_start3A_195 = arith.constant 0 : i32
        %dma_start3A_196 = tpu.memref_slice %arg2[%dma_start3A_194, %dma_start3A_195] : memref<10240x128xf32, #tpu.memory_space<hbm>> -> memref<10240x128xf32, #tpu.memory_space<hbm>>
        tpu.enqueue_indirect_dma source(%dma_start3A_196 : memref<10240x128xf32, #tpu.memory_space<hbm>>) target(%arg8 : memref<125x128xf32, #tpu.memory_space<vmem>>) offsets(%dma_start3A_193 : memref<125xi32, #tpu.memory_space<vmem>>) semaphore(%arg13 : memref<!tpu.dma_semaphore, #tpu.memory_space<semaphore_mem>>)
      } else {
      }
      %dma_wait3A_143 = arith.constant 0 : i32
      %dma_wait3A_144 = arith.constant 0 : i32
      %dma_wait3A_145 = tpu.memref_slice %arg7[%dma_wait3A_143, %dma_wait3A_144] : memref<2x125xi32, #tpu.memory_space<vmem>> -> memref<1x125xi32, #tpu.memory_space<vmem>>
      %dma_wait3A_146 = tpu.memref_squeeze %dma_wait3A_145 : memref<1x125xi32, #tpu.memory_space<vmem>> -> memref<125xi32, #tpu.memory_space<vmem>>
      %dma_wait3A_147 = arith.constant 0 : i32
      %dma_wait3A_148 = arith.constant 0 : i32
      %dma_wait3A_149 = tpu.memref_slice %arg2[%dma_wait3A_147, %dma_wait3A_148] : memref<10240x128xf32, #tpu.memory_space<hbm>> -> memref<10240x128xf32, #tpu.memory_space<hbm>>
      tpu.wait_indirect_dma semaphore(%arg14 : memref<!tpu.dma_semaphore, #tpu.memory_space<semaphore_mem>>) src(%dma_wait3A_149 : memref<10240x128xf32, #tpu.memory_space<hbm>>) dst(%arg9 : memref<125x128xf32, #tpu.memory_space<vmem>>)
      %run_scoped3A_150 = arith.constant 1 : i32
      "tpu.region"() ({
        %run_scoped3A_158 = tpu.sem_alloc : memref<!tpu.dma_semaphore, #tpu.memory_space<semaphore_mem>>
        %dma_start3A_159 = arith.constant 0 : i32
        %dma_start3A_160 = tpu.memref_slice %arg7[%run_scoped3A_150, %dma_start3A_159] : memref<2x125xi32, #tpu.memory_space<vmem>> -> memref<1x125xi32, #tpu.memory_space<vmem>>
        %dma_start3A_161 = tpu.memref_squeeze %dma_start3A_160 : memref<1x125xi32, #tpu.memory_space<vmem>> -> memref<125xi32, #tpu.memory_space<vmem>>
        %dma_start3A_162 = arith.constant 0 : i32
        %dma_start3A_163 = arith.constant 0 : i32
        %dma_start3A_164 = tpu.memref_slice %arg10[%dma_start3A_162, %dma_start3A_163] : memref<10240x128xf32, #tpu.memory_space<vmem_shared>> -> memref<10240x128xf32, #tpu.memory_space<vmem_shared>>
        tpu.enqueue_indirect_dma source(%arg9 : memref<125x128xf32, #tpu.memory_space<vmem>>) target(%dma_start3A_164 : memref<10240x128xf32, #tpu.memory_space<vmem_shared>>) offsets(%dma_start3A_161 : memref<125xi32, #tpu.memory_space<vmem>>) semaphore(%run_scoped3A_158 : memref<!tpu.dma_semaphore, #tpu.memory_space<semaphore_mem>>) {add = true}
        %dma_wait3A_165 = arith.constant 0 : i32
        %dma_wait3A_166 = tpu.memref_slice %arg7[%run_scoped3A_150, %dma_wait3A_165] : memref<2x125xi32, #tpu.memory_space<vmem>> -> memref<1x125xi32, #tpu.memory_space<vmem>>
        %dma_wait3A_167 = tpu.memref_squeeze %dma_wait3A_166 : memref<1x125xi32, #tpu.memory_space<vmem>> -> memref<125xi32, #tpu.memory_space<vmem>>
        %dma_wait3A_168 = arith.constant 0 : i32
        %dma_wait3A_169 = arith.constant 0 : i32
        %dma_wait3A_170 = tpu.memref_slice %arg10[%dma_wait3A_168, %dma_wait3A_169] : memref<10240x128xf32, #tpu.memory_space<vmem_shared>> -> memref<10240x128xf32, #tpu.memory_space<vmem_shared>>
        tpu.wait_indirect_dma semaphore(%run_scoped3A_158 : memref<!tpu.dma_semaphore, #tpu.memory_space<semaphore_mem>>) src(%arg9 : memref<125x128xf32, #tpu.memory_space<vmem>>) dst(%dma_wait3A_170 : memref<10240x128xf32, #tpu.memory_space<vmem_shared>>)
        tpu.yield
      }) : () -> ()
      %add3A_151 = arith.constant 2 : i32
      %add3A_152 = arith.addi %add3A_135, %add3A_151 : i32
      %lt3A_153 = arith.constant 80 : i32
      %lt3A_154 = arith.cmpi slt, %add3A_152, %lt3A_153 : i32
      %convert_element_type3A_155 = arith.extui %lt3A_154 : i1 to i32
      %cond3A_156 = arith.constant 0 : i32
      %cond3A_157 = arith.cmpi ne, %convert_element_type3A_155, %cond3A_156 : i32
      scf.if %cond3A_157 {
        %add3A_158 = arith.constant 2 : i32
        %add3A_159 = arith.addi %add3A_135, %add3A_158 : i32
        %dma_start3A_160 = arith.constant 0 : i32
        %dma_start3A_161 = arith.constant 0 : i32
        %dma_start3A_162 = arith.constant 0 : i32
        %dma_start3A_163 = arith.constant 0 : i32
        %dma_start3A_164 = tpu.memref_slice %arg3[%arg0, %dma_start3A_160, %dma_start3A_161, %dma_start3A_162, %dma_start3A_163] : memref<2x16x80x2x125xi32, #tpu.memory_space<hbm>> -> memref<1x16x80x2x125xi32, #tpu.memory_space<hbm>>
        %dma_start3A_165 = tpu.memref_squeeze %dma_start3A_164 : memref<1x16x80x2x125xi32, #tpu.memory_space<hbm>> -> memref<16x80x2x125xi32, #tpu.memory_space<hbm>>
        %dma_start3A_166 = arith.constant 0 : i32
        %dma_start3A_167 = arith.constant 0 : i32
        %dma_start3A_168 = arith.constant 0 : i32
        %dma_start3A_169 = tpu.memref_slice %dma_start3A_165[%arg1, %dma_start3A_166, %dma_start3A_167, %dma_start3A_168] : memref<16x80x2x125xi32, #tpu.memory_space<hbm>> -> memref<1x80x2x125xi32, #tpu.memory_space<hbm>>
        %dma_start3A_170 = tpu.memref_squeeze %dma_start3A_169 : memref<1x80x2x125xi32, #tpu.memory_space<hbm>> -> memref<80x2x125xi32, #tpu.memory_space<hbm>>
        %dma_start3A_171 = arith.constant 0 : i32
        %dma_start3A_172 = arith.constant 0 : i32
        %dma_start3A_173 = tpu.memref_slice %dma_start3A_170[%add3A_159, %dma_start3A_171, %dma_start3A_172] : memref<80x2x125xi32, #tpu.memory_space<hbm>> -> memref<1x2x125xi32, #tpu.memory_space<hbm>>
        %dma_start3A_174 = tpu.memref_squeeze %dma_start3A_173 : memref<1x2x125xi32, #tpu.memory_space<hbm>> -> memref<2x125xi32, #tpu.memory_space<hbm>>
        %dma_start3A_175 = arith.constant 0 : i32
        %dma_start3A_176 = arith.constant 0 : i32
        %dma_start3A_177 = arith.constant 0 : i32
        %dma_start3A_178 = arith.constant 0 : i32
        %dma_start3A_179 = tpu.memref_slice %arg3[%arg0, %dma_start3A_175, %dma_start3A_176, %dma_start3A_177, %dma_start3A_178] : memref<2x16x80x2x125xi32, #tpu.memory_space<hbm>> -> memref<1x16x80x2x125xi32, #tpu.memory_space<hbm>>
        %dma_start3A_180 = tpu.memref_squeeze %dma_start3A_179 : memref<1x16x80x2x125xi32, #tpu.memory_space<hbm>> -> memref<16x80x2x125xi32, #tpu.memory_space<hbm>>
        %dma_start3A_181 = arith.constant 0 : i32
        %dma_start3A_182 = arith.constant 0 : i32
        %dma_start3A_183 = arith.constant 0 : i32
        %dma_start3A_184 = tpu.memref_slice %dma_start3A_180[%arg1, %dma_start3A_181, %dma_start3A_182, %dma_start3A_183] : memref<16x80x2x125xi32, #tpu.memory_space<hbm>> -> memref<1x80x2x125xi32, #tpu.memory_space<hbm>>
        %dma_start3A_185 = tpu.memref_squeeze %dma_start3A_184 : memref<1x80x2x125xi32, #tpu.memory_space<hbm>> -> memref<80x2x125xi32, #tpu.memory_space<hbm>>
        %dma_start3A_186 = arith.constant 0 : i32
        %dma_start3A_187 = arith.constant 0 : i32
        %dma_start3A_188 = tpu.memref_slice %dma_start3A_185[%add3A_159, %dma_start3A_186, %dma_start3A_187] : memref<80x2x125xi32, #tpu.memory_space<hbm>> -> memref<1x2x125xi32, #tpu.memory_space<hbm>>
        %dma_start3A_189 = tpu.memref_squeeze %dma_start3A_188 : memref<1x2x125xi32, #tpu.memory_space<hbm>> -> memref<2x125xi32, #tpu.memory_space<hbm>>
        tpu.enqueue_dma source(%dma_start3A_189 : memref<2x125xi32, #tpu.memory_space<hbm>>) target(%arg7 : memref<2x125xi32, #tpu.memory_space<vmem>>) target_semaphore(%arg12 : memref<!tpu.dma_semaphore, #tpu.memory_space<semaphore_mem>>)
      } else {
      }
    }
    %scan3A_104 = arith.constant 40 : i32
    %barrier3A_105 = arith.constant 0 : index
    tpu.barrier barrier_id(%barrier3A_105)
    %mul3A_106 = arith.constant 640 : i32
    %mul3A_107 = arith.muli %arg1, %mul3A_106 : i32
    %mul3A_108 = arith.constant 640 : i32
    %mul3A_109 = arith.muli %arg1, %mul3A_108 : i32
    "tpu.region"() ({
      %run_scoped3A = tpu.sem_alloc : memref<!tpu.dma_semaphore, #tpu.memory_space<semaphore_mem>>
      %dma_start3A_110 = arith.constant 0 : i32
      %dma_start3A_111 = tpu.memref_slice %arg5[%arg0, %mul3A_109, %dma_start3A_110] : memref<2x10240x128xf32, #tpu.memory_space<hbm>> -> memref<1x640x128xf32, #tpu.memory_space<hbm>>
      %dma_start3A_112 = tpu.memref_squeeze %dma_start3A_111 : memref<1x640x128xf32, #tpu.memory_space<hbm>> -> memref<640x128xf32, #tpu.memory_space<hbm>>
      %dma_start3A_113 = arith.constant 0 : i32
      %dma_start3A_114 = tpu.memref_slice %arg10[%mul3A_107, %dma_start3A_113] : memref<10240x128xf32, #tpu.memory_space<vmem_shared>> -> memref<640x128xf32, #tpu.memory_space<vmem_shared>>
      tpu.enqueue_dma source(%dma_start3A_114 : memref<640x128xf32, #tpu.memory_space<vmem_shared>>) target(%dma_start3A_112 : memref<640x128xf32, #tpu.memory_space<hbm>>) target_semaphore(%run_scoped3A : memref<!tpu.dma_semaphore, #tpu.memory_space<semaphore_mem>>)
      %dma_wait3A_115 = arith.constant 0 : i32
      %dma_wait3A_116 = tpu.memref_slice %arg5[%arg0, %mul3A_109, %dma_wait3A_115] : memref<2x10240x128xf32, #tpu.memory_space<hbm>> -> memref<1x640x128xf32, #tpu.memory_space<hbm>>
      %dma_wait3A_117 = tpu.memref_squeeze %dma_wait3A_116 : memref<1x640x128xf32, #tpu.memory_space<hbm>> -> memref<640x128xf32, #tpu.memory_space<hbm>>
      %dma_wait3A_118 = arith.constant 0 : i32
      %dma_wait3A_119 = tpu.memref_slice %arg10[%mul3A_107, %dma_wait3A_118] : memref<10240x128xf32, #tpu.memory_space<vmem_shared>> -> memref<640x128xf32, #tpu.memory_space<vmem_shared>>
      tpu.wait_dma2 semaphore(%run_scoped3A : memref<!tpu.dma_semaphore, #tpu.memory_space<semaphore_mem>>) src(%dma_wait3A_119 : memref<640x128xf32, #tpu.memory_space<vmem_shared>>) dst(%dma_wait3A_117 : memref<640x128xf32, #tpu.memory_space<hbm>>)
      tpu.yield
    }) : () -> ()
    return
  }
}

#map = affine_map<(d0, d1) -> (0, 0)>
#map1 = affine_map<(d0, d1) -> (0, 0, 0, 0, 0)>
#map2 = affine_map<(d0, d1) -> (0, 0, 0)>
module attributes {stable_mosaic.version = 14 : i64} {
  func.func @_sc_segsum(%arg0: i32, %arg1: i32, %arg2: memref<10240x128xf32, #tpu.memory_space<hbm>>, %arg3: memref<2x16x80x2x125xi32, #tpu.memory_space<hbm>>, %arg4: memref<10240x128xf32, #tpu.memory_space<hbm>>, %arg5: memref<2x10240x128xf32, #tpu.memory_space<hbm>>, %arg6: memref<2x125xi32, #tpu.memory_space<vmem>>, %arg7: memref<2x125xi32, #tpu.memory_space<vmem>>, %arg8: memref<125x128xf32, #tpu.memory_space<vmem>>, %arg9: memref<125x128xf32, #tpu.memory_space<vmem>>, %arg10: memref<10240x128xf32, #tpu.memory_space<vmem_shared>>, %arg11: memref<!tpu.dma_semaphore, #tpu.memory_space<semaphore_mem>>, %arg12: memref<!tpu.dma_semaphore, #tpu.memory_space<semaphore_mem>>, %arg13: memref<!tpu.dma_semaphore, #tpu.memory_space<semaphore_mem>>, %arg14: memref<!tpu.dma_semaphore, #tpu.memory_space<semaphore_mem>>) attributes {dimension_semantics = [#tpu.dimension_semantics<core_parallel>, #tpu.dimension_semantics<subcore_parallel>], iteration_bounds = array<i64: 2, 16>, scalar_prefetch = 0 : i64, scratch_operands = 9 : i64, tpu.core_type = #tpu.core_type<sc_vector_subcore>, window_params = [{transform_indices = #map}, {transform_indices = #map1}, {transform_indices = #map}, {transform_indices = #map2}]} {
    %mul3A = arith.constant 640 : i32
    %mul3A_0 = arith.muli %arg1, %mul3A : i32
    %mul3A_1 = arith.constant 640 : i32
    %mul3A_2 = arith.muli %arg1, %mul3A_1 : i32
    "tpu.region"() ({
      %run_scoped3A = tpu.sem_alloc : memref<!tpu.dma_semaphore, #tpu.memory_space<semaphore_mem>>
      %dma_start3A_110 = arith.constant 0 : i32
      %dma_start3A_111 = tpu.memref_slice %arg10[%mul3A_2, %dma_start3A_110] : memref<10240x128xf32, #tpu.memory_space<vmem_shared>> -> memref<640x128xf32, #tpu.memory_space<vmem_shared>>
      %dma_start3A_112 = arith.constant 0 : i32
      %dma_start3A_113 = tpu.memref_slice %arg4[%mul3A_0, %dma_start3A_112] : memref<10240x128xf32, #tpu.memory_space<hbm>> -> memref<640x128xf32, #tpu.memory_space<hbm>>
      tpu.enqueue_dma source(%dma_start3A_113 : memref<640x128xf32, #tpu.memory_space<hbm>>) target(%dma_start3A_111 : memref<640x128xf32, #tpu.memory_space<vmem_shared>>) target_semaphore(%run_scoped3A : memref<!tpu.dma_semaphore, #tpu.memory_space<semaphore_mem>>)
      %dma_wait3A_114 = arith.constant 0 : i32
      %dma_wait3A_115 = tpu.memref_slice %arg10[%mul3A_2, %dma_wait3A_114] : memref<10240x128xf32, #tpu.memory_space<vmem_shared>> -> memref<640x128xf32, #tpu.memory_space<vmem_shared>>
      %dma_wait3A_116 = arith.constant 0 : i32
      %dma_wait3A_117 = tpu.memref_slice %arg4[%mul3A_0, %dma_wait3A_116] : memref<10240x128xf32, #tpu.memory_space<hbm>> -> memref<640x128xf32, #tpu.memory_space<hbm>>
      tpu.wait_dma2 semaphore(%run_scoped3A : memref<!tpu.dma_semaphore, #tpu.memory_space<semaphore_mem>>) src(%dma_wait3A_117 : memref<640x128xf32, #tpu.memory_space<hbm>>) dst(%dma_wait3A_115 : memref<640x128xf32, #tpu.memory_space<vmem_shared>>)
      tpu.yield
    }) : () -> ()
    %barrier3A = arith.constant 0 : index
    tpu.barrier barrier_id(%barrier3A)
    %dma_start3A = arith.constant 0 : i32
    %dma_start3A_3 = arith.constant 0 : i32
    %dma_start3A_4 = arith.constant 0 : i32
    %dma_start3A_5 = arith.constant 0 : i32
    %dma_start3A_6 = arith.constant 0 : i32
    %dma_start3A_7 = tpu.memref_slice %arg3[%arg0, %dma_start3A_3, %dma_start3A_4, %dma_start3A_5, %dma_start3A_6] : memref<2x16x80x2x125xi32, #tpu.memory_space<hbm>> -> memref<1x16x80x2x125xi32, #tpu.memory_space<hbm>>
    %dma_start3A_8 = tpu.memref_squeeze %dma_start3A_7 : memref<1x16x80x2x125xi32, #tpu.memory_space<hbm>> -> memref<16x80x2x125xi32, #tpu.memory_space<hbm>>
    %dma_start3A_9 = arith.constant 0 : i32
    %dma_start3A_10 = arith.constant 0 : i32
    %dma_start3A_11 = arith.constant 0 : i32
    %dma_start3A_12 = tpu.memref_slice %dma_start3A_8[%arg1, %dma_start3A_9, %dma_start3A_10, %dma_start3A_11] : memref<16x80x2x125xi32, #tpu.memory_space<hbm>> -> memref<1x80x2x125xi32, #tpu.memory_space<hbm>>
    %dma_start3A_13 = tpu.memref_squeeze %dma_start3A_12 : memref<1x80x2x125xi32, #tpu.memory_space<hbm>> -> memref<80x2x125xi32, #tpu.memory_space<hbm>>
    %dma_start3A_14 = arith.constant 0 : i32
    %dma_start3A_15 = arith.constant 0 : i32
    %dma_start3A_16 = tpu.memref_slice %dma_start3A_13[%dma_start3A, %dma_start3A_14, %dma_start3A_15] : memref<80x2x125xi32, #tpu.memory_space<hbm>> -> memref<1x2x125xi32, #tpu.memory_space<hbm>>
    %dma_start3A_17 = tpu.memref_squeeze %dma_start3A_16 : memref<1x2x125xi32, #tpu.memory_space<hbm>> -> memref<2x125xi32, #tpu.memory_space<hbm>>
    %dma_start3A_18 = arith.constant 0 : i32
    %dma_start3A_19 = arith.constant 0 : i32
    %dma_start3A_20 = arith.constant 0 : i32
    %dma_start3A_21 = arith.constant 0 : i32
    %dma_start3A_22 = tpu.memref_slice %arg3[%arg0, %dma_start3A_18, %dma_start3A_19, %dma_start3A_20, %dma_start3A_21] : memref<2x16x80x2x125xi32, #tpu.memory_space<hbm>> -> memref<1x16x80x2x125xi32, #tpu.memory_space<hbm>>
    %dma_start3A_23 = tpu.memref_squeeze %dma_start3A_22 : memref<1x16x80x2x125xi32, #tpu.memory_space<hbm>> -> memref<16x80x2x125xi32, #tpu.memory_space<hbm>>
    %dma_start3A_24 = arith.constant 0 : i32
    %dma_start3A_25 = arith.constant 0 : i32
    %dma_start3A_26 = arith.constant 0 : i32
    %dma_start3A_27 = tpu.memref_slice %dma_start3A_23[%arg1, %dma_start3A_24, %dma_start3A_25, %dma_start3A_26] : memref<16x80x2x125xi32, #tpu.memory_space<hbm>> -> memref<1x80x2x125xi32, #tpu.memory_space<hbm>>
    %dma_start3A_28 = tpu.memref_squeeze %dma_start3A_27 : memref<1x80x2x125xi32, #tpu.memory_space<hbm>> -> memref<80x2x125xi32, #tpu.memory_space<hbm>>
    %dma_start3A_29 = arith.constant 0 : i32
    %dma_start3A_30 = arith.constant 0 : i32
    %dma_start3A_31 = tpu.memref_slice %dma_start3A_28[%dma_start3A, %dma_start3A_29, %dma_start3A_30] : memref<80x2x125xi32, #tpu.memory_space<hbm>> -> memref<1x2x125xi32, #tpu.memory_space<hbm>>
    %dma_start3A_32 = tpu.memref_squeeze %dma_start3A_31 : memref<1x2x125xi32, #tpu.memory_space<hbm>> -> memref<2x125xi32, #tpu.memory_space<hbm>>
    tpu.enqueue_dma source(%dma_start3A_32 : memref<2x125xi32, #tpu.memory_space<hbm>>) target(%arg6 : memref<2x125xi32, #tpu.memory_space<vmem>>) target_semaphore(%arg11 : memref<!tpu.dma_semaphore, #tpu.memory_space<semaphore_mem>>)
    %dma_start3A_33 = arith.constant 1 : i32
    %dma_start3A_34 = arith.constant 0 : i32
    %dma_start3A_35 = arith.constant 0 : i32
    %dma_start3A_36 = arith.constant 0 : i32
    %dma_start3A_37 = arith.constant 0 : i32
    %dma_start3A_38 = tpu.memref_slice %arg3[%arg0, %dma_start3A_34, %dma_start3A_35, %dma_start3A_36, %dma_start3A_37] : memref<2x16x80x2x125xi32, #tpu.memory_space<hbm>> -> memref<1x16x80x2x125xi32, #tpu.memory_space<hbm>>
    %dma_start3A_39 = tpu.memref_squeeze %dma_start3A_38 : memref<1x16x80x2x125xi32, #tpu.memory_space<hbm>> -> memref<16x80x2x125xi32, #tpu.memory_space<hbm>>
    %dma_start3A_40 = arith.constant 0 : i32
    %dma_start3A_41 = arith.constant 0 : i32
    %dma_start3A_42 = arith.constant 0 : i32
    %dma_start3A_43 = tpu.memref_slice %dma_start3A_39[%arg1, %dma_start3A_40, %dma_start3A_41, %dma_start3A_42] : memref<16x80x2x125xi32, #tpu.memory_space<hbm>> -> memref<1x80x2x125xi32, #tpu.memory_space<hbm>>
    %dma_start3A_44 = tpu.memref_squeeze %dma_start3A_43 : memref<1x80x2x125xi32, #tpu.memory_space<hbm>> -> memref<80x2x125xi32, #tpu.memory_space<hbm>>
    %dma_start3A_45 = arith.constant 0 : i32
    %dma_start3A_46 = arith.constant 0 : i32
    %dma_start3A_47 = tpu.memref_slice %dma_start3A_44[%dma_start3A_33, %dma_start3A_45, %dma_start3A_46] : memref<80x2x125xi32, #tpu.memory_space<hbm>> -> memref<1x2x125xi32, #tpu.memory_space<hbm>>
    %dma_start3A_48 = tpu.memref_squeeze %dma_start3A_47 : memref<1x2x125xi32, #tpu.memory_space<hbm>> -> memref<2x125xi32, #tpu.memory_space<hbm>>
    %dma_start3A_49 = arith.constant 0 : i32
    %dma_start3A_50 = arith.constant 0 : i32
    %dma_start3A_51 = arith.constant 0 : i32
    %dma_start3A_52 = arith.constant 0 : i32
    %dma_start3A_53 = tpu.memref_slice %arg3[%arg0, %dma_start3A_49, %dma_start3A_50, %dma_start3A_51, %dma_start3A_52] : memref<2x16x80x2x125xi32, #tpu.memory_space<hbm>> -> memref<1x16x80x2x125xi32, #tpu.memory_space<hbm>>
    %dma_start3A_54 = tpu.memref_squeeze %dma_start3A_53 : memref<1x16x80x2x125xi32, #tpu.memory_space<hbm>> -> memref<16x80x2x125xi32, #tpu.memory_space<hbm>>
    %dma_start3A_55 = arith.constant 0 : i32
    %dma_start3A_56 = arith.constant 0 : i32
    %dma_start3A_57 = arith.constant 0 : i32
    %dma_start3A_58 = tpu.memref_slice %dma_start3A_54[%arg1, %dma_start3A_55, %dma_start3A_56, %dma_start3A_57] : memref<16x80x2x125xi32, #tpu.memory_space<hbm>> -> memref<1x80x2x125xi32, #tpu.memory_space<hbm>>
    %dma_start3A_59 = tpu.memref_squeeze %dma_start3A_58 : memref<1x80x2x125xi32, #tpu.memory_space<hbm>> -> memref<80x2x125xi32, #tpu.memory_space<hbm>>
    %dma_start3A_60 = arith.constant 0 : i32
    %dma_start3A_61 = arith.constant 0 : i32
    %dma_start3A_62 = tpu.memref_slice %dma_start3A_59[%dma_start3A_33, %dma_start3A_60, %dma_start3A_61] : memref<80x2x125xi32, #tpu.memory_space<hbm>> -> memref<1x2x125xi32, #tpu.memory_space<hbm>>
    %dma_start3A_63 = tpu.memref_squeeze %dma_start3A_62 : memref<1x2x125xi32, #tpu.memory_space<hbm>> -> memref<2x125xi32, #tpu.memory_space<hbm>>
    tpu.enqueue_dma source(%dma_start3A_63 : memref<2x125xi32, #tpu.memory_space<hbm>>) target(%arg7 : memref<2x125xi32, #tpu.memory_space<vmem>>) target_semaphore(%arg12 : memref<!tpu.dma_semaphore, #tpu.memory_space<semaphore_mem>>)
    %dma_wait3A = arith.constant 0 : i32
    %dma_wait3A_64 = arith.constant 0 : i32
    %dma_wait3A_65 = arith.constant 0 : i32
    %dma_wait3A_66 = arith.constant 0 : i32
    %dma_wait3A_67 = arith.constant 0 : i32
    %dma_wait3A_68 = tpu.memref_slice %arg3[%arg0, %dma_wait3A_64, %dma_wait3A_65, %dma_wait3A_66, %dma_wait3A_67] : memref<2x16x80x2x125xi32, #tpu.memory_space<hbm>> -> memref<1x16x80x2x125xi32, #tpu.memory_space<hbm>>
    %dma_wait3A_69 = tpu.memref_squeeze %dma_wait3A_68 : memref<1x16x80x2x125xi32, #tpu.memory_space<hbm>> -> memref<16x80x2x125xi32, #tpu.memory_space<hbm>>
    %dma_wait3A_70 = arith.constant 0 : i32
    %dma_wait3A_71 = arith.constant 0 : i32
    %dma_wait3A_72 = arith.constant 0 : i32
    %dma_wait3A_73 = tpu.memref_slice %dma_wait3A_69[%arg1, %dma_wait3A_70, %dma_wait3A_71, %dma_wait3A_72] : memref<16x80x2x125xi32, #tpu.memory_space<hbm>> -> memref<1x80x2x125xi32, #tpu.memory_space<hbm>>
    %dma_wait3A_74 = tpu.memref_squeeze %dma_wait3A_73 : memref<1x80x2x125xi32, #tpu.memory_space<hbm>> -> memref<80x2x125xi32, #tpu.memory_space<hbm>>
    %dma_wait3A_75 = arith.constant 0 : i32
    %dma_wait3A_76 = arith.constant 0 : i32
    %dma_wait3A_77 = tpu.memref_slice %dma_wait3A_74[%dma_wait3A, %dma_wait3A_75, %dma_wait3A_76] : memref<80x2x125xi32, #tpu.memory_space<hbm>> -> memref<1x2x125xi32, #tpu.memory_space<hbm>>
    %dma_wait3A_78 = tpu.memref_squeeze %dma_wait3A_77 : memref<1x2x125xi32, #tpu.memory_space<hbm>> -> memref<2x125xi32, #tpu.memory_space<hbm>>
    %dma_wait3A_79 = arith.constant 0 : i32
    %dma_wait3A_80 = arith.constant 0 : i32
    %dma_wait3A_81 = arith.constant 0 : i32
    %dma_wait3A_82 = arith.constant 0 : i32
    %dma_wait3A_83 = tpu.memref_slice %arg3[%arg0, %dma_wait3A_79, %dma_wait3A_80, %dma_wait3A_81, %dma_wait3A_82] : memref<2x16x80x2x125xi32, #tpu.memory_space<hbm>> -> memref<1x16x80x2x125xi32, #tpu.memory_space<hbm>>
    %dma_wait3A_84 = tpu.memref_squeeze %dma_wait3A_83 : memref<1x16x80x2x125xi32, #tpu.memory_space<hbm>> -> memref<16x80x2x125xi32, #tpu.memory_space<hbm>>
    %dma_wait3A_85 = arith.constant 0 : i32
    %dma_wait3A_86 = arith.constant 0 : i32
    %dma_wait3A_87 = arith.constant 0 : i32
    %dma_wait3A_88 = tpu.memref_slice %dma_wait3A_84[%arg1, %dma_wait3A_85, %dma_wait3A_86, %dma_wait3A_87] : memref<16x80x2x125xi32, #tpu.memory_space<hbm>> -> memref<1x80x2x125xi32, #tpu.memory_space<hbm>>
    %dma_wait3A_89 = tpu.memref_squeeze %dma_wait3A_88 : memref<1x80x2x125xi32, #tpu.memory_space<hbm>> -> memref<80x2x125xi32, #tpu.memory_space<hbm>>
    %dma_wait3A_90 = arith.constant 0 : i32
    %dma_wait3A_91 = arith.constant 0 : i32
    %dma_wait3A_92 = tpu.memref_slice %dma_wait3A_89[%dma_wait3A, %dma_wait3A_90, %dma_wait3A_91] : memref<80x2x125xi32, #tpu.memory_space<hbm>> -> memref<1x2x125xi32, #tpu.memory_space<hbm>>
    %dma_wait3A_93 = tpu.memref_squeeze %dma_wait3A_92 : memref<1x2x125xi32, #tpu.memory_space<hbm>> -> memref<2x125xi32, #tpu.memory_space<hbm>>
    tpu.wait_dma2 semaphore(%arg11 : memref<!tpu.dma_semaphore, #tpu.memory_space<semaphore_mem>>) src(%dma_wait3A_93 : memref<2x125xi32, #tpu.memory_space<hbm>>) dst(%arg6 : memref<2x125xi32, #tpu.memory_space<vmem>>)
    %dma_start3A_94 = arith.constant 0 : i32
    %dma_start3A_95 = arith.constant 0 : i32
    %dma_start3A_96 = tpu.memref_slice %arg6[%dma_start3A_94, %dma_start3A_95] : memref<2x125xi32, #tpu.memory_space<vmem>> -> memref<1x125xi32, #tpu.memory_space<vmem>>
    %dma_start3A_97 = tpu.memref_squeeze %dma_start3A_96 : memref<1x125xi32, #tpu.memory_space<vmem>> -> memref<125xi32, #tpu.memory_space<vmem>>
    %dma_start3A_98 = arith.constant 0 : i32
    %dma_start3A_99 = arith.constant 0 : i32
    %dma_start3A_100 = tpu.memref_slice %arg2[%dma_start3A_98, %dma_start3A_99] : memref<10240x128xf32, #tpu.memory_space<hbm>> -> memref<10240x128xf32, #tpu.memory_space<hbm>>
    tpu.enqueue_indirect_dma source(%dma_start3A_100 : memref<10240x128xf32, #tpu.memory_space<hbm>>) target(%arg8 : memref<125x128xf32, #tpu.memory_space<vmem>>) offsets(%dma_start3A_97 : memref<125xi32, #tpu.memory_space<vmem>>) semaphore(%arg13 : memref<!tpu.dma_semaphore, #tpu.memory_space<semaphore_mem>>)
    %scan3A = arith.constant 0 : i32
    %scan3A_101 = arith.constant 40 : i32
    %scan3A_102 = arith.addi %scan3A, %scan3A_101 : i32
    %scan3A_103 = arith.constant 1 : i32
    scf.for %scan3A_110 = %scan3A to %scan3A_102 step %scan3A_103  : i32 {
      %mul3A_111 = arith.constant 2 : i32
      %mul3A_112 = arith.muli %mul3A_111, %scan3A_110 : i32
      %add3A = arith.constant 0 : i32
      %add3A_113 = arith.addi %mul3A_112, %add3A : i32
      %add3A_114 = arith.constant 1 : i32
      %add3A_115 = arith.addi %add3A_113, %add3A_114 : i32
      %lt3A = arith.constant 80 : i32
      %lt3A_116 = arith.cmpi slt, %add3A_115, %lt3A : i32
      %convert_element_type3A = arith.extui %lt3A_116 : i1 to i32
      %cond3A = arith.constant 0 : i32
      %cond3A_117 = arith.cmpi ne, %convert_element_type3A, %cond3A : i32
      scf.if %cond3A_117 {
        %add3A_158 = arith.constant 1 : i32
        %add3A_159 = arith.addi %add3A_113, %add3A_158 : i32
        %dma_wait3A_160 = arith.constant 0 : i32
        %dma_wait3A_161 = arith.constant 0 : i32
        %dma_wait3A_162 = arith.constant 0 : i32
        %dma_wait3A_163 = arith.constant 0 : i32
        %dma_wait3A_164 = tpu.memref_slice %arg3[%arg0, %dma_wait3A_160, %dma_wait3A_161, %dma_wait3A_162, %dma_wait3A_163] : memref<2x16x80x2x125xi32, #tpu.memory_space<hbm>> -> memref<1x16x80x2x125xi32, #tpu.memory_space<hbm>>
        %dma_wait3A_165 = tpu.memref_squeeze %dma_wait3A_164 : memref<1x16x80x2x125xi32, #tpu.memory_space<hbm>> -> memref<16x80x2x125xi32, #tpu.memory_space<hbm>>
        %dma_wait3A_166 = arith.constant 0 : i32
        %dma_wait3A_167 = arith.constant 0 : i32
        %dma_wait3A_168 = arith.constant 0 : i32
        %dma_wait3A_169 = tpu.memref_slice %dma_wait3A_165[%arg1, %dma_wait3A_166, %dma_wait3A_167, %dma_wait3A_168] : memref<16x80x2x125xi32, #tpu.memory_space<hbm>> -> memref<1x80x2x125xi32, #tpu.memory_space<hbm>>
        %dma_wait3A_170 = tpu.memref_squeeze %dma_wait3A_169 : memref<1x80x2x125xi32, #tpu.memory_space<hbm>> -> memref<80x2x125xi32, #tpu.memory_space<hbm>>
        %dma_wait3A_171 = arith.constant 0 : i32
        %dma_wait3A_172 = arith.constant 0 : i32
        %dma_wait3A_173 = tpu.memref_slice %dma_wait3A_170[%add3A_159, %dma_wait3A_171, %dma_wait3A_172] : memref<80x2x125xi32, #tpu.memory_space<hbm>> -> memref<1x2x125xi32, #tpu.memory_space<hbm>>
        %dma_wait3A_174 = tpu.memref_squeeze %dma_wait3A_173 : memref<1x2x125xi32, #tpu.memory_space<hbm>> -> memref<2x125xi32, #tpu.memory_space<hbm>>
        %dma_wait3A_175 = arith.constant 0 : i32
        %dma_wait3A_176 = arith.constant 0 : i32
        %dma_wait3A_177 = arith.constant 0 : i32
        %dma_wait3A_178 = arith.constant 0 : i32
        %dma_wait3A_179 = tpu.memref_slice %arg3[%arg0, %dma_wait3A_175, %dma_wait3A_176, %dma_wait3A_177, %dma_wait3A_178] : memref<2x16x80x2x125xi32, #tpu.memory_space<hbm>> -> memref<1x16x80x2x125xi32, #tpu.memory_space<hbm>>
        %dma_wait3A_180 = tpu.memref_squeeze %dma_wait3A_179 : memref<1x16x80x2x125xi32, #tpu.memory_space<hbm>> -> memref<16x80x2x125xi32, #tpu.memory_space<hbm>>
        %dma_wait3A_181 = arith.constant 0 : i32
        %dma_wait3A_182 = arith.constant 0 : i32
        %dma_wait3A_183 = arith.constant 0 : i32
        %dma_wait3A_184 = tpu.memref_slice %dma_wait3A_180[%arg1, %dma_wait3A_181, %dma_wait3A_182, %dma_wait3A_183] : memref<16x80x2x125xi32, #tpu.memory_space<hbm>> -> memref<1x80x2x125xi32, #tpu.memory_space<hbm>>
        %dma_wait3A_185 = tpu.memref_squeeze %dma_wait3A_184 : memref<1x80x2x125xi32, #tpu.memory_space<hbm>> -> memref<80x2x125xi32, #tpu.memory_space<hbm>>
        %dma_wait3A_186 = arith.constant 0 : i32
        %dma_wait3A_187 = arith.constant 0 : i32
        %dma_wait3A_188 = tpu.memref_slice %dma_wait3A_185[%add3A_159, %dma_wait3A_186, %dma_wait3A_187] : memref<80x2x125xi32, #tpu.memory_space<hbm>> -> memref<1x2x125xi32, #tpu.memory_space<hbm>>
        %dma_wait3A_189 = tpu.memref_squeeze %dma_wait3A_188 : memref<1x2x125xi32, #tpu.memory_space<hbm>> -> memref<2x125xi32, #tpu.memory_space<hbm>>
        tpu.wait_dma2 semaphore(%arg12 : memref<!tpu.dma_semaphore, #tpu.memory_space<semaphore_mem>>) src(%dma_wait3A_189 : memref<2x125xi32, #tpu.memory_space<hbm>>) dst(%arg7 : memref<2x125xi32, #tpu.memory_space<vmem>>)
        %dma_start3A_190 = arith.constant 0 : i32
        %dma_start3A_191 = arith.constant 0 : i32
        %dma_start3A_192 = tpu.memref_slice %arg7[%dma_start3A_190, %dma_start3A_191] : memref<2x125xi32, #tpu.memory_space<vmem>> -> memref<1x125xi32, #tpu.memory_space<vmem>>
        %dma_start3A_193 = tpu.memref_squeeze %dma_start3A_192 : memref<1x125xi32, #tpu.memory_space<vmem>> -> memref<125xi32, #tpu.memory_space<vmem>>
        %dma_start3A_194 = arith.constant 0 : i32
        %dma_start3A_195 = arith.constant 0 : i32
        %dma_start3A_196 = tpu.memref_slice %arg2[%dma_start3A_194, %dma_start3A_195] : memref<10240x128xf32, #tpu.memory_space<hbm>> -> memref<10240x128xf32, #tpu.memory_space<hbm>>
        tpu.enqueue_indirect_dma source(%dma_start3A_196 : memref<10240x128xf32, #tpu.memory_space<hbm>>) target(%arg9 : memref<125x128xf32, #tpu.memory_space<vmem>>) offsets(%dma_start3A_193 : memref<125xi32, #tpu.memory_space<vmem>>) semaphore(%arg14 : memref<!tpu.dma_semaphore, #tpu.memory_space<semaphore_mem>>)
      } else {
      }
      %dma_wait3A_118 = arith.constant 0 : i32
      %dma_wait3A_119 = arith.constant 0 : i32
      %dma_wait3A_120 = tpu.memref_slice %arg6[%dma_wait3A_118, %dma_wait3A_119] : memref<2x125xi32, #tpu.memory_space<vmem>> -> memref<1x125xi32, #tpu.memory_space<vmem>>
      %dma_wait3A_121 = tpu.memref_squeeze %dma_wait3A_120 : memref<1x125xi32, #tpu.memory_space<vmem>> -> memref<125xi32, #tpu.memory_space<vmem>>
      %dma_wait3A_122 = arith.constant 0 : i32
      %dma_wait3A_123 = arith.constant 0 : i32
      %dma_wait3A_124 = tpu.memref_slice %arg2[%dma_wait3A_122, %dma_wait3A_123] : memref<10240x128xf32, #tpu.memory_space<hbm>> -> memref<10240x128xf32, #tpu.memory_space<hbm>>
      tpu.wait_indirect_dma semaphore(%arg13 : memref<!tpu.dma_semaphore, #tpu.memory_space<semaphore_mem>>) src(%dma_wait3A_124 : memref<10240x128xf32, #tpu.memory_space<hbm>>) dst(%arg8 : memref<125x128xf32, #tpu.memory_space<vmem>>)
      %run_scoped3A = arith.constant 1 : i32
      "tpu.region"() ({
        %run_scoped3A_158 = tpu.sem_alloc : memref<!tpu.dma_semaphore, #tpu.memory_space<semaphore_mem>>
        %dma_start3A_159 = arith.constant 0 : i32
        %dma_start3A_160 = tpu.memref_slice %arg6[%run_scoped3A, %dma_start3A_159] : memref<2x125xi32, #tpu.memory_space<vmem>> -> memref<1x125xi32, #tpu.memory_space<vmem>>
        %dma_start3A_161 = tpu.memref_squeeze %dma_start3A_160 : memref<1x125xi32, #tpu.memory_space<vmem>> -> memref<125xi32, #tpu.memory_space<vmem>>
        %dma_start3A_162 = arith.constant 0 : i32
        %dma_start3A_163 = arith.constant 0 : i32
        %dma_start3A_164 = tpu.memref_slice %arg10[%dma_start3A_162, %dma_start3A_163] : memref<10240x128xf32, #tpu.memory_space<vmem_shared>> -> memref<10240x128xf32, #tpu.memory_space<vmem_shared>>
        tpu.enqueue_indirect_dma source(%arg8 : memref<125x128xf32, #tpu.memory_space<vmem>>) target(%dma_start3A_164 : memref<10240x128xf32, #tpu.memory_space<vmem_shared>>) offsets(%dma_start3A_161 : memref<125xi32, #tpu.memory_space<vmem>>) semaphore(%run_scoped3A_158 : memref<!tpu.dma_semaphore, #tpu.memory_space<semaphore_mem>>) {add = true}
        %dma_wait3A_165 = arith.constant 0 : i32
        %dma_wait3A_166 = tpu.memref_slice %arg6[%run_scoped3A, %dma_wait3A_165] : memref<2x125xi32, #tpu.memory_space<vmem>> -> memref<1x125xi32, #tpu.memory_space<vmem>>
        %dma_wait3A_167 = tpu.memref_squeeze %dma_wait3A_166 : memref<1x125xi32, #tpu.memory_space<vmem>> -> memref<125xi32, #tpu.memory_space<vmem>>
        %dma_wait3A_168 = arith.constant 0 : i32
        %dma_wait3A_169 = arith.constant 0 : i32
        %dma_wait3A_170 = tpu.memref_slice %arg10[%dma_wait3A_168, %dma_wait3A_169] : memref<10240x128xf32, #tpu.memory_space<vmem_shared>> -> memref<10240x128xf32, #tpu.memory_space<vmem_shared>>
        tpu.wait_indirect_dma semaphore(%run_scoped3A_158 : memref<!tpu.dma_semaphore, #tpu.memory_space<semaphore_mem>>) src(%arg8 : memref<125x128xf32, #tpu.memory_space<vmem>>) dst(%dma_wait3A_170 : memref<10240x128xf32, #tpu.memory_space<vmem_shared>>)
        tpu.yield
      }) : () -> ()
      %add3A_125 = arith.constant 2 : i32
      %add3A_126 = arith.addi %add3A_113, %add3A_125 : i32
      %lt3A_127 = arith.constant 80 : i32
      %lt3A_128 = arith.cmpi slt, %add3A_126, %lt3A_127 : i32
      %convert_element_type3A_129 = arith.extui %lt3A_128 : i1 to i32
      %cond3A_130 = arith.constant 0 : i32
      %cond3A_131 = arith.cmpi ne, %convert_element_type3A_129, %cond3A_130 : i32
      scf.if %cond3A_131 {
        %add3A_158 = arith.constant 2 : i32
        %add3A_159 = arith.addi %add3A_113, %add3A_158 : i32
        %dma_start3A_160 = arith.constant 0 : i32
        %dma_start3A_161 = arith.constant 0 : i32
        %dma_start3A_162 = arith.constant 0 : i32
        %dma_start3A_163 = arith.constant 0 : i32
        %dma_start3A_164 = tpu.memref_slice %arg3[%arg0, %dma_start3A_160, %dma_start3A_161, %dma_start3A_162, %dma_start3A_163] : memref<2x16x80x2x125xi32, #tpu.memory_space<hbm>> -> memref<1x16x80x2x125xi32, #tpu.memory_space<hbm>>
        %dma_start3A_165 = tpu.memref_squeeze %dma_start3A_164 : memref<1x16x80x2x125xi32, #tpu.memory_space<hbm>> -> memref<16x80x2x125xi32, #tpu.memory_space<hbm>>
        %dma_start3A_166 = arith.constant 0 : i32
        %dma_start3A_167 = arith.constant 0 : i32
        %dma_start3A_168 = arith.constant 0 : i32
        %dma_start3A_169 = tpu.memref_slice %dma_start3A_165[%arg1, %dma_start3A_166, %dma_start3A_167, %dma_start3A_168] : memref<16x80x2x125xi32, #tpu.memory_space<hbm>> -> memref<1x80x2x125xi32, #tpu.memory_space<hbm>>
        %dma_start3A_170 = tpu.memref_squeeze %dma_start3A_169 : memref<1x80x2x125xi32, #tpu.memory_space<hbm>> -> memref<80x2x125xi32, #tpu.memory_space<hbm>>
        %dma_start3A_171 = arith.constant 0 : i32
        %dma_start3A_172 = arith.constant 0 : i32
        %dma_start3A_173 = tpu.memref_slice %dma_start3A_170[%add3A_159, %dma_start3A_171, %dma_start3A_172] : memref<80x2x125xi32, #tpu.memory_space<hbm>> -> memref<1x2x125xi32, #tpu.memory_space<hbm>>
        %dma_start3A_174 = tpu.memref_squeeze %dma_start3A_173 : memref<1x2x125xi32, #tpu.memory_space<hbm>> -> memref<2x125xi32, #tpu.memory_space<hbm>>
        %dma_start3A_175 = arith.constant 0 : i32
        %dma_start3A_176 = arith.constant 0 : i32
        %dma_start3A_177 = arith.constant 0 : i32
        %dma_start3A_178 = arith.constant 0 : i32
        %dma_start3A_179 = tpu.memref_slice %arg3[%arg0, %dma_start3A_175, %dma_start3A_176, %dma_start3A_177, %dma_start3A_178] : memref<2x16x80x2x125xi32, #tpu.memory_space<hbm>> -> memref<1x16x80x2x125xi32, #tpu.memory_space<hbm>>
        %dma_start3A_180 = tpu.memref_squeeze %dma_start3A_179 : memref<1x16x80x2x125xi32, #tpu.memory_space<hbm>> -> memref<16x80x2x125xi32, #tpu.memory_space<hbm>>
        %dma_start3A_181 = arith.constant 0 : i32
        %dma_start3A_182 = arith.constant 0 : i32
        %dma_start3A_183 = arith.constant 0 : i32
        %dma_start3A_184 = tpu.memref_slice %dma_start3A_180[%arg1, %dma_start3A_181, %dma_start3A_182, %dma_start3A_183] : memref<16x80x2x125xi32, #tpu.memory_space<hbm>> -> memref<1x80x2x125xi32, #tpu.memory_space<hbm>>
        %dma_start3A_185 = tpu.memref_squeeze %dma_start3A_184 : memref<1x80x2x125xi32, #tpu.memory_space<hbm>> -> memref<80x2x125xi32, #tpu.memory_space<hbm>>
        %dma_start3A_186 = arith.constant 0 : i32
        %dma_start3A_187 = arith.constant 0 : i32
        %dma_start3A_188 = tpu.memref_slice %dma_start3A_185[%add3A_159, %dma_start3A_186, %dma_start3A_187] : memref<80x2x125xi32, #tpu.memory_space<hbm>> -> memref<1x2x125xi32, #tpu.memory_space<hbm>>
        %dma_start3A_189 = tpu.memref_squeeze %dma_start3A_188 : memref<1x2x125xi32, #tpu.memory_space<hbm>> -> memref<2x125xi32, #tpu.memory_space<hbm>>
        tpu.enqueue_dma source(%dma_start3A_189 : memref<2x125xi32, #tpu.memory_space<hbm>>) target(%arg6 : memref<2x125xi32, #tpu.memory_space<vmem>>) target_semaphore(%arg11 : memref<!tpu.dma_semaphore, #tpu.memory_space<semaphore_mem>>)
      } else {
      }
      %mul3A_132 = arith.constant 2 : i32
      %mul3A_133 = arith.muli %mul3A_132, %scan3A_110 : i32
      %add3A_134 = arith.constant 1 : i32
      %add3A_135 = arith.addi %mul3A_133, %add3A_134 : i32
      %add3A_136 = arith.constant 1 : i32
      %add3A_137 = arith.addi %add3A_135, %add3A_136 : i32
      %lt3A_138 = arith.constant 80 : i32
      %lt3A_139 = arith.cmpi slt, %add3A_137, %lt3A_138 : i32
      %convert_element_type3A_140 = arith.extui %lt3A_139 : i1 to i32
      %cond3A_141 = arith.constant 0 : i32
      %cond3A_142 = arith.cmpi ne, %convert_element_type3A_140, %cond3A_141 : i32
      scf.if %cond3A_142 {
        %add3A_158 = arith.constant 1 : i32
        %add3A_159 = arith.addi %add3A_135, %add3A_158 : i32
        %dma_wait3A_160 = arith.constant 0 : i32
        %dma_wait3A_161 = arith.constant 0 : i32
        %dma_wait3A_162 = arith.constant 0 : i32
        %dma_wait3A_163 = arith.constant 0 : i32
        %dma_wait3A_164 = tpu.memref_slice %arg3[%arg0, %dma_wait3A_160, %dma_wait3A_161, %dma_wait3A_162, %dma_wait3A_163] : memref<2x16x80x2x125xi32, #tpu.memory_space<hbm>> -> memref<1x16x80x2x125xi32, #tpu.memory_space<hbm>>
        %dma_wait3A_165 = tpu.memref_squeeze %dma_wait3A_164 : memref<1x16x80x2x125xi32, #tpu.memory_space<hbm>> -> memref<16x80x2x125xi32, #tpu.memory_space<hbm>>
        %dma_wait3A_166 = arith.constant 0 : i32
        %dma_wait3A_167 = arith.constant 0 : i32
        %dma_wait3A_168 = arith.constant 0 : i32
        %dma_wait3A_169 = tpu.memref_slice %dma_wait3A_165[%arg1, %dma_wait3A_166, %dma_wait3A_167, %dma_wait3A_168] : memref<16x80x2x125xi32, #tpu.memory_space<hbm>> -> memref<1x80x2x125xi32, #tpu.memory_space<hbm>>
        %dma_wait3A_170 = tpu.memref_squeeze %dma_wait3A_169 : memref<1x80x2x125xi32, #tpu.memory_space<hbm>> -> memref<80x2x125xi32, #tpu.memory_space<hbm>>
        %dma_wait3A_171 = arith.constant 0 : i32
        %dma_wait3A_172 = arith.constant 0 : i32
        %dma_wait3A_173 = tpu.memref_slice %dma_wait3A_170[%add3A_159, %dma_wait3A_171, %dma_wait3A_172] : memref<80x2x125xi32, #tpu.memory_space<hbm>> -> memref<1x2x125xi32, #tpu.memory_space<hbm>>
        %dma_wait3A_174 = tpu.memref_squeeze %dma_wait3A_173 : memref<1x2x125xi32, #tpu.memory_space<hbm>> -> memref<2x125xi32, #tpu.memory_space<hbm>>
        %dma_wait3A_175 = arith.constant 0 : i32
        %dma_wait3A_176 = arith.constant 0 : i32
        %dma_wait3A_177 = arith.constant 0 : i32
        %dma_wait3A_178 = arith.constant 0 : i32
        %dma_wait3A_179 = tpu.memref_slice %arg3[%arg0, %dma_wait3A_175, %dma_wait3A_176, %dma_wait3A_177, %dma_wait3A_178] : memref<2x16x80x2x125xi32, #tpu.memory_space<hbm>> -> memref<1x16x80x2x125xi32, #tpu.memory_space<hbm>>
        %dma_wait3A_180 = tpu.memref_squeeze %dma_wait3A_179 : memref<1x16x80x2x125xi32, #tpu.memory_space<hbm>> -> memref<16x80x2x125xi32, #tpu.memory_space<hbm>>
        %dma_wait3A_181 = arith.constant 0 : i32
        %dma_wait3A_182 = arith.constant 0 : i32
        %dma_wait3A_183 = arith.constant 0 : i32
        %dma_wait3A_184 = tpu.memref_slice %dma_wait3A_180[%arg1, %dma_wait3A_181, %dma_wait3A_182, %dma_wait3A_183] : memref<16x80x2x125xi32, #tpu.memory_space<hbm>> -> memref<1x80x2x125xi32, #tpu.memory_space<hbm>>
        %dma_wait3A_185 = tpu.memref_squeeze %dma_wait3A_184 : memref<1x80x2x125xi32, #tpu.memory_space<hbm>> -> memref<80x2x125xi32, #tpu.memory_space<hbm>>
        %dma_wait3A_186 = arith.constant 0 : i32
        %dma_wait3A_187 = arith.constant 0 : i32
        %dma_wait3A_188 = tpu.memref_slice %dma_wait3A_185[%add3A_159, %dma_wait3A_186, %dma_wait3A_187] : memref<80x2x125xi32, #tpu.memory_space<hbm>> -> memref<1x2x125xi32, #tpu.memory_space<hbm>>
        %dma_wait3A_189 = tpu.memref_squeeze %dma_wait3A_188 : memref<1x2x125xi32, #tpu.memory_space<hbm>> -> memref<2x125xi32, #tpu.memory_space<hbm>>
        tpu.wait_dma2 semaphore(%arg11 : memref<!tpu.dma_semaphore, #tpu.memory_space<semaphore_mem>>) src(%dma_wait3A_189 : memref<2x125xi32, #tpu.memory_space<hbm>>) dst(%arg6 : memref<2x125xi32, #tpu.memory_space<vmem>>)
        %dma_start3A_190 = arith.constant 0 : i32
        %dma_start3A_191 = arith.constant 0 : i32
        %dma_start3A_192 = tpu.memref_slice %arg6[%dma_start3A_190, %dma_start3A_191] : memref<2x125xi32, #tpu.memory_space<vmem>> -> memref<1x125xi32, #tpu.memory_space<vmem>>
        %dma_start3A_193 = tpu.memref_squeeze %dma_start3A_192 : memref<1x125xi32, #tpu.memory_space<vmem>> -> memref<125xi32, #tpu.memory_space<vmem>>
        %dma_start3A_194 = arith.constant 0 : i32
        %dma_start3A_195 = arith.constant 0 : i32
        %dma_start3A_196 = tpu.memref_slice %arg2[%dma_start3A_194, %dma_start3A_195] : memref<10240x128xf32, #tpu.memory_space<hbm>> -> memref<10240x128xf32, #tpu.memory_space<hbm>>
        tpu.enqueue_indirect_dma source(%dma_start3A_196 : memref<10240x128xf32, #tpu.memory_space<hbm>>) target(%arg8 : memref<125x128xf32, #tpu.memory_space<vmem>>) offsets(%dma_start3A_193 : memref<125xi32, #tpu.memory_space<vmem>>) semaphore(%arg13 : memref<!tpu.dma_semaphore, #tpu.memory_space<semaphore_mem>>)
      } else {
      }
      %dma_wait3A_143 = arith.constant 0 : i32
      %dma_wait3A_144 = arith.constant 0 : i32
      %dma_wait3A_145 = tpu.memref_slice %arg7[%dma_wait3A_143, %dma_wait3A_144] : memref<2x125xi32, #tpu.memory_space<vmem>> -> memref<1x125xi32, #tpu.memory_space<vmem>>
      %dma_wait3A_146 = tpu.memref_squeeze %dma_wait3A_145 : memref<1x125xi32, #tpu.memory_space<vmem>> -> memref<125xi32, #tpu.memory_space<vmem>>
      %dma_wait3A_147 = arith.constant 0 : i32
      %dma_wait3A_148 = arith.constant 0 : i32
      %dma_wait3A_149 = tpu.memref_slice %arg2[%dma_wait3A_147, %dma_wait3A_148] : memref<10240x128xf32, #tpu.memory_space<hbm>> -> memref<10240x128xf32, #tpu.memory_space<hbm>>
      tpu.wait_indirect_dma semaphore(%arg14 : memref<!tpu.dma_semaphore, #tpu.memory_space<semaphore_mem>>) src(%dma_wait3A_149 : memref<10240x128xf32, #tpu.memory_space<hbm>>) dst(%arg9 : memref<125x128xf32, #tpu.memory_space<vmem>>)
      %run_scoped3A_150 = arith.constant 1 : i32
      "tpu.region"() ({
        %run_scoped3A_158 = tpu.sem_alloc : memref<!tpu.dma_semaphore, #tpu.memory_space<semaphore_mem>>
        %dma_start3A_159 = arith.constant 0 : i32
        %dma_start3A_160 = tpu.memref_slice %arg7[%run_scoped3A_150, %dma_start3A_159] : memref<2x125xi32, #tpu.memory_space<vmem>> -> memref<1x125xi32, #tpu.memory_space<vmem>>
        %dma_start3A_161 = tpu.memref_squeeze %dma_start3A_160 : memref<1x125xi32, #tpu.memory_space<vmem>> -> memref<125xi32, #tpu.memory_space<vmem>>
        %dma_start3A_162 = arith.constant 0 : i32
        %dma_start3A_163 = arith.constant 0 : i32
        %dma_start3A_164 = tpu.memref_slice %arg10[%dma_start3A_162, %dma_start3A_163] : memref<10240x128xf32, #tpu.memory_space<vmem_shared>> -> memref<10240x128xf32, #tpu.memory_space<vmem_shared>>
        tpu.enqueue_indirect_dma source(%arg9 : memref<125x128xf32, #tpu.memory_space<vmem>>) target(%dma_start3A_164 : memref<10240x128xf32, #tpu.memory_space<vmem_shared>>) offsets(%dma_start3A_161 : memref<125xi32, #tpu.memory_space<vmem>>) semaphore(%run_scoped3A_158 : memref<!tpu.dma_semaphore, #tpu.memory_space<semaphore_mem>>) {add = true}
        %dma_wait3A_165 = arith.constant 0 : i32
        %dma_wait3A_166 = tpu.memref_slice %arg7[%run_scoped3A_150, %dma_wait3A_165] : memref<2x125xi32, #tpu.memory_space<vmem>> -> memref<1x125xi32, #tpu.memory_space<vmem>>
        %dma_wait3A_167 = tpu.memref_squeeze %dma_wait3A_166 : memref<1x125xi32, #tpu.memory_space<vmem>> -> memref<125xi32, #tpu.memory_space<vmem>>
        %dma_wait3A_168 = arith.constant 0 : i32
        %dma_wait3A_169 = arith.constant 0 : i32
        %dma_wait3A_170 = tpu.memref_slice %arg10[%dma_wait3A_168, %dma_wait3A_169] : memref<10240x128xf32, #tpu.memory_space<vmem_shared>> -> memref<10240x128xf32, #tpu.memory_space<vmem_shared>>
        tpu.wait_indirect_dma semaphore(%run_scoped3A_158 : memref<!tpu.dma_semaphore, #tpu.memory_space<semaphore_mem>>) src(%arg9 : memref<125x128xf32, #tpu.memory_space<vmem>>) dst(%dma_wait3A_170 : memref<10240x128xf32, #tpu.memory_space<vmem_shared>>)
        tpu.yield
      }) : () -> ()
      %add3A_151 = arith.constant 2 : i32
      %add3A_152 = arith.addi %add3A_135, %add3A_151 : i32
      %lt3A_153 = arith.constant 80 : i32
      %lt3A_154 = arith.cmpi slt, %add3A_152, %lt3A_153 : i32
      %convert_element_type3A_155 = arith.extui %lt3A_154 : i1 to i32
      %cond3A_156 = arith.constant 0 : i32
      %cond3A_157 = arith.cmpi ne, %convert_element_type3A_155, %cond3A_156 : i32
      scf.if %cond3A_157 {
        %add3A_158 = arith.constant 2 : i32
        %add3A_159 = arith.addi %add3A_135, %add3A_158 : i32
        %dma_start3A_160 = arith.constant 0 : i32
        %dma_start3A_161 = arith.constant 0 : i32
        %dma_start3A_162 = arith.constant 0 : i32
        %dma_start3A_163 = arith.constant 0 : i32
        %dma_start3A_164 = tpu.memref_slice %arg3[%arg0, %dma_start3A_160, %dma_start3A_161, %dma_start3A_162, %dma_start3A_163] : memref<2x16x80x2x125xi32, #tpu.memory_space<hbm>> -> memref<1x16x80x2x125xi32, #tpu.memory_space<hbm>>
        %dma_start3A_165 = tpu.memref_squeeze %dma_start3A_164 : memref<1x16x80x2x125xi32, #tpu.memory_space<hbm>> -> memref<16x80x2x125xi32, #tpu.memory_space<hbm>>
        %dma_start3A_166 = arith.constant 0 : i32
        %dma_start3A_167 = arith.constant 0 : i32
        %dma_start3A_168 = arith.constant 0 : i32
        %dma_start3A_169 = tpu.memref_slice %dma_start3A_165[%arg1, %dma_start3A_166, %dma_start3A_167, %dma_start3A_168] : memref<16x80x2x125xi32, #tpu.memory_space<hbm>> -> memref<1x80x2x125xi32, #tpu.memory_space<hbm>>
        %dma_start3A_170 = tpu.memref_squeeze %dma_start3A_169 : memref<1x80x2x125xi32, #tpu.memory_space<hbm>> -> memref<80x2x125xi32, #tpu.memory_space<hbm>>
        %dma_start3A_171 = arith.constant 0 : i32
        %dma_start3A_172 = arith.constant 0 : i32
        %dma_start3A_173 = tpu.memref_slice %dma_start3A_170[%add3A_159, %dma_start3A_171, %dma_start3A_172] : memref<80x2x125xi32, #tpu.memory_space<hbm>> -> memref<1x2x125xi32, #tpu.memory_space<hbm>>
        %dma_start3A_174 = tpu.memref_squeeze %dma_start3A_173 : memref<1x2x125xi32, #tpu.memory_space<hbm>> -> memref<2x125xi32, #tpu.memory_space<hbm>>
        %dma_start3A_175 = arith.constant 0 : i32
        %dma_start3A_176 = arith.constant 0 : i32
        %dma_start3A_177 = arith.constant 0 : i32
        %dma_start3A_178 = arith.constant 0 : i32
        %dma_start3A_179 = tpu.memref_slice %arg3[%arg0, %dma_start3A_175, %dma_start3A_176, %dma_start3A_177, %dma_start3A_178] : memref<2x16x80x2x125xi32, #tpu.memory_space<hbm>> -> memref<1x16x80x2x125xi32, #tpu.memory_space<hbm>>
        %dma_start3A_180 = tpu.memref_squeeze %dma_start3A_179 : memref<1x16x80x2x125xi32, #tpu.memory_space<hbm>> -> memref<16x80x2x125xi32, #tpu.memory_space<hbm>>
        %dma_start3A_181 = arith.constant 0 : i32
        %dma_start3A_182 = arith.constant 0 : i32
        %dma_start3A_183 = arith.constant 0 : i32
        %dma_start3A_184 = tpu.memref_slice %dma_start3A_180[%arg1, %dma_start3A_181, %dma_start3A_182, %dma_start3A_183] : memref<16x80x2x125xi32, #tpu.memory_space<hbm>> -> memref<1x80x2x125xi32, #tpu.memory_space<hbm>>
        %dma_start3A_185 = tpu.memref_squeeze %dma_start3A_184 : memref<1x80x2x125xi32, #tpu.memory_space<hbm>> -> memref<80x2x125xi32, #tpu.memory_space<hbm>>
        %dma_start3A_186 = arith.constant 0 : i32
        %dma_start3A_187 = arith.constant 0 : i32
        %dma_start3A_188 = tpu.memref_slice %dma_start3A_185[%add3A_159, %dma_start3A_186, %dma_start3A_187] : memref<80x2x125xi32, #tpu.memory_space<hbm>> -> memref<1x2x125xi32, #tpu.memory_space<hbm>>
        %dma_start3A_189 = tpu.memref_squeeze %dma_start3A_188 : memref<1x2x125xi32, #tpu.memory_space<hbm>> -> memref<2x125xi32, #tpu.memory_space<hbm>>
        tpu.enqueue_dma source(%dma_start3A_189 : memref<2x125xi32, #tpu.memory_space<hbm>>) target(%arg7 : memref<2x125xi32, #tpu.memory_space<vmem>>) target_semaphore(%arg12 : memref<!tpu.dma_semaphore, #tpu.memory_space<semaphore_mem>>)
      } else {
      }
    }
    %scan3A_104 = arith.constant 40 : i32
    %barrier3A_105 = arith.constant 0 : index
    tpu.barrier barrier_id(%barrier3A_105)
    %mul3A_106 = arith.constant 640 : i32
    %mul3A_107 = arith.muli %arg1, %mul3A_106 : i32
    %mul3A_108 = arith.constant 640 : i32
    %mul3A_109 = arith.muli %arg1, %mul3A_108 : i32
    "tpu.region"() ({
      %run_scoped3A = tpu.sem_alloc : memref<!tpu.dma_semaphore, #tpu.memory_space<semaphore_mem>>
      %dma_start3A_110 = arith.constant 0 : i32
      %dma_start3A_111 = tpu.memref_slice %arg5[%arg0, %mul3A_109, %dma_start3A_110] : memref<2x10240x128xf32, #tpu.memory_space<hbm>> -> memref<1x640x128xf32, #tpu.memory_space<hbm>>
      %dma_start3A_112 = tpu.memref_squeeze %dma_start3A_111 : memref<1x640x128xf32, #tpu.memory_space<hbm>> -> memref<640x128xf32, #tpu.memory_space<hbm>>
      %dma_start3A_113 = arith.constant 0 : i32
      %dma_start3A_114 = tpu.memref_slice %arg10[%mul3A_107, %dma_start3A_113] : memref<10240x128xf32, #tpu.memory_space<vmem_shared>> -> memref<640x128xf32, #tpu.memory_space<vmem_shared>>
      tpu.enqueue_dma source(%dma_start3A_114 : memref<640x128xf32, #tpu.memory_space<vmem_shared>>) target(%dma_start3A_112 : memref<640x128xf32, #tpu.memory_space<hbm>>) target_semaphore(%run_scoped3A : memref<!tpu.dma_semaphore, #tpu.memory_space<semaphore_mem>>)
      %dma_wait3A_115 = arith.constant 0 : i32
      %dma_wait3A_116 = tpu.memref_slice %arg5[%arg0, %mul3A_109, %dma_wait3A_115] : memref<2x10240x128xf32, #tpu.memory_space<hbm>> -> memref<1x640x128xf32, #tpu.memory_space<hbm>>
      %dma_wait3A_117 = tpu.memref_squeeze %dma_wait3A_116 : memref<1x640x128xf32, #tpu.memory_space<hbm>> -> memref<640x128xf32, #tpu.memory_space<hbm>>
      %dma_wait3A_118 = arith.constant 0 : i32
      %dma_wait3A_119 = tpu.memref_slice %arg10[%mul3A_107, %dma_wait3A_118] : memref<10240x128xf32, #tpu.memory_space<vmem_shared>> -> memref<640x128xf32, #tpu.memory_space<vmem_shared>>
      tpu.wait_dma2 semaphore(%run_scoped3A : memref<!tpu.dma_semaphore, #tpu.memory_space<semaphore_mem>>) src(%dma_wait3A_119 : memref<640x128xf32, #tpu.memory_space<vmem_shared>>) dst(%dma_wait3A_117 : memref<640x128xf32, #tpu.memory_space<hbm>>)
      tpu.yield
    }) : () -> ()
    return
  }
}

#map = affine_map<(d0, d1) -> (0, 0)>
#map1 = affine_map<(d0, d1) -> (0, 0, 0, 0, 0)>
#map2 = affine_map<(d0, d1) -> (0, 0, 0)>
module attributes {stable_mosaic.version = 14 : i64} {
  func.func @_sc_segsum(%arg0: i32, %arg1: i32, %arg2: memref<10240x128xf32, #tpu.memory_space<hbm>>, %arg3: memref<2x16x80x2x125xi32, #tpu.memory_space<hbm>>, %arg4: memref<10240x128xf32, #tpu.memory_space<hbm>>, %arg5: memref<2x10240x128xf32, #tpu.memory_space<hbm>>, %arg6: memref<2x125xi32, #tpu.memory_space<vmem>>, %arg7: memref<2x125xi32, #tpu.memory_space<vmem>>, %arg8: memref<125x128xf32, #tpu.memory_space<vmem>>, %arg9: memref<125x128xf32, #tpu.memory_space<vmem>>, %arg10: memref<10240x128xf32, #tpu.memory_space<vmem_shared>>, %arg11: memref<!tpu.dma_semaphore, #tpu.memory_space<semaphore_mem>>, %arg12: memref<!tpu.dma_semaphore, #tpu.memory_space<semaphore_mem>>, %arg13: memref<!tpu.dma_semaphore, #tpu.memory_space<semaphore_mem>>, %arg14: memref<!tpu.dma_semaphore, #tpu.memory_space<semaphore_mem>>) attributes {dimension_semantics = [#tpu.dimension_semantics<core_parallel>, #tpu.dimension_semantics<subcore_parallel>], iteration_bounds = array<i64: 2, 16>, scalar_prefetch = 0 : i64, scratch_operands = 9 : i64, tpu.core_type = #tpu.core_type<sc_vector_subcore>, window_params = [{transform_indices = #map}, {transform_indices = #map1}, {transform_indices = #map}, {transform_indices = #map2}]} {
    %mul3A = arith.constant 640 : i32
    %mul3A_0 = arith.muli %arg1, %mul3A : i32
    %mul3A_1 = arith.constant 640 : i32
    %mul3A_2 = arith.muli %arg1, %mul3A_1 : i32
    "tpu.region"() ({
      %run_scoped3A = tpu.sem_alloc : memref<!tpu.dma_semaphore, #tpu.memory_space<semaphore_mem>>
      %dma_start3A_110 = arith.constant 0 : i32
      %dma_start3A_111 = tpu.memref_slice %arg10[%mul3A_2, %dma_start3A_110] : memref<10240x128xf32, #tpu.memory_space<vmem_shared>> -> memref<640x128xf32, #tpu.memory_space<vmem_shared>>
      %dma_start3A_112 = arith.constant 0 : i32
      %dma_start3A_113 = tpu.memref_slice %arg4[%mul3A_0, %dma_start3A_112] : memref<10240x128xf32, #tpu.memory_space<hbm>> -> memref<640x128xf32, #tpu.memory_space<hbm>>
      tpu.enqueue_dma source(%dma_start3A_113 : memref<640x128xf32, #tpu.memory_space<hbm>>) target(%dma_start3A_111 : memref<640x128xf32, #tpu.memory_space<vmem_shared>>) target_semaphore(%run_scoped3A : memref<!tpu.dma_semaphore, #tpu.memory_space<semaphore_mem>>)
      %dma_wait3A_114 = arith.constant 0 : i32
      %dma_wait3A_115 = tpu.memref_slice %arg10[%mul3A_2, %dma_wait3A_114] : memref<10240x128xf32, #tpu.memory_space<vmem_shared>> -> memref<640x128xf32, #tpu.memory_space<vmem_shared>>
      %dma_wait3A_116 = arith.constant 0 : i32
      %dma_wait3A_117 = tpu.memref_slice %arg4[%mul3A_0, %dma_wait3A_116] : memref<10240x128xf32, #tpu.memory_space<hbm>> -> memref<640x128xf32, #tpu.memory_space<hbm>>
      tpu.wait_dma2 semaphore(%run_scoped3A : memref<!tpu.dma_semaphore, #tpu.memory_space<semaphore_mem>>) src(%dma_wait3A_117 : memref<640x128xf32, #tpu.memory_space<hbm>>) dst(%dma_wait3A_115 : memref<640x128xf32, #tpu.memory_space<vmem_shared>>)
      tpu.yield
    }) : () -> ()
    %barrier3A = arith.constant 0 : index
    tpu.barrier barrier_id(%barrier3A)
    %dma_start3A = arith.constant 0 : i32
    %dma_start3A_3 = arith.constant 0 : i32
    %dma_start3A_4 = arith.constant 0 : i32
    %dma_start3A_5 = arith.constant 0 : i32
    %dma_start3A_6 = arith.constant 0 : i32
    %dma_start3A_7 = tpu.memref_slice %arg3[%arg0, %dma_start3A_3, %dma_start3A_4, %dma_start3A_5, %dma_start3A_6] : memref<2x16x80x2x125xi32, #tpu.memory_space<hbm>> -> memref<1x16x80x2x125xi32, #tpu.memory_space<hbm>>
    %dma_start3A_8 = tpu.memref_squeeze %dma_start3A_7 : memref<1x16x80x2x125xi32, #tpu.memory_space<hbm>> -> memref<16x80x2x125xi32, #tpu.memory_space<hbm>>
    %dma_start3A_9 = arith.constant 0 : i32
    %dma_start3A_10 = arith.constant 0 : i32
    %dma_start3A_11 = arith.constant 0 : i32
    %dma_start3A_12 = tpu.memref_slice %dma_start3A_8[%arg1, %dma_start3A_9, %dma_start3A_10, %dma_start3A_11] : memref<16x80x2x125xi32, #tpu.memory_space<hbm>> -> memref<1x80x2x125xi32, #tpu.memory_space<hbm>>
    %dma_start3A_13 = tpu.memref_squeeze %dma_start3A_12 : memref<1x80x2x125xi32, #tpu.memory_space<hbm>> -> memref<80x2x125xi32, #tpu.memory_space<hbm>>
    %dma_start3A_14 = arith.constant 0 : i32
    %dma_start3A_15 = arith.constant 0 : i32
    %dma_start3A_16 = tpu.memref_slice %dma_start3A_13[%dma_start3A, %dma_start3A_14, %dma_start3A_15] : memref<80x2x125xi32, #tpu.memory_space<hbm>> -> memref<1x2x125xi32, #tpu.memory_space<hbm>>
    %dma_start3A_17 = tpu.memref_squeeze %dma_start3A_16 : memref<1x2x125xi32, #tpu.memory_space<hbm>> -> memref<2x125xi32, #tpu.memory_space<hbm>>
    %dma_start3A_18 = arith.constant 0 : i32
    %dma_start3A_19 = arith.constant 0 : i32
    %dma_start3A_20 = arith.constant 0 : i32
    %dma_start3A_21 = arith.constant 0 : i32
    %dma_start3A_22 = tpu.memref_slice %arg3[%arg0, %dma_start3A_18, %dma_start3A_19, %dma_start3A_20, %dma_start3A_21] : memref<2x16x80x2x125xi32, #tpu.memory_space<hbm>> -> memref<1x16x80x2x125xi32, #tpu.memory_space<hbm>>
    %dma_start3A_23 = tpu.memref_squeeze %dma_start3A_22 : memref<1x16x80x2x125xi32, #tpu.memory_space<hbm>> -> memref<16x80x2x125xi32, #tpu.memory_space<hbm>>
    %dma_start3A_24 = arith.constant 0 : i32
    %dma_start3A_25 = arith.constant 0 : i32
    %dma_start3A_26 = arith.constant 0 : i32
    %dma_start3A_27 = tpu.memref_slice %dma_start3A_23[%arg1, %dma_start3A_24, %dma_start3A_25, %dma_start3A_26] : memref<16x80x2x125xi32, #tpu.memory_space<hbm>> -> memref<1x80x2x125xi32, #tpu.memory_space<hbm>>
    %dma_start3A_28 = tpu.memref_squeeze %dma_start3A_27 : memref<1x80x2x125xi32, #tpu.memory_space<hbm>> -> memref<80x2x125xi32, #tpu.memory_space<hbm>>
    %dma_start3A_29 = arith.constant 0 : i32
    %dma_start3A_30 = arith.constant 0 : i32
    %dma_start3A_31 = tpu.memref_slice %dma_start3A_28[%dma_start3A, %dma_start3A_29, %dma_start3A_30] : memref<80x2x125xi32, #tpu.memory_space<hbm>> -> memref<1x2x125xi32, #tpu.memory_space<hbm>>
    %dma_start3A_32 = tpu.memref_squeeze %dma_start3A_31 : memref<1x2x125xi32, #tpu.memory_space<hbm>> -> memref<2x125xi32, #tpu.memory_space<hbm>>
    tpu.enqueue_dma source(%dma_start3A_32 : memref<2x125xi32, #tpu.memory_space<hbm>>) target(%arg6 : memref<2x125xi32, #tpu.memory_space<vmem>>) target_semaphore(%arg11 : memref<!tpu.dma_semaphore, #tpu.memory_space<semaphore_mem>>)
    %dma_start3A_33 = arith.constant 1 : i32
    %dma_start3A_34 = arith.constant 0 : i32
    %dma_start3A_35 = arith.constant 0 : i32
    %dma_start3A_36 = arith.constant 0 : i32
    %dma_start3A_37 = arith.constant 0 : i32
    %dma_start3A_38 = tpu.memref_slice %arg3[%arg0, %dma_start3A_34, %dma_start3A_35, %dma_start3A_36, %dma_start3A_37] : memref<2x16x80x2x125xi32, #tpu.memory_space<hbm>> -> memref<1x16x80x2x125xi32, #tpu.memory_space<hbm>>
    %dma_start3A_39 = tpu.memref_squeeze %dma_start3A_38 : memref<1x16x80x2x125xi32, #tpu.memory_space<hbm>> -> memref<16x80x2x125xi32, #tpu.memory_space<hbm>>
    %dma_start3A_40 = arith.constant 0 : i32
    %dma_start3A_41 = arith.constant 0 : i32
    %dma_start3A_42 = arith.constant 0 : i32
    %dma_start3A_43 = tpu.memref_slice %dma_start3A_39[%arg1, %dma_start3A_40, %dma_start3A_41, %dma_start3A_42] : memref<16x80x2x125xi32, #tpu.memory_space<hbm>> -> memref<1x80x2x125xi32, #tpu.memory_space<hbm>>
    %dma_start3A_44 = tpu.memref_squeeze %dma_start3A_43 : memref<1x80x2x125xi32, #tpu.memory_space<hbm>> -> memref<80x2x125xi32, #tpu.memory_space<hbm>>
    %dma_start3A_45 = arith.constant 0 : i32
    %dma_start3A_46 = arith.constant 0 : i32
    %dma_start3A_47 = tpu.memref_slice %dma_start3A_44[%dma_start3A_33, %dma_start3A_45, %dma_start3A_46] : memref<80x2x125xi32, #tpu.memory_space<hbm>> -> memref<1x2x125xi32, #tpu.memory_space<hbm>>
    %dma_start3A_48 = tpu.memref_squeeze %dma_start3A_47 : memref<1x2x125xi32, #tpu.memory_space<hbm>> -> memref<2x125xi32, #tpu.memory_space<hbm>>
    %dma_start3A_49 = arith.constant 0 : i32
    %dma_start3A_50 = arith.constant 0 : i32
    %dma_start3A_51 = arith.constant 0 : i32
    %dma_start3A_52 = arith.constant 0 : i32
    %dma_start3A_53 = tpu.memref_slice %arg3[%arg0, %dma_start3A_49, %dma_start3A_50, %dma_start3A_51, %dma_start3A_52] : memref<2x16x80x2x125xi32, #tpu.memory_space<hbm>> -> memref<1x16x80x2x125xi32, #tpu.memory_space<hbm>>
    %dma_start3A_54 = tpu.memref_squeeze %dma_start3A_53 : memref<1x16x80x2x125xi32, #tpu.memory_space<hbm>> -> memref<16x80x2x125xi32, #tpu.memory_space<hbm>>
    %dma_start3A_55 = arith.constant 0 : i32
    %dma_start3A_56 = arith.constant 0 : i32
    %dma_start3A_57 = arith.constant 0 : i32
    %dma_start3A_58 = tpu.memref_slice %dma_start3A_54[%arg1, %dma_start3A_55, %dma_start3A_56, %dma_start3A_57] : memref<16x80x2x125xi32, #tpu.memory_space<hbm>> -> memref<1x80x2x125xi32, #tpu.memory_space<hbm>>
    %dma_start3A_59 = tpu.memref_squeeze %dma_start3A_58 : memref<1x80x2x125xi32, #tpu.memory_space<hbm>> -> memref<80x2x125xi32, #tpu.memory_space<hbm>>
    %dma_start3A_60 = arith.constant 0 : i32
    %dma_start3A_61 = arith.constant 0 : i32
    %dma_start3A_62 = tpu.memref_slice %dma_start3A_59[%dma_start3A_33, %dma_start3A_60, %dma_start3A_61] : memref<80x2x125xi32, #tpu.memory_space<hbm>> -> memref<1x2x125xi32, #tpu.memory_space<hbm>>
    %dma_start3A_63 = tpu.memref_squeeze %dma_start3A_62 : memref<1x2x125xi32, #tpu.memory_space<hbm>> -> memref<2x125xi32, #tpu.memory_space<hbm>>
    tpu.enqueue_dma source(%dma_start3A_63 : memref<2x125xi32, #tpu.memory_space<hbm>>) target(%arg7 : memref<2x125xi32, #tpu.memory_space<vmem>>) target_semaphore(%arg12 : memref<!tpu.dma_semaphore, #tpu.memory_space<semaphore_mem>>)
    %dma_wait3A = arith.constant 0 : i32
    %dma_wait3A_64 = arith.constant 0 : i32
    %dma_wait3A_65 = arith.constant 0 : i32
    %dma_wait3A_66 = arith.constant 0 : i32
    %dma_wait3A_67 = arith.constant 0 : i32
    %dma_wait3A_68 = tpu.memref_slice %arg3[%arg0, %dma_wait3A_64, %dma_wait3A_65, %dma_wait3A_66, %dma_wait3A_67] : memref<2x16x80x2x125xi32, #tpu.memory_space<hbm>> -> memref<1x16x80x2x125xi32, #tpu.memory_space<hbm>>
    %dma_wait3A_69 = tpu.memref_squeeze %dma_wait3A_68 : memref<1x16x80x2x125xi32, #tpu.memory_space<hbm>> -> memref<16x80x2x125xi32, #tpu.memory_space<hbm>>
    %dma_wait3A_70 = arith.constant 0 : i32
    %dma_wait3A_71 = arith.constant 0 : i32
    %dma_wait3A_72 = arith.constant 0 : i32
    %dma_wait3A_73 = tpu.memref_slice %dma_wait3A_69[%arg1, %dma_wait3A_70, %dma_wait3A_71, %dma_wait3A_72] : memref<16x80x2x125xi32, #tpu.memory_space<hbm>> -> memref<1x80x2x125xi32, #tpu.memory_space<hbm>>
    %dma_wait3A_74 = tpu.memref_squeeze %dma_wait3A_73 : memref<1x80x2x125xi32, #tpu.memory_space<hbm>> -> memref<80x2x125xi32, #tpu.memory_space<hbm>>
    %dma_wait3A_75 = arith.constant 0 : i32
    %dma_wait3A_76 = arith.constant 0 : i32
    %dma_wait3A_77 = tpu.memref_slice %dma_wait3A_74[%dma_wait3A, %dma_wait3A_75, %dma_wait3A_76] : memref<80x2x125xi32, #tpu.memory_space<hbm>> -> memref<1x2x125xi32, #tpu.memory_space<hbm>>
    %dma_wait3A_78 = tpu.memref_squeeze %dma_wait3A_77 : memref<1x2x125xi32, #tpu.memory_space<hbm>> -> memref<2x125xi32, #tpu.memory_space<hbm>>
    %dma_wait3A_79 = arith.constant 0 : i32
    %dma_wait3A_80 = arith.constant 0 : i32
    %dma_wait3A_81 = arith.constant 0 : i32
    %dma_wait3A_82 = arith.constant 0 : i32
    %dma_wait3A_83 = tpu.memref_slice %arg3[%arg0, %dma_wait3A_79, %dma_wait3A_80, %dma_wait3A_81, %dma_wait3A_82] : memref<2x16x80x2x125xi32, #tpu.memory_space<hbm>> -> memref<1x16x80x2x125xi32, #tpu.memory_space<hbm>>
    %dma_wait3A_84 = tpu.memref_squeeze %dma_wait3A_83 : memref<1x16x80x2x125xi32, #tpu.memory_space<hbm>> -> memref<16x80x2x125xi32, #tpu.memory_space<hbm>>
    %dma_wait3A_85 = arith.constant 0 : i32
    %dma_wait3A_86 = arith.constant 0 : i32
    %dma_wait3A_87 = arith.constant 0 : i32
    %dma_wait3A_88 = tpu.memref_slice %dma_wait3A_84[%arg1, %dma_wait3A_85, %dma_wait3A_86, %dma_wait3A_87] : memref<16x80x2x125xi32, #tpu.memory_space<hbm>> -> memref<1x80x2x125xi32, #tpu.memory_space<hbm>>
    %dma_wait3A_89 = tpu.memref_squeeze %dma_wait3A_88 : memref<1x80x2x125xi32, #tpu.memory_space<hbm>> -> memref<80x2x125xi32, #tpu.memory_space<hbm>>
    %dma_wait3A_90 = arith.constant 0 : i32
    %dma_wait3A_91 = arith.constant 0 : i32
    %dma_wait3A_92 = tpu.memref_slice %dma_wait3A_89[%dma_wait3A, %dma_wait3A_90, %dma_wait3A_91] : memref<80x2x125xi32, #tpu.memory_space<hbm>> -> memref<1x2x125xi32, #tpu.memory_space<hbm>>
    %dma_wait3A_93 = tpu.memref_squeeze %dma_wait3A_92 : memref<1x2x125xi32, #tpu.memory_space<hbm>> -> memref<2x125xi32, #tpu.memory_space<hbm>>
    tpu.wait_dma2 semaphore(%arg11 : memref<!tpu.dma_semaphore, #tpu.memory_space<semaphore_mem>>) src(%dma_wait3A_93 : memref<2x125xi32, #tpu.memory_space<hbm>>) dst(%arg6 : memref<2x125xi32, #tpu.memory_space<vmem>>)
    %dma_start3A_94 = arith.constant 0 : i32
    %dma_start3A_95 = arith.constant 0 : i32
    %dma_start3A_96 = tpu.memref_slice %arg6[%dma_start3A_94, %dma_start3A_95] : memref<2x125xi32, #tpu.memory_space<vmem>> -> memref<1x125xi32, #tpu.memory_space<vmem>>
    %dma_start3A_97 = tpu.memref_squeeze %dma_start3A_96 : memref<1x125xi32, #tpu.memory_space<vmem>> -> memref<125xi32, #tpu.memory_space<vmem>>
    %dma_start3A_98 = arith.constant 0 : i32
    %dma_start3A_99 = arith.constant 0 : i32
    %dma_start3A_100 = tpu.memref_slice %arg2[%dma_start3A_98, %dma_start3A_99] : memref<10240x128xf32, #tpu.memory_space<hbm>> -> memref<10240x128xf32, #tpu.memory_space<hbm>>
    tpu.enqueue_indirect_dma source(%dma_start3A_100 : memref<10240x128xf32, #tpu.memory_space<hbm>>) target(%arg8 : memref<125x128xf32, #tpu.memory_space<vmem>>) offsets(%dma_start3A_97 : memref<125xi32, #tpu.memory_space<vmem>>) semaphore(%arg13 : memref<!tpu.dma_semaphore, #tpu.memory_space<semaphore_mem>>)
    %scan3A = arith.constant 0 : i32
    %scan3A_101 = arith.constant 40 : i32
    %scan3A_102 = arith.addi %scan3A, %scan3A_101 : i32
    %scan3A_103 = arith.constant 1 : i32
    scf.for %scan3A_110 = %scan3A to %scan3A_102 step %scan3A_103  : i32 {
      %mul3A_111 = arith.constant 2 : i32
      %mul3A_112 = arith.muli %mul3A_111, %scan3A_110 : i32
      %add3A = arith.constant 0 : i32
      %add3A_113 = arith.addi %mul3A_112, %add3A : i32
      %add3A_114 = arith.constant 1 : i32
      %add3A_115 = arith.addi %add3A_113, %add3A_114 : i32
      %lt3A = arith.constant 80 : i32
      %lt3A_116 = arith.cmpi slt, %add3A_115, %lt3A : i32
      %convert_element_type3A = arith.extui %lt3A_116 : i1 to i32
      %cond3A = arith.constant 0 : i32
      %cond3A_117 = arith.cmpi ne, %convert_element_type3A, %cond3A : i32
      scf.if %cond3A_117 {
        %add3A_158 = arith.constant 1 : i32
        %add3A_159 = arith.addi %add3A_113, %add3A_158 : i32
        %dma_wait3A_160 = arith.constant 0 : i32
        %dma_wait3A_161 = arith.constant 0 : i32
        %dma_wait3A_162 = arith.constant 0 : i32
        %dma_wait3A_163 = arith.constant 0 : i32
        %dma_wait3A_164 = tpu.memref_slice %arg3[%arg0, %dma_wait3A_160, %dma_wait3A_161, %dma_wait3A_162, %dma_wait3A_163] : memref<2x16x80x2x125xi32, #tpu.memory_space<hbm>> -> memref<1x16x80x2x125xi32, #tpu.memory_space<hbm>>
        %dma_wait3A_165 = tpu.memref_squeeze %dma_wait3A_164 : memref<1x16x80x2x125xi32, #tpu.memory_space<hbm>> -> memref<16x80x2x125xi32, #tpu.memory_space<hbm>>
        %dma_wait3A_166 = arith.constant 0 : i32
        %dma_wait3A_167 = arith.constant 0 : i32
        %dma_wait3A_168 = arith.constant 0 : i32
        %dma_wait3A_169 = tpu.memref_slice %dma_wait3A_165[%arg1, %dma_wait3A_166, %dma_wait3A_167, %dma_wait3A_168] : memref<16x80x2x125xi32, #tpu.memory_space<hbm>> -> memref<1x80x2x125xi32, #tpu.memory_space<hbm>>
        %dma_wait3A_170 = tpu.memref_squeeze %dma_wait3A_169 : memref<1x80x2x125xi32, #tpu.memory_space<hbm>> -> memref<80x2x125xi32, #tpu.memory_space<hbm>>
        %dma_wait3A_171 = arith.constant 0 : i32
        %dma_wait3A_172 = arith.constant 0 : i32
        %dma_wait3A_173 = tpu.memref_slice %dma_wait3A_170[%add3A_159, %dma_wait3A_171, %dma_wait3A_172] : memref<80x2x125xi32, #tpu.memory_space<hbm>> -> memref<1x2x125xi32, #tpu.memory_space<hbm>>
        %dma_wait3A_174 = tpu.memref_squeeze %dma_wait3A_173 : memref<1x2x125xi32, #tpu.memory_space<hbm>> -> memref<2x125xi32, #tpu.memory_space<hbm>>
        %dma_wait3A_175 = arith.constant 0 : i32
        %dma_wait3A_176 = arith.constant 0 : i32
        %dma_wait3A_177 = arith.constant 0 : i32
        %dma_wait3A_178 = arith.constant 0 : i32
        %dma_wait3A_179 = tpu.memref_slice %arg3[%arg0, %dma_wait3A_175, %dma_wait3A_176, %dma_wait3A_177, %dma_wait3A_178] : memref<2x16x80x2x125xi32, #tpu.memory_space<hbm>> -> memref<1x16x80x2x125xi32, #tpu.memory_space<hbm>>
        %dma_wait3A_180 = tpu.memref_squeeze %dma_wait3A_179 : memref<1x16x80x2x125xi32, #tpu.memory_space<hbm>> -> memref<16x80x2x125xi32, #tpu.memory_space<hbm>>
        %dma_wait3A_181 = arith.constant 0 : i32
        %dma_wait3A_182 = arith.constant 0 : i32
        %dma_wait3A_183 = arith.constant 0 : i32
        %dma_wait3A_184 = tpu.memref_slice %dma_wait3A_180[%arg1, %dma_wait3A_181, %dma_wait3A_182, %dma_wait3A_183] : memref<16x80x2x125xi32, #tpu.memory_space<hbm>> -> memref<1x80x2x125xi32, #tpu.memory_space<hbm>>
        %dma_wait3A_185 = tpu.memref_squeeze %dma_wait3A_184 : memref<1x80x2x125xi32, #tpu.memory_space<hbm>> -> memref<80x2x125xi32, #tpu.memory_space<hbm>>
        %dma_wait3A_186 = arith.constant 0 : i32
        %dma_wait3A_187 = arith.constant 0 : i32
        %dma_wait3A_188 = tpu.memref_slice %dma_wait3A_185[%add3A_159, %dma_wait3A_186, %dma_wait3A_187] : memref<80x2x125xi32, #tpu.memory_space<hbm>> -> memref<1x2x125xi32, #tpu.memory_space<hbm>>
        %dma_wait3A_189 = tpu.memref_squeeze %dma_wait3A_188 : memref<1x2x125xi32, #tpu.memory_space<hbm>> -> memref<2x125xi32, #tpu.memory_space<hbm>>
        tpu.wait_dma2 semaphore(%arg12 : memref<!tpu.dma_semaphore, #tpu.memory_space<semaphore_mem>>) src(%dma_wait3A_189 : memref<2x125xi32, #tpu.memory_space<hbm>>) dst(%arg7 : memref<2x125xi32, #tpu.memory_space<vmem>>)
        %dma_start3A_190 = arith.constant 0 : i32
        %dma_start3A_191 = arith.constant 0 : i32
        %dma_start3A_192 = tpu.memref_slice %arg7[%dma_start3A_190, %dma_start3A_191] : memref<2x125xi32, #tpu.memory_space<vmem>> -> memref<1x125xi32, #tpu.memory_space<vmem>>
        %dma_start3A_193 = tpu.memref_squeeze %dma_start3A_192 : memref<1x125xi32, #tpu.memory_space<vmem>> -> memref<125xi32, #tpu.memory_space<vmem>>
        %dma_start3A_194 = arith.constant 0 : i32
        %dma_start3A_195 = arith.constant 0 : i32
        %dma_start3A_196 = tpu.memref_slice %arg2[%dma_start3A_194, %dma_start3A_195] : memref<10240x128xf32, #tpu.memory_space<hbm>> -> memref<10240x128xf32, #tpu.memory_space<hbm>>
        tpu.enqueue_indirect_dma source(%dma_start3A_196 : memref<10240x128xf32, #tpu.memory_space<hbm>>) target(%arg9 : memref<125x128xf32, #tpu.memory_space<vmem>>) offsets(%dma_start3A_193 : memref<125xi32, #tpu.memory_space<vmem>>) semaphore(%arg14 : memref<!tpu.dma_semaphore, #tpu.memory_space<semaphore_mem>>)
      } else {
      }
      %dma_wait3A_118 = arith.constant 0 : i32
      %dma_wait3A_119 = arith.constant 0 : i32
      %dma_wait3A_120 = tpu.memref_slice %arg6[%dma_wait3A_118, %dma_wait3A_119] : memref<2x125xi32, #tpu.memory_space<vmem>> -> memref<1x125xi32, #tpu.memory_space<vmem>>
      %dma_wait3A_121 = tpu.memref_squeeze %dma_wait3A_120 : memref<1x125xi32, #tpu.memory_space<vmem>> -> memref<125xi32, #tpu.memory_space<vmem>>
      %dma_wait3A_122 = arith.constant 0 : i32
      %dma_wait3A_123 = arith.constant 0 : i32
      %dma_wait3A_124 = tpu.memref_slice %arg2[%dma_wait3A_122, %dma_wait3A_123] : memref<10240x128xf32, #tpu.memory_space<hbm>> -> memref<10240x128xf32, #tpu.memory_space<hbm>>
      tpu.wait_indirect_dma semaphore(%arg13 : memref<!tpu.dma_semaphore, #tpu.memory_space<semaphore_mem>>) src(%dma_wait3A_124 : memref<10240x128xf32, #tpu.memory_space<hbm>>) dst(%arg8 : memref<125x128xf32, #tpu.memory_space<vmem>>)
      %run_scoped3A = arith.constant 1 : i32
      "tpu.region"() ({
        %run_scoped3A_158 = tpu.sem_alloc : memref<!tpu.dma_semaphore, #tpu.memory_space<semaphore_mem>>
        %dma_start3A_159 = arith.constant 0 : i32
        %dma_start3A_160 = tpu.memref_slice %arg6[%run_scoped3A, %dma_start3A_159] : memref<2x125xi32, #tpu.memory_space<vmem>> -> memref<1x125xi32, #tpu.memory_space<vmem>>
        %dma_start3A_161 = tpu.memref_squeeze %dma_start3A_160 : memref<1x125xi32, #tpu.memory_space<vmem>> -> memref<125xi32, #tpu.memory_space<vmem>>
        %dma_start3A_162 = arith.constant 0 : i32
        %dma_start3A_163 = arith.constant 0 : i32
        %dma_start3A_164 = tpu.memref_slice %arg10[%dma_start3A_162, %dma_start3A_163] : memref<10240x128xf32, #tpu.memory_space<vmem_shared>> -> memref<10240x128xf32, #tpu.memory_space<vmem_shared>>
        tpu.enqueue_indirect_dma source(%arg8 : memref<125x128xf32, #tpu.memory_space<vmem>>) target(%dma_start3A_164 : memref<10240x128xf32, #tpu.memory_space<vmem_shared>>) offsets(%dma_start3A_161 : memref<125xi32, #tpu.memory_space<vmem>>) semaphore(%run_scoped3A_158 : memref<!tpu.dma_semaphore, #tpu.memory_space<semaphore_mem>>) {add = true}
        %dma_wait3A_165 = arith.constant 0 : i32
        %dma_wait3A_166 = tpu.memref_slice %arg6[%run_scoped3A, %dma_wait3A_165] : memref<2x125xi32, #tpu.memory_space<vmem>> -> memref<1x125xi32, #tpu.memory_space<vmem>>
        %dma_wait3A_167 = tpu.memref_squeeze %dma_wait3A_166 : memref<1x125xi32, #tpu.memory_space<vmem>> -> memref<125xi32, #tpu.memory_space<vmem>>
        %dma_wait3A_168 = arith.constant 0 : i32
        %dma_wait3A_169 = arith.constant 0 : i32
        %dma_wait3A_170 = tpu.memref_slice %arg10[%dma_wait3A_168, %dma_wait3A_169] : memref<10240x128xf32, #tpu.memory_space<vmem_shared>> -> memref<10240x128xf32, #tpu.memory_space<vmem_shared>>
        tpu.wait_indirect_dma semaphore(%run_scoped3A_158 : memref<!tpu.dma_semaphore, #tpu.memory_space<semaphore_mem>>) src(%arg8 : memref<125x128xf32, #tpu.memory_space<vmem>>) dst(%dma_wait3A_170 : memref<10240x128xf32, #tpu.memory_space<vmem_shared>>)
        tpu.yield
      }) : () -> ()
      %add3A_125 = arith.constant 2 : i32
      %add3A_126 = arith.addi %add3A_113, %add3A_125 : i32
      %lt3A_127 = arith.constant 80 : i32
      %lt3A_128 = arith.cmpi slt, %add3A_126, %lt3A_127 : i32
      %convert_element_type3A_129 = arith.extui %lt3A_128 : i1 to i32
      %cond3A_130 = arith.constant 0 : i32
      %cond3A_131 = arith.cmpi ne, %convert_element_type3A_129, %cond3A_130 : i32
      scf.if %cond3A_131 {
        %add3A_158 = arith.constant 2 : i32
        %add3A_159 = arith.addi %add3A_113, %add3A_158 : i32
        %dma_start3A_160 = arith.constant 0 : i32
        %dma_start3A_161 = arith.constant 0 : i32
        %dma_start3A_162 = arith.constant 0 : i32
        %dma_start3A_163 = arith.constant 0 : i32
        %dma_start3A_164 = tpu.memref_slice %arg3[%arg0, %dma_start3A_160, %dma_start3A_161, %dma_start3A_162, %dma_start3A_163] : memref<2x16x80x2x125xi32, #tpu.memory_space<hbm>> -> memref<1x16x80x2x125xi32, #tpu.memory_space<hbm>>
        %dma_start3A_165 = tpu.memref_squeeze %dma_start3A_164 : memref<1x16x80x2x125xi32, #tpu.memory_space<hbm>> -> memref<16x80x2x125xi32, #tpu.memory_space<hbm>>
        %dma_start3A_166 = arith.constant 0 : i32
        %dma_start3A_167 = arith.constant 0 : i32
        %dma_start3A_168 = arith.constant 0 : i32
        %dma_start3A_169 = tpu.memref_slice %dma_start3A_165[%arg1, %dma_start3A_166, %dma_start3A_167, %dma_start3A_168] : memref<16x80x2x125xi32, #tpu.memory_space<hbm>> -> memref<1x80x2x125xi32, #tpu.memory_space<hbm>>
        %dma_start3A_170 = tpu.memref_squeeze %dma_start3A_169 : memref<1x80x2x125xi32, #tpu.memory_space<hbm>> -> memref<80x2x125xi32, #tpu.memory_space<hbm>>
        %dma_start3A_171 = arith.constant 0 : i32
        %dma_start3A_172 = arith.constant 0 : i32
        %dma_start3A_173 = tpu.memref_slice %dma_start3A_170[%add3A_159, %dma_start3A_171, %dma_start3A_172] : memref<80x2x125xi32, #tpu.memory_space<hbm>> -> memref<1x2x125xi32, #tpu.memory_space<hbm>>
        %dma_start3A_174 = tpu.memref_squeeze %dma_start3A_173 : memref<1x2x125xi32, #tpu.memory_space<hbm>> -> memref<2x125xi32, #tpu.memory_space<hbm>>
        %dma_start3A_175 = arith.constant 0 : i32
        %dma_start3A_176 = arith.constant 0 : i32
        %dma_start3A_177 = arith.constant 0 : i32
        %dma_start3A_178 = arith.constant 0 : i32
        %dma_start3A_179 = tpu.memref_slice %arg3[%arg0, %dma_start3A_175, %dma_start3A_176, %dma_start3A_177, %dma_start3A_178] : memref<2x16x80x2x125xi32, #tpu.memory_space<hbm>> -> memref<1x16x80x2x125xi32, #tpu.memory_space<hbm>>
        %dma_start3A_180 = tpu.memref_squeeze %dma_start3A_179 : memref<1x16x80x2x125xi32, #tpu.memory_space<hbm>> -> memref<16x80x2x125xi32, #tpu.memory_space<hbm>>
        %dma_start3A_181 = arith.constant 0 : i32
        %dma_start3A_182 = arith.constant 0 : i32
        %dma_start3A_183 = arith.constant 0 : i32
        %dma_start3A_184 = tpu.memref_slice %dma_start3A_180[%arg1, %dma_start3A_181, %dma_start3A_182, %dma_start3A_183] : memref<16x80x2x125xi32, #tpu.memory_space<hbm>> -> memref<1x80x2x125xi32, #tpu.memory_space<hbm>>
        %dma_start3A_185 = tpu.memref_squeeze %dma_start3A_184 : memref<1x80x2x125xi32, #tpu.memory_space<hbm>> -> memref<80x2x125xi32, #tpu.memory_space<hbm>>
        %dma_start3A_186 = arith.constant 0 : i32
        %dma_start3A_187 = arith.constant 0 : i32
        %dma_start3A_188 = tpu.memref_slice %dma_start3A_185[%add3A_159, %dma_start3A_186, %dma_start3A_187] : memref<80x2x125xi32, #tpu.memory_space<hbm>> -> memref<1x2x125xi32, #tpu.memory_space<hbm>>
        %dma_start3A_189 = tpu.memref_squeeze %dma_start3A_188 : memref<1x2x125xi32, #tpu.memory_space<hbm>> -> memref<2x125xi32, #tpu.memory_space<hbm>>
        tpu.enqueue_dma source(%dma_start3A_189 : memref<2x125xi32, #tpu.memory_space<hbm>>) target(%arg6 : memref<2x125xi32, #tpu.memory_space<vmem>>) target_semaphore(%arg11 : memref<!tpu.dma_semaphore, #tpu.memory_space<semaphore_mem>>)
      } else {
      }
      %mul3A_132 = arith.constant 2 : i32
      %mul3A_133 = arith.muli %mul3A_132, %scan3A_110 : i32
      %add3A_134 = arith.constant 1 : i32
      %add3A_135 = arith.addi %mul3A_133, %add3A_134 : i32
      %add3A_136 = arith.constant 1 : i32
      %add3A_137 = arith.addi %add3A_135, %add3A_136 : i32
      %lt3A_138 = arith.constant 80 : i32
      %lt3A_139 = arith.cmpi slt, %add3A_137, %lt3A_138 : i32
      %convert_element_type3A_140 = arith.extui %lt3A_139 : i1 to i32
      %cond3A_141 = arith.constant 0 : i32
      %cond3A_142 = arith.cmpi ne, %convert_element_type3A_140, %cond3A_141 : i32
      scf.if %cond3A_142 {
        %add3A_158 = arith.constant 1 : i32
        %add3A_159 = arith.addi %add3A_135, %add3A_158 : i32
        %dma_wait3A_160 = arith.constant 0 : i32
        %dma_wait3A_161 = arith.constant 0 : i32
        %dma_wait3A_162 = arith.constant 0 : i32
        %dma_wait3A_163 = arith.constant 0 : i32
        %dma_wait3A_164 = tpu.memref_slice %arg3[%arg0, %dma_wait3A_160, %dma_wait3A_161, %dma_wait3A_162, %dma_wait3A_163] : memref<2x16x80x2x125xi32, #tpu.memory_space<hbm>> -> memref<1x16x80x2x125xi32, #tpu.memory_space<hbm>>
        %dma_wait3A_165 = tpu.memref_squeeze %dma_wait3A_164 : memref<1x16x80x2x125xi32, #tpu.memory_space<hbm>> -> memref<16x80x2x125xi32, #tpu.memory_space<hbm>>
        %dma_wait3A_166 = arith.constant 0 : i32
        %dma_wait3A_167 = arith.constant 0 : i32
        %dma_wait3A_168 = arith.constant 0 : i32
        %dma_wait3A_169 = tpu.memref_slice %dma_wait3A_165[%arg1, %dma_wait3A_166, %dma_wait3A_167, %dma_wait3A_168] : memref<16x80x2x125xi32, #tpu.memory_space<hbm>> -> memref<1x80x2x125xi32, #tpu.memory_space<hbm>>
        %dma_wait3A_170 = tpu.memref_squeeze %dma_wait3A_169 : memref<1x80x2x125xi32, #tpu.memory_space<hbm>> -> memref<80x2x125xi32, #tpu.memory_space<hbm>>
        %dma_wait3A_171 = arith.constant 0 : i32
        %dma_wait3A_172 = arith.constant 0 : i32
        %dma_wait3A_173 = tpu.memref_slice %dma_wait3A_170[%add3A_159, %dma_wait3A_171, %dma_wait3A_172] : memref<80x2x125xi32, #tpu.memory_space<hbm>> -> memref<1x2x125xi32, #tpu.memory_space<hbm>>
        %dma_wait3A_174 = tpu.memref_squeeze %dma_wait3A_173 : memref<1x2x125xi32, #tpu.memory_space<hbm>> -> memref<2x125xi32, #tpu.memory_space<hbm>>
        %dma_wait3A_175 = arith.constant 0 : i32
        %dma_wait3A_176 = arith.constant 0 : i32
        %dma_wait3A_177 = arith.constant 0 : i32
        %dma_wait3A_178 = arith.constant 0 : i32
        %dma_wait3A_179 = tpu.memref_slice %arg3[%arg0, %dma_wait3A_175, %dma_wait3A_176, %dma_wait3A_177, %dma_wait3A_178] : memref<2x16x80x2x125xi32, #tpu.memory_space<hbm>> -> memref<1x16x80x2x125xi32, #tpu.memory_space<hbm>>
        %dma_wait3A_180 = tpu.memref_squeeze %dma_wait3A_179 : memref<1x16x80x2x125xi32, #tpu.memory_space<hbm>> -> memref<16x80x2x125xi32, #tpu.memory_space<hbm>>
        %dma_wait3A_181 = arith.constant 0 : i32
        %dma_wait3A_182 = arith.constant 0 : i32
        %dma_wait3A_183 = arith.constant 0 : i32
        %dma_wait3A_184 = tpu.memref_slice %dma_wait3A_180[%arg1, %dma_wait3A_181, %dma_wait3A_182, %dma_wait3A_183] : memref<16x80x2x125xi32, #tpu.memory_space<hbm>> -> memref<1x80x2x125xi32, #tpu.memory_space<hbm>>
        %dma_wait3A_185 = tpu.memref_squeeze %dma_wait3A_184 : memref<1x80x2x125xi32, #tpu.memory_space<hbm>> -> memref<80x2x125xi32, #tpu.memory_space<hbm>>
        %dma_wait3A_186 = arith.constant 0 : i32
        %dma_wait3A_187 = arith.constant 0 : i32
        %dma_wait3A_188 = tpu.memref_slice %dma_wait3A_185[%add3A_159, %dma_wait3A_186, %dma_wait3A_187] : memref<80x2x125xi32, #tpu.memory_space<hbm>> -> memref<1x2x125xi32, #tpu.memory_space<hbm>>
        %dma_wait3A_189 = tpu.memref_squeeze %dma_wait3A_188 : memref<1x2x125xi32, #tpu.memory_space<hbm>> -> memref<2x125xi32, #tpu.memory_space<hbm>>
        tpu.wait_dma2 semaphore(%arg11 : memref<!tpu.dma_semaphore, #tpu.memory_space<semaphore_mem>>) src(%dma_wait3A_189 : memref<2x125xi32, #tpu.memory_space<hbm>>) dst(%arg6 : memref<2x125xi32, #tpu.memory_space<vmem>>)
        %dma_start3A_190 = arith.constant 0 : i32
        %dma_start3A_191 = arith.constant 0 : i32
        %dma_start3A_192 = tpu.memref_slice %arg6[%dma_start3A_190, %dma_start3A_191] : memref<2x125xi32, #tpu.memory_space<vmem>> -> memref<1x125xi32, #tpu.memory_space<vmem>>
        %dma_start3A_193 = tpu.memref_squeeze %dma_start3A_192 : memref<1x125xi32, #tpu.memory_space<vmem>> -> memref<125xi32, #tpu.memory_space<vmem>>
        %dma_start3A_194 = arith.constant 0 : i32
        %dma_start3A_195 = arith.constant 0 : i32
        %dma_start3A_196 = tpu.memref_slice %arg2[%dma_start3A_194, %dma_start3A_195] : memref<10240x128xf32, #tpu.memory_space<hbm>> -> memref<10240x128xf32, #tpu.memory_space<hbm>>
        tpu.enqueue_indirect_dma source(%dma_start3A_196 : memref<10240x128xf32, #tpu.memory_space<hbm>>) target(%arg8 : memref<125x128xf32, #tpu.memory_space<vmem>>) offsets(%dma_start3A_193 : memref<125xi32, #tpu.memory_space<vmem>>) semaphore(%arg13 : memref<!tpu.dma_semaphore, #tpu.memory_space<semaphore_mem>>)
      } else {
      }
      %dma_wait3A_143 = arith.constant 0 : i32
      %dma_wait3A_144 = arith.constant 0 : i32
      %dma_wait3A_145 = tpu.memref_slice %arg7[%dma_wait3A_143, %dma_wait3A_144] : memref<2x125xi32, #tpu.memory_space<vmem>> -> memref<1x125xi32, #tpu.memory_space<vmem>>
      %dma_wait3A_146 = tpu.memref_squeeze %dma_wait3A_145 : memref<1x125xi32, #tpu.memory_space<vmem>> -> memref<125xi32, #tpu.memory_space<vmem>>
      %dma_wait3A_147 = arith.constant 0 : i32
      %dma_wait3A_148 = arith.constant 0 : i32
      %dma_wait3A_149 = tpu.memref_slice %arg2[%dma_wait3A_147, %dma_wait3A_148] : memref<10240x128xf32, #tpu.memory_space<hbm>> -> memref<10240x128xf32, #tpu.memory_space<hbm>>
      tpu.wait_indirect_dma semaphore(%arg14 : memref<!tpu.dma_semaphore, #tpu.memory_space<semaphore_mem>>) src(%dma_wait3A_149 : memref<10240x128xf32, #tpu.memory_space<hbm>>) dst(%arg9 : memref<125x128xf32, #tpu.memory_space<vmem>>)
      %run_scoped3A_150 = arith.constant 1 : i32
      "tpu.region"() ({
        %run_scoped3A_158 = tpu.sem_alloc : memref<!tpu.dma_semaphore, #tpu.memory_space<semaphore_mem>>
        %dma_start3A_159 = arith.constant 0 : i32
        %dma_start3A_160 = tpu.memref_slice %arg7[%run_scoped3A_150, %dma_start3A_159] : memref<2x125xi32, #tpu.memory_space<vmem>> -> memref<1x125xi32, #tpu.memory_space<vmem>>
        %dma_start3A_161 = tpu.memref_squeeze %dma_start3A_160 : memref<1x125xi32, #tpu.memory_space<vmem>> -> memref<125xi32, #tpu.memory_space<vmem>>
        %dma_start3A_162 = arith.constant 0 : i32
        %dma_start3A_163 = arith.constant 0 : i32
        %dma_start3A_164 = tpu.memref_slice %arg10[%dma_start3A_162, %dma_start3A_163] : memref<10240x128xf32, #tpu.memory_space<vmem_shared>> -> memref<10240x128xf32, #tpu.memory_space<vmem_shared>>
        tpu.enqueue_indirect_dma source(%arg9 : memref<125x128xf32, #tpu.memory_space<vmem>>) target(%dma_start3A_164 : memref<10240x128xf32, #tpu.memory_space<vmem_shared>>) offsets(%dma_start3A_161 : memref<125xi32, #tpu.memory_space<vmem>>) semaphore(%run_scoped3A_158 : memref<!tpu.dma_semaphore, #tpu.memory_space<semaphore_mem>>) {add = true}
        %dma_wait3A_165 = arith.constant 0 : i32
        %dma_wait3A_166 = tpu.memref_slice %arg7[%run_scoped3A_150, %dma_wait3A_165] : memref<2x125xi32, #tpu.memory_space<vmem>> -> memref<1x125xi32, #tpu.memory_space<vmem>>
        %dma_wait3A_167 = tpu.memref_squeeze %dma_wait3A_166 : memref<1x125xi32, #tpu.memory_space<vmem>> -> memref<125xi32, #tpu.memory_space<vmem>>
        %dma_wait3A_168 = arith.constant 0 : i32
        %dma_wait3A_169 = arith.constant 0 : i32
        %dma_wait3A_170 = tpu.memref_slice %arg10[%dma_wait3A_168, %dma_wait3A_169] : memref<10240x128xf32, #tpu.memory_space<vmem_shared>> -> memref<10240x128xf32, #tpu.memory_space<vmem_shared>>
        tpu.wait_indirect_dma semaphore(%run_scoped3A_158 : memref<!tpu.dma_semaphore, #tpu.memory_space<semaphore_mem>>) src(%arg9 : memref<125x128xf32, #tpu.memory_space<vmem>>) dst(%dma_wait3A_170 : memref<10240x128xf32, #tpu.memory_space<vmem_shared>>)
        tpu.yield
      }) : () -> ()
      %add3A_151 = arith.constant 2 : i32
      %add3A_152 = arith.addi %add3A_135, %add3A_151 : i32
      %lt3A_153 = arith.constant 80 : i32
      %lt3A_154 = arith.cmpi slt, %add3A_152, %lt3A_153 : i32
      %convert_element_type3A_155 = arith.extui %lt3A_154 : i1 to i32
      %cond3A_156 = arith.constant 0 : i32
      %cond3A_157 = arith.cmpi ne, %convert_element_type3A_155, %cond3A_156 : i32
      scf.if %cond3A_157 {
        %add3A_158 = arith.constant 2 : i32
        %add3A_159 = arith.addi %add3A_135, %add3A_158 : i32
        %dma_start3A_160 = arith.constant 0 : i32
        %dma_start3A_161 = arith.constant 0 : i32
        %dma_start3A_162 = arith.constant 0 : i32
        %dma_start3A_163 = arith.constant 0 : i32
        %dma_start3A_164 = tpu.memref_slice %arg3[%arg0, %dma_start3A_160, %dma_start3A_161, %dma_start3A_162, %dma_start3A_163] : memref<2x16x80x2x125xi32, #tpu.memory_space<hbm>> -> memref<1x16x80x2x125xi32, #tpu.memory_space<hbm>>
        %dma_start3A_165 = tpu.memref_squeeze %dma_start3A_164 : memref<1x16x80x2x125xi32, #tpu.memory_space<hbm>> -> memref<16x80x2x125xi32, #tpu.memory_space<hbm>>
        %dma_start3A_166 = arith.constant 0 : i32
        %dma_start3A_167 = arith.constant 0 : i32
        %dma_start3A_168 = arith.constant 0 : i32
        %dma_start3A_169 = tpu.memref_slice %dma_start3A_165[%arg1, %dma_start3A_166, %dma_start3A_167, %dma_start3A_168] : memref<16x80x2x125xi32, #tpu.memory_space<hbm>> -> memref<1x80x2x125xi32, #tpu.memory_space<hbm>>
        %dma_start3A_170 = tpu.memref_squeeze %dma_start3A_169 : memref<1x80x2x125xi32, #tpu.memory_space<hbm>> -> memref<80x2x125xi32, #tpu.memory_space<hbm>>
        %dma_start3A_171 = arith.constant 0 : i32
        %dma_start3A_172 = arith.constant 0 : i32
        %dma_start3A_173 = tpu.memref_slice %dma_start3A_170[%add3A_159, %dma_start3A_171, %dma_start3A_172] : memref<80x2x125xi32, #tpu.memory_space<hbm>> -> memref<1x2x125xi32, #tpu.memory_space<hbm>>
        %dma_start3A_174 = tpu.memref_squeeze %dma_start3A_173 : memref<1x2x125xi32, #tpu.memory_space<hbm>> -> memref<2x125xi32, #tpu.memory_space<hbm>>
        %dma_start3A_175 = arith.constant 0 : i32
        %dma_start3A_176 = arith.constant 0 : i32
        %dma_start3A_177 = arith.constant 0 : i32
        %dma_start3A_178 = arith.constant 0 : i32
        %dma_start3A_179 = tpu.memref_slice %arg3[%arg0, %dma_start3A_175, %dma_start3A_176, %dma_start3A_177, %dma_start3A_178] : memref<2x16x80x2x125xi32, #tpu.memory_space<hbm>> -> memref<1x16x80x2x125xi32, #tpu.memory_space<hbm>>
        %dma_start3A_180 = tpu.memref_squeeze %dma_start3A_179 : memref<1x16x80x2x125xi32, #tpu.memory_space<hbm>> -> memref<16x80x2x125xi32, #tpu.memory_space<hbm>>
        %dma_start3A_181 = arith.constant 0 : i32
        %dma_start3A_182 = arith.constant 0 : i32
        %dma_start3A_183 = arith.constant 0 : i32
        %dma_start3A_184 = tpu.memref_slice %dma_start3A_180[%arg1, %dma_start3A_181, %dma_start3A_182, %dma_start3A_183] : memref<16x80x2x125xi32, #tpu.memory_space<hbm>> -> memref<1x80x2x125xi32, #tpu.memory_space<hbm>>
        %dma_start3A_185 = tpu.memref_squeeze %dma_start3A_184 : memref<1x80x2x125xi32, #tpu.memory_space<hbm>> -> memref<80x2x125xi32, #tpu.memory_space<hbm>>
        %dma_start3A_186 = arith.constant 0 : i32
        %dma_start3A_187 = arith.constant 0 : i32
        %dma_start3A_188 = tpu.memref_slice %dma_start3A_185[%add3A_159, %dma_start3A_186, %dma_start3A_187] : memref<80x2x125xi32, #tpu.memory_space<hbm>> -> memref<1x2x125xi32, #tpu.memory_space<hbm>>
        %dma_start3A_189 = tpu.memref_squeeze %dma_start3A_188 : memref<1x2x125xi32, #tpu.memory_space<hbm>> -> memref<2x125xi32, #tpu.memory_space<hbm>>
        tpu.enqueue_dma source(%dma_start3A_189 : memref<2x125xi32, #tpu.memory_space<hbm>>) target(%arg7 : memref<2x125xi32, #tpu.memory_space<vmem>>) target_semaphore(%arg12 : memref<!tpu.dma_semaphore, #tpu.memory_space<semaphore_mem>>)
      } else {
      }
    }
    %scan3A_104 = arith.constant 40 : i32
    %barrier3A_105 = arith.constant 0 : index
    tpu.barrier barrier_id(%barrier3A_105)
    %mul3A_106 = arith.constant 640 : i32
    %mul3A_107 = arith.muli %arg1, %mul3A_106 : i32
    %mul3A_108 = arith.constant 640 : i32
    %mul3A_109 = arith.muli %arg1, %mul3A_108 : i32
    "tpu.region"() ({
      %run_scoped3A = tpu.sem_alloc : memref<!tpu.dma_semaphore, #tpu.memory_space<semaphore_mem>>
      %dma_start3A_110 = arith.constant 0 : i32
      %dma_start3A_111 = tpu.memref_slice %arg5[%arg0, %mul3A_109, %dma_start3A_110] : memref<2x10240x128xf32, #tpu.memory_space<hbm>> -> memref<1x640x128xf32, #tpu.memory_space<hbm>>
      %dma_start3A_112 = tpu.memref_squeeze %dma_start3A_111 : memref<1x640x128xf32, #tpu.memory_space<hbm>> -> memref<640x128xf32, #tpu.memory_space<hbm>>
      %dma_start3A_113 = arith.constant 0 : i32
      %dma_start3A_114 = tpu.memref_slice %arg10[%mul3A_107, %dma_start3A_113] : memref<10240x128xf32, #tpu.memory_space<vmem_shared>> -> memref<640x128xf32, #tpu.memory_space<vmem_shared>>
      tpu.enqueue_dma source(%dma_start3A_114 : memref<640x128xf32, #tpu.memory_space<vmem_shared>>) target(%dma_start3A_112 : memref<640x128xf32, #tpu.memory_space<hbm>>) target_semaphore(%run_scoped3A : memref<!tpu.dma_semaphore, #tpu.memory_space<semaphore_mem>>)
      %dma_wait3A_115 = arith.constant 0 : i32
      %dma_wait3A_116 = tpu.memref_slice %arg5[%arg0, %mul3A_109, %dma_wait3A_115] : memref<2x10240x128xf32, #tpu.memory_space<hbm>> -> memref<1x640x128xf32, #tpu.memory_space<hbm>>
      %dma_wait3A_117 = tpu.memref_squeeze %dma_wait3A_116 : memref<1x640x128xf32, #tpu.memory_space<hbm>> -> memref<640x128xf32, #tpu.memory_space<hbm>>
      %dma_wait3A_118 = arith.constant 0 : i32
      %dma_wait3A_119 = tpu.memref_slice %arg10[%mul3A_107, %dma_wait3A_118] : memref<10240x128xf32, #tpu.memory_space<vmem_shared>> -> memref<640x128xf32, #tpu.memory_space<vmem_shared>>
      tpu.wait_dma2 semaphore(%run_scoped3A : memref<!tpu.dma_semaphore, #tpu.memory_space<semaphore_mem>>) src(%dma_wait3A_119 : memref<640x128xf32, #tpu.memory_space<vmem_shared>>) dst(%dma_wait3A_117 : memref<640x128xf32, #tpu.memory_space<hbm>>)
      tpu.yield
    }) : () -> ()
    return
  }
}

#map = affine_map<(d0, d1) -> (0, 0)>
#map1 = affine_map<(d0, d1) -> (0, 0, 0, 0, 0)>
#map2 = affine_map<(d0, d1) -> (0, 0, 0)>
module attributes {stable_mosaic.version = 14 : i64} {
  func.func @_sc_segsum(%arg0: i32, %arg1: i32, %arg2: memref<10240x128xf32, #tpu.memory_space<hbm>>, %arg3: memref<2x16x80x2x125xi32, #tpu.memory_space<hbm>>, %arg4: memref<10240x128xf32, #tpu.memory_space<hbm>>, %arg5: memref<2x10240x128xf32, #tpu.memory_space<hbm>>, %arg6: memref<2x125xi32, #tpu.memory_space<vmem>>, %arg7: memref<2x125xi32, #tpu.memory_space<vmem>>, %arg8: memref<125x128xf32, #tpu.memory_space<vmem>>, %arg9: memref<125x128xf32, #tpu.memory_space<vmem>>, %arg10: memref<10240x128xf32, #tpu.memory_space<vmem_shared>>, %arg11: memref<!tpu.dma_semaphore, #tpu.memory_space<semaphore_mem>>, %arg12: memref<!tpu.dma_semaphore, #tpu.memory_space<semaphore_mem>>, %arg13: memref<!tpu.dma_semaphore, #tpu.memory_space<semaphore_mem>>, %arg14: memref<!tpu.dma_semaphore, #tpu.memory_space<semaphore_mem>>) attributes {dimension_semantics = [#tpu.dimension_semantics<core_parallel>, #tpu.dimension_semantics<subcore_parallel>], iteration_bounds = array<i64: 2, 16>, scalar_prefetch = 0 : i64, scratch_operands = 9 : i64, tpu.core_type = #tpu.core_type<sc_vector_subcore>, window_params = [{transform_indices = #map}, {transform_indices = #map1}, {transform_indices = #map}, {transform_indices = #map2}]} {
    %mul3A = arith.constant 640 : i32
    %mul3A_0 = arith.muli %arg1, %mul3A : i32
    %mul3A_1 = arith.constant 640 : i32
    %mul3A_2 = arith.muli %arg1, %mul3A_1 : i32
    "tpu.region"() ({
      %run_scoped3A = tpu.sem_alloc : memref<!tpu.dma_semaphore, #tpu.memory_space<semaphore_mem>>
      %dma_start3A_110 = arith.constant 0 : i32
      %dma_start3A_111 = tpu.memref_slice %arg10[%mul3A_2, %dma_start3A_110] : memref<10240x128xf32, #tpu.memory_space<vmem_shared>> -> memref<640x128xf32, #tpu.memory_space<vmem_shared>>
      %dma_start3A_112 = arith.constant 0 : i32
      %dma_start3A_113 = tpu.memref_slice %arg4[%mul3A_0, %dma_start3A_112] : memref<10240x128xf32, #tpu.memory_space<hbm>> -> memref<640x128xf32, #tpu.memory_space<hbm>>
      tpu.enqueue_dma source(%dma_start3A_113 : memref<640x128xf32, #tpu.memory_space<hbm>>) target(%dma_start3A_111 : memref<640x128xf32, #tpu.memory_space<vmem_shared>>) target_semaphore(%run_scoped3A : memref<!tpu.dma_semaphore, #tpu.memory_space<semaphore_mem>>)
      %dma_wait3A_114 = arith.constant 0 : i32
      %dma_wait3A_115 = tpu.memref_slice %arg10[%mul3A_2, %dma_wait3A_114] : memref<10240x128xf32, #tpu.memory_space<vmem_shared>> -> memref<640x128xf32, #tpu.memory_space<vmem_shared>>
      %dma_wait3A_116 = arith.constant 0 : i32
      %dma_wait3A_117 = tpu.memref_slice %arg4[%mul3A_0, %dma_wait3A_116] : memref<10240x128xf32, #tpu.memory_space<hbm>> -> memref<640x128xf32, #tpu.memory_space<hbm>>
      tpu.wait_dma2 semaphore(%run_scoped3A : memref<!tpu.dma_semaphore, #tpu.memory_space<semaphore_mem>>) src(%dma_wait3A_117 : memref<640x128xf32, #tpu.memory_space<hbm>>) dst(%dma_wait3A_115 : memref<640x128xf32, #tpu.memory_space<vmem_shared>>)
      tpu.yield
    }) : () -> ()
    %barrier3A = arith.constant 0 : index
    tpu.barrier barrier_id(%barrier3A)
    %dma_start3A = arith.constant 0 : i32
    %dma_start3A_3 = arith.constant 0 : i32
    %dma_start3A_4 = arith.constant 0 : i32
    %dma_start3A_5 = arith.constant 0 : i32
    %dma_start3A_6 = arith.constant 0 : i32
    %dma_start3A_7 = tpu.memref_slice %arg3[%arg0, %dma_start3A_3, %dma_start3A_4, %dma_start3A_5, %dma_start3A_6] : memref<2x16x80x2x125xi32, #tpu.memory_space<hbm>> -> memref<1x16x80x2x125xi32, #tpu.memory_space<hbm>>
    %dma_start3A_8 = tpu.memref_squeeze %dma_start3A_7 : memref<1x16x80x2x125xi32, #tpu.memory_space<hbm>> -> memref<16x80x2x125xi32, #tpu.memory_space<hbm>>
    %dma_start3A_9 = arith.constant 0 : i32
    %dma_start3A_10 = arith.constant 0 : i32
    %dma_start3A_11 = arith.constant 0 : i32
    %dma_start3A_12 = tpu.memref_slice %dma_start3A_8[%arg1, %dma_start3A_9, %dma_start3A_10, %dma_start3A_11] : memref<16x80x2x125xi32, #tpu.memory_space<hbm>> -> memref<1x80x2x125xi32, #tpu.memory_space<hbm>>
    %dma_start3A_13 = tpu.memref_squeeze %dma_start3A_12 : memref<1x80x2x125xi32, #tpu.memory_space<hbm>> -> memref<80x2x125xi32, #tpu.memory_space<hbm>>
    %dma_start3A_14 = arith.constant 0 : i32
    %dma_start3A_15 = arith.constant 0 : i32
    %dma_start3A_16 = tpu.memref_slice %dma_start3A_13[%dma_start3A, %dma_start3A_14, %dma_start3A_15] : memref<80x2x125xi32, #tpu.memory_space<hbm>> -> memref<1x2x125xi32, #tpu.memory_space<hbm>>
    %dma_start3A_17 = tpu.memref_squeeze %dma_start3A_16 : memref<1x2x125xi32, #tpu.memory_space<hbm>> -> memref<2x125xi32, #tpu.memory_space<hbm>>
    %dma_start3A_18 = arith.constant 0 : i32
    %dma_start3A_19 = arith.constant 0 : i32
    %dma_start3A_20 = arith.constant 0 : i32
    %dma_start3A_21 = arith.constant 0 : i32
    %dma_start3A_22 = tpu.memref_slice %arg3[%arg0, %dma_start3A_18, %dma_start3A_19, %dma_start3A_20, %dma_start3A_21] : memref<2x16x80x2x125xi32, #tpu.memory_space<hbm>> -> memref<1x16x80x2x125xi32, #tpu.memory_space<hbm>>
    %dma_start3A_23 = tpu.memref_squeeze %dma_start3A_22 : memref<1x16x80x2x125xi32, #tpu.memory_space<hbm>> -> memref<16x80x2x125xi32, #tpu.memory_space<hbm>>
    %dma_start3A_24 = arith.constant 0 : i32
    %dma_start3A_25 = arith.constant 0 : i32
    %dma_start3A_26 = arith.constant 0 : i32
    %dma_start3A_27 = tpu.memref_slice %dma_start3A_23[%arg1, %dma_start3A_24, %dma_start3A_25, %dma_start3A_26] : memref<16x80x2x125xi32, #tpu.memory_space<hbm>> -> memref<1x80x2x125xi32, #tpu.memory_space<hbm>>
    %dma_start3A_28 = tpu.memref_squeeze %dma_start3A_27 : memref<1x80x2x125xi32, #tpu.memory_space<hbm>> -> memref<80x2x125xi32, #tpu.memory_space<hbm>>
    %dma_start3A_29 = arith.constant 0 : i32
    %dma_start3A_30 = arith.constant 0 : i32
    %dma_start3A_31 = tpu.memref_slice %dma_start3A_28[%dma_start3A, %dma_start3A_29, %dma_start3A_30] : memref<80x2x125xi32, #tpu.memory_space<hbm>> -> memref<1x2x125xi32, #tpu.memory_space<hbm>>
    %dma_start3A_32 = tpu.memref_squeeze %dma_start3A_31 : memref<1x2x125xi32, #tpu.memory_space<hbm>> -> memref<2x125xi32, #tpu.memory_space<hbm>>
    tpu.enqueue_dma source(%dma_start3A_32 : memref<2x125xi32, #tpu.memory_space<hbm>>) target(%arg6 : memref<2x125xi32, #tpu.memory_space<vmem>>) target_semaphore(%arg11 : memref<!tpu.dma_semaphore, #tpu.memory_space<semaphore_mem>>)
    %dma_start3A_33 = arith.constant 1 : i32
    %dma_start3A_34 = arith.constant 0 : i32
    %dma_start3A_35 = arith.constant 0 : i32
    %dma_start3A_36 = arith.constant 0 : i32
    %dma_start3A_37 = arith.constant 0 : i32
    %dma_start3A_38 = tpu.memref_slice %arg3[%arg0, %dma_start3A_34, %dma_start3A_35, %dma_start3A_36, %dma_start3A_37] : memref<2x16x80x2x125xi32, #tpu.memory_space<hbm>> -> memref<1x16x80x2x125xi32, #tpu.memory_space<hbm>>
    %dma_start3A_39 = tpu.memref_squeeze %dma_start3A_38 : memref<1x16x80x2x125xi32, #tpu.memory_space<hbm>> -> memref<16x80x2x125xi32, #tpu.memory_space<hbm>>
    %dma_start3A_40 = arith.constant 0 : i32
    %dma_start3A_41 = arith.constant 0 : i32
    %dma_start3A_42 = arith.constant 0 : i32
    %dma_start3A_43 = tpu.memref_slice %dma_start3A_39[%arg1, %dma_start3A_40, %dma_start3A_41, %dma_start3A_42] : memref<16x80x2x125xi32, #tpu.memory_space<hbm>> -> memref<1x80x2x125xi32, #tpu.memory_space<hbm>>
    %dma_start3A_44 = tpu.memref_squeeze %dma_start3A_43 : memref<1x80x2x125xi32, #tpu.memory_space<hbm>> -> memref<80x2x125xi32, #tpu.memory_space<hbm>>
    %dma_start3A_45 = arith.constant 0 : i32
    %dma_start3A_46 = arith.constant 0 : i32
    %dma_start3A_47 = tpu.memref_slice %dma_start3A_44[%dma_start3A_33, %dma_start3A_45, %dma_start3A_46] : memref<80x2x125xi32, #tpu.memory_space<hbm>> -> memref<1x2x125xi32, #tpu.memory_space<hbm>>
    %dma_start3A_48 = tpu.memref_squeeze %dma_start3A_47 : memref<1x2x125xi32, #tpu.memory_space<hbm>> -> memref<2x125xi32, #tpu.memory_space<hbm>>
    %dma_start3A_49 = arith.constant 0 : i32
    %dma_start3A_50 = arith.constant 0 : i32
    %dma_start3A_51 = arith.constant 0 : i32
    %dma_start3A_52 = arith.constant 0 : i32
    %dma_start3A_53 = tpu.memref_slice %arg3[%arg0, %dma_start3A_49, %dma_start3A_50, %dma_start3A_51, %dma_start3A_52] : memref<2x16x80x2x125xi32, #tpu.memory_space<hbm>> -> memref<1x16x80x2x125xi32, #tpu.memory_space<hbm>>
    %dma_start3A_54 = tpu.memref_squeeze %dma_start3A_53 : memref<1x16x80x2x125xi32, #tpu.memory_space<hbm>> -> memref<16x80x2x125xi32, #tpu.memory_space<hbm>>
    %dma_start3A_55 = arith.constant 0 : i32
    %dma_start3A_56 = arith.constant 0 : i32
    %dma_start3A_57 = arith.constant 0 : i32
    %dma_start3A_58 = tpu.memref_slice %dma_start3A_54[%arg1, %dma_start3A_55, %dma_start3A_56, %dma_start3A_57] : memref<16x80x2x125xi32, #tpu.memory_space<hbm>> -> memref<1x80x2x125xi32, #tpu.memory_space<hbm>>
    %dma_start3A_59 = tpu.memref_squeeze %dma_start3A_58 : memref<1x80x2x125xi32, #tpu.memory_space<hbm>> -> memref<80x2x125xi32, #tpu.memory_space<hbm>>
    %dma_start3A_60 = arith.constant 0 : i32
    %dma_start3A_61 = arith.constant 0 : i32
    %dma_start3A_62 = tpu.memref_slice %dma_start3A_59[%dma_start3A_33, %dma_start3A_60, %dma_start3A_61] : memref<80x2x125xi32, #tpu.memory_space<hbm>> -> memref<1x2x125xi32, #tpu.memory_space<hbm>>
    %dma_start3A_63 = tpu.memref_squeeze %dma_start3A_62 : memref<1x2x125xi32, #tpu.memory_space<hbm>> -> memref<2x125xi32, #tpu.memory_space<hbm>>
    tpu.enqueue_dma source(%dma_start3A_63 : memref<2x125xi32, #tpu.memory_space<hbm>>) target(%arg7 : memref<2x125xi32, #tpu.memory_space<vmem>>) target_semaphore(%arg12 : memref<!tpu.dma_semaphore, #tpu.memory_space<semaphore_mem>>)
    %dma_wait3A = arith.constant 0 : i32
    %dma_wait3A_64 = arith.constant 0 : i32
    %dma_wait3A_65 = arith.constant 0 : i32
    %dma_wait3A_66 = arith.constant 0 : i32
    %dma_wait3A_67 = arith.constant 0 : i32
    %dma_wait3A_68 = tpu.memref_slice %arg3[%arg0, %dma_wait3A_64, %dma_wait3A_65, %dma_wait3A_66, %dma_wait3A_67] : memref<2x16x80x2x125xi32, #tpu.memory_space<hbm>> -> memref<1x16x80x2x125xi32, #tpu.memory_space<hbm>>
    %dma_wait3A_69 = tpu.memref_squeeze %dma_wait3A_68 : memref<1x16x80x2x125xi32, #tpu.memory_space<hbm>> -> memref<16x80x2x125xi32, #tpu.memory_space<hbm>>
    %dma_wait3A_70 = arith.constant 0 : i32
    %dma_wait3A_71 = arith.constant 0 : i32
    %dma_wait3A_72 = arith.constant 0 : i32
    %dma_wait3A_73 = tpu.memref_slice %dma_wait3A_69[%arg1, %dma_wait3A_70, %dma_wait3A_71, %dma_wait3A_72] : memref<16x80x2x125xi32, #tpu.memory_space<hbm>> -> memref<1x80x2x125xi32, #tpu.memory_space<hbm>>
    %dma_wait3A_74 = tpu.memref_squeeze %dma_wait3A_73 : memref<1x80x2x125xi32, #tpu.memory_space<hbm>> -> memref<80x2x125xi32, #tpu.memory_space<hbm>>
    %dma_wait3A_75 = arith.constant 0 : i32
    %dma_wait3A_76 = arith.constant 0 : i32
    %dma_wait3A_77 = tpu.memref_slice %dma_wait3A_74[%dma_wait3A, %dma_wait3A_75, %dma_wait3A_76] : memref<80x2x125xi32, #tpu.memory_space<hbm>> -> memref<1x2x125xi32, #tpu.memory_space<hbm>>
    %dma_wait3A_78 = tpu.memref_squeeze %dma_wait3A_77 : memref<1x2x125xi32, #tpu.memory_space<hbm>> -> memref<2x125xi32, #tpu.memory_space<hbm>>
    %dma_wait3A_79 = arith.constant 0 : i32
    %dma_wait3A_80 = arith.constant 0 : i32
    %dma_wait3A_81 = arith.constant 0 : i32
    %dma_wait3A_82 = arith.constant 0 : i32
    %dma_wait3A_83 = tpu.memref_slice %arg3[%arg0, %dma_wait3A_79, %dma_wait3A_80, %dma_wait3A_81, %dma_wait3A_82] : memref<2x16x80x2x125xi32, #tpu.memory_space<hbm>> -> memref<1x16x80x2x125xi32, #tpu.memory_space<hbm>>
    %dma_wait3A_84 = tpu.memref_squeeze %dma_wait3A_83 : memref<1x16x80x2x125xi32, #tpu.memory_space<hbm>> -> memref<16x80x2x125xi32, #tpu.memory_space<hbm>>
    %dma_wait3A_85 = arith.constant 0 : i32
    %dma_wait3A_86 = arith.constant 0 : i32
    %dma_wait3A_87 = arith.constant 0 : i32
    %dma_wait3A_88 = tpu.memref_slice %dma_wait3A_84[%arg1, %dma_wait3A_85, %dma_wait3A_86, %dma_wait3A_87] : memref<16x80x2x125xi32, #tpu.memory_space<hbm>> -> memref<1x80x2x125xi32, #tpu.memory_space<hbm>>
    %dma_wait3A_89 = tpu.memref_squeeze %dma_wait3A_88 : memref<1x80x2x125xi32, #tpu.memory_space<hbm>> -> memref<80x2x125xi32, #tpu.memory_space<hbm>>
    %dma_wait3A_90 = arith.constant 0 : i32
    %dma_wait3A_91 = arith.constant 0 : i32
    %dma_wait3A_92 = tpu.memref_slice %dma_wait3A_89[%dma_wait3A, %dma_wait3A_90, %dma_wait3A_91] : memref<80x2x125xi32, #tpu.memory_space<hbm>> -> memref<1x2x125xi32, #tpu.memory_space<hbm>>
    %dma_wait3A_93 = tpu.memref_squeeze %dma_wait3A_92 : memref<1x2x125xi32, #tpu.memory_space<hbm>> -> memref<2x125xi32, #tpu.memory_space<hbm>>
    tpu.wait_dma2 semaphore(%arg11 : memref<!tpu.dma_semaphore, #tpu.memory_space<semaphore_mem>>) src(%dma_wait3A_93 : memref<2x125xi32, #tpu.memory_space<hbm>>) dst(%arg6 : memref<2x125xi32, #tpu.memory_space<vmem>>)
    %dma_start3A_94 = arith.constant 0 : i32
    %dma_start3A_95 = arith.constant 0 : i32
    %dma_start3A_96 = tpu.memref_slice %arg6[%dma_start3A_94, %dma_start3A_95] : memref<2x125xi32, #tpu.memory_space<vmem>> -> memref<1x125xi32, #tpu.memory_space<vmem>>
    %dma_start3A_97 = tpu.memref_squeeze %dma_start3A_96 : memref<1x125xi32, #tpu.memory_space<vmem>> -> memref<125xi32, #tpu.memory_space<vmem>>
    %dma_start3A_98 = arith.constant 0 : i32
    %dma_start3A_99 = arith.constant 0 : i32
    %dma_start3A_100 = tpu.memref_slice %arg2[%dma_start3A_98, %dma_start3A_99] : memref<10240x128xf32, #tpu.memory_space<hbm>> -> memref<10240x128xf32, #tpu.memory_space<hbm>>
    tpu.enqueue_indirect_dma source(%dma_start3A_100 : memref<10240x128xf32, #tpu.memory_space<hbm>>) target(%arg8 : memref<125x128xf32, #tpu.memory_space<vmem>>) offsets(%dma_start3A_97 : memref<125xi32, #tpu.memory_space<vmem>>) semaphore(%arg13 : memref<!tpu.dma_semaphore, #tpu.memory_space<semaphore_mem>>)
    %scan3A = arith.constant 0 : i32
    %scan3A_101 = arith.constant 40 : i32
    %scan3A_102 = arith.addi %scan3A, %scan3A_101 : i32
    %scan3A_103 = arith.constant 1 : i32
    scf.for %scan3A_110 = %scan3A to %scan3A_102 step %scan3A_103  : i32 {
      %mul3A_111 = arith.constant 2 : i32
      %mul3A_112 = arith.muli %mul3A_111, %scan3A_110 : i32
      %add3A = arith.constant 0 : i32
      %add3A_113 = arith.addi %mul3A_112, %add3A : i32
      %add3A_114 = arith.constant 1 : i32
      %add3A_115 = arith.addi %add3A_113, %add3A_114 : i32
      %lt3A = arith.constant 80 : i32
      %lt3A_116 = arith.cmpi slt, %add3A_115, %lt3A : i32
      %convert_element_type3A = arith.extui %lt3A_116 : i1 to i32
      %cond3A = arith.constant 0 : i32
      %cond3A_117 = arith.cmpi ne, %convert_element_type3A, %cond3A : i32
      scf.if %cond3A_117 {
        %add3A_158 = arith.constant 1 : i32
        %add3A_159 = arith.addi %add3A_113, %add3A_158 : i32
        %dma_wait3A_160 = arith.constant 0 : i32
        %dma_wait3A_161 = arith.constant 0 : i32
        %dma_wait3A_162 = arith.constant 0 : i32
        %dma_wait3A_163 = arith.constant 0 : i32
        %dma_wait3A_164 = tpu.memref_slice %arg3[%arg0, %dma_wait3A_160, %dma_wait3A_161, %dma_wait3A_162, %dma_wait3A_163] : memref<2x16x80x2x125xi32, #tpu.memory_space<hbm>> -> memref<1x16x80x2x125xi32, #tpu.memory_space<hbm>>
        %dma_wait3A_165 = tpu.memref_squeeze %dma_wait3A_164 : memref<1x16x80x2x125xi32, #tpu.memory_space<hbm>> -> memref<16x80x2x125xi32, #tpu.memory_space<hbm>>
        %dma_wait3A_166 = arith.constant 0 : i32
        %dma_wait3A_167 = arith.constant 0 : i32
        %dma_wait3A_168 = arith.constant 0 : i32
        %dma_wait3A_169 = tpu.memref_slice %dma_wait3A_165[%arg1, %dma_wait3A_166, %dma_wait3A_167, %dma_wait3A_168] : memref<16x80x2x125xi32, #tpu.memory_space<hbm>> -> memref<1x80x2x125xi32, #tpu.memory_space<hbm>>
        %dma_wait3A_170 = tpu.memref_squeeze %dma_wait3A_169 : memref<1x80x2x125xi32, #tpu.memory_space<hbm>> -> memref<80x2x125xi32, #tpu.memory_space<hbm>>
        %dma_wait3A_171 = arith.constant 0 : i32
        %dma_wait3A_172 = arith.constant 0 : i32
        %dma_wait3A_173 = tpu.memref_slice %dma_wait3A_170[%add3A_159, %dma_wait3A_171, %dma_wait3A_172] : memref<80x2x125xi32, #tpu.memory_space<hbm>> -> memref<1x2x125xi32, #tpu.memory_space<hbm>>
        %dma_wait3A_174 = tpu.memref_squeeze %dma_wait3A_173 : memref<1x2x125xi32, #tpu.memory_space<hbm>> -> memref<2x125xi32, #tpu.memory_space<hbm>>
        %dma_wait3A_175 = arith.constant 0 : i32
        %dma_wait3A_176 = arith.constant 0 : i32
        %dma_wait3A_177 = arith.constant 0 : i32
        %dma_wait3A_178 = arith.constant 0 : i32
        %dma_wait3A_179 = tpu.memref_slice %arg3[%arg0, %dma_wait3A_175, %dma_wait3A_176, %dma_wait3A_177, %dma_wait3A_178] : memref<2x16x80x2x125xi32, #tpu.memory_space<hbm>> -> memref<1x16x80x2x125xi32, #tpu.memory_space<hbm>>
        %dma_wait3A_180 = tpu.memref_squeeze %dma_wait3A_179 : memref<1x16x80x2x125xi32, #tpu.memory_space<hbm>> -> memref<16x80x2x125xi32, #tpu.memory_space<hbm>>
        %dma_wait3A_181 = arith.constant 0 : i32
        %dma_wait3A_182 = arith.constant 0 : i32
        %dma_wait3A_183 = arith.constant 0 : i32
        %dma_wait3A_184 = tpu.memref_slice %dma_wait3A_180[%arg1, %dma_wait3A_181, %dma_wait3A_182, %dma_wait3A_183] : memref<16x80x2x125xi32, #tpu.memory_space<hbm>> -> memref<1x80x2x125xi32, #tpu.memory_space<hbm>>
        %dma_wait3A_185 = tpu.memref_squeeze %dma_wait3A_184 : memref<1x80x2x125xi32, #tpu.memory_space<hbm>> -> memref<80x2x125xi32, #tpu.memory_space<hbm>>
        %dma_wait3A_186 = arith.constant 0 : i32
        %dma_wait3A_187 = arith.constant 0 : i32
        %dma_wait3A_188 = tpu.memref_slice %dma_wait3A_185[%add3A_159, %dma_wait3A_186, %dma_wait3A_187] : memref<80x2x125xi32, #tpu.memory_space<hbm>> -> memref<1x2x125xi32, #tpu.memory_space<hbm>>
        %dma_wait3A_189 = tpu.memref_squeeze %dma_wait3A_188 : memref<1x2x125xi32, #tpu.memory_space<hbm>> -> memref<2x125xi32, #tpu.memory_space<hbm>>
        tpu.wait_dma2 semaphore(%arg12 : memref<!tpu.dma_semaphore, #tpu.memory_space<semaphore_mem>>) src(%dma_wait3A_189 : memref<2x125xi32, #tpu.memory_space<hbm>>) dst(%arg7 : memref<2x125xi32, #tpu.memory_space<vmem>>)
        %dma_start3A_190 = arith.constant 0 : i32
        %dma_start3A_191 = arith.constant 0 : i32
        %dma_start3A_192 = tpu.memref_slice %arg7[%dma_start3A_190, %dma_start3A_191] : memref<2x125xi32, #tpu.memory_space<vmem>> -> memref<1x125xi32, #tpu.memory_space<vmem>>
        %dma_start3A_193 = tpu.memref_squeeze %dma_start3A_192 : memref<1x125xi32, #tpu.memory_space<vmem>> -> memref<125xi32, #tpu.memory_space<vmem>>
        %dma_start3A_194 = arith.constant 0 : i32
        %dma_start3A_195 = arith.constant 0 : i32
        %dma_start3A_196 = tpu.memref_slice %arg2[%dma_start3A_194, %dma_start3A_195] : memref<10240x128xf32, #tpu.memory_space<hbm>> -> memref<10240x128xf32, #tpu.memory_space<hbm>>
        tpu.enqueue_indirect_dma source(%dma_start3A_196 : memref<10240x128xf32, #tpu.memory_space<hbm>>) target(%arg9 : memref<125x128xf32, #tpu.memory_space<vmem>>) offsets(%dma_start3A_193 : memref<125xi32, #tpu.memory_space<vmem>>) semaphore(%arg14 : memref<!tpu.dma_semaphore, #tpu.memory_space<semaphore_mem>>)
      } else {
      }
      %dma_wait3A_118 = arith.constant 0 : i32
      %dma_wait3A_119 = arith.constant 0 : i32
      %dma_wait3A_120 = tpu.memref_slice %arg6[%dma_wait3A_118, %dma_wait3A_119] : memref<2x125xi32, #tpu.memory_space<vmem>> -> memref<1x125xi32, #tpu.memory_space<vmem>>
      %dma_wait3A_121 = tpu.memref_squeeze %dma_wait3A_120 : memref<1x125xi32, #tpu.memory_space<vmem>> -> memref<125xi32, #tpu.memory_space<vmem>>
      %dma_wait3A_122 = arith.constant 0 : i32
      %dma_wait3A_123 = arith.constant 0 : i32
      %dma_wait3A_124 = tpu.memref_slice %arg2[%dma_wait3A_122, %dma_wait3A_123] : memref<10240x128xf32, #tpu.memory_space<hbm>> -> memref<10240x128xf32, #tpu.memory_space<hbm>>
      tpu.wait_indirect_dma semaphore(%arg13 : memref<!tpu.dma_semaphore, #tpu.memory_space<semaphore_mem>>) src(%dma_wait3A_124 : memref<10240x128xf32, #tpu.memory_space<hbm>>) dst(%arg8 : memref<125x128xf32, #tpu.memory_space<vmem>>)
      %run_scoped3A = arith.constant 1 : i32
      "tpu.region"() ({
        %run_scoped3A_158 = tpu.sem_alloc : memref<!tpu.dma_semaphore, #tpu.memory_space<semaphore_mem>>
        %dma_start3A_159 = arith.constant 0 : i32
        %dma_start3A_160 = tpu.memref_slice %arg6[%run_scoped3A, %dma_start3A_159] : memref<2x125xi32, #tpu.memory_space<vmem>> -> memref<1x125xi32, #tpu.memory_space<vmem>>
        %dma_start3A_161 = tpu.memref_squeeze %dma_start3A_160 : memref<1x125xi32, #tpu.memory_space<vmem>> -> memref<125xi32, #tpu.memory_space<vmem>>
        %dma_start3A_162 = arith.constant 0 : i32
        %dma_start3A_163 = arith.constant 0 : i32
        %dma_start3A_164 = tpu.memref_slice %arg10[%dma_start3A_162, %dma_start3A_163] : memref<10240x128xf32, #tpu.memory_space<vmem_shared>> -> memref<10240x128xf32, #tpu.memory_space<vmem_shared>>
        tpu.enqueue_indirect_dma source(%arg8 : memref<125x128xf32, #tpu.memory_space<vmem>>) target(%dma_start3A_164 : memref<10240x128xf32, #tpu.memory_space<vmem_shared>>) offsets(%dma_start3A_161 : memref<125xi32, #tpu.memory_space<vmem>>) semaphore(%run_scoped3A_158 : memref<!tpu.dma_semaphore, #tpu.memory_space<semaphore_mem>>) {add = true}
        %dma_wait3A_165 = arith.constant 0 : i32
        %dma_wait3A_166 = tpu.memref_slice %arg6[%run_scoped3A, %dma_wait3A_165] : memref<2x125xi32, #tpu.memory_space<vmem>> -> memref<1x125xi32, #tpu.memory_space<vmem>>
        %dma_wait3A_167 = tpu.memref_squeeze %dma_wait3A_166 : memref<1x125xi32, #tpu.memory_space<vmem>> -> memref<125xi32, #tpu.memory_space<vmem>>
        %dma_wait3A_168 = arith.constant 0 : i32
        %dma_wait3A_169 = arith.constant 0 : i32
        %dma_wait3A_170 = tpu.memref_slice %arg10[%dma_wait3A_168, %dma_wait3A_169] : memref<10240x128xf32, #tpu.memory_space<vmem_shared>> -> memref<10240x128xf32, #tpu.memory_space<vmem_shared>>
        tpu.wait_indirect_dma semaphore(%run_scoped3A_158 : memref<!tpu.dma_semaphore, #tpu.memory_space<semaphore_mem>>) src(%arg8 : memref<125x128xf32, #tpu.memory_space<vmem>>) dst(%dma_wait3A_170 : memref<10240x128xf32, #tpu.memory_space<vmem_shared>>)
        tpu.yield
      }) : () -> ()
      %add3A_125 = arith.constant 2 : i32
      %add3A_126 = arith.addi %add3A_113, %add3A_125 : i32
      %lt3A_127 = arith.constant 80 : i32
      %lt3A_128 = arith.cmpi slt, %add3A_126, %lt3A_127 : i32
      %convert_element_type3A_129 = arith.extui %lt3A_128 : i1 to i32
      %cond3A_130 = arith.constant 0 : i32
      %cond3A_131 = arith.cmpi ne, %convert_element_type3A_129, %cond3A_130 : i32
      scf.if %cond3A_131 {
        %add3A_158 = arith.constant 2 : i32
        %add3A_159 = arith.addi %add3A_113, %add3A_158 : i32
        %dma_start3A_160 = arith.constant 0 : i32
        %dma_start3A_161 = arith.constant 0 : i32
        %dma_start3A_162 = arith.constant 0 : i32
        %dma_start3A_163 = arith.constant 0 : i32
        %dma_start3A_164 = tpu.memref_slice %arg3[%arg0, %dma_start3A_160, %dma_start3A_161, %dma_start3A_162, %dma_start3A_163] : memref<2x16x80x2x125xi32, #tpu.memory_space<hbm>> -> memref<1x16x80x2x125xi32, #tpu.memory_space<hbm>>
        %dma_start3A_165 = tpu.memref_squeeze %dma_start3A_164 : memref<1x16x80x2x125xi32, #tpu.memory_space<hbm>> -> memref<16x80x2x125xi32, #tpu.memory_space<hbm>>
        %dma_start3A_166 = arith.constant 0 : i32
        %dma_start3A_167 = arith.constant 0 : i32
        %dma_start3A_168 = arith.constant 0 : i32
        %dma_start3A_169 = tpu.memref_slice %dma_start3A_165[%arg1, %dma_start3A_166, %dma_start3A_167, %dma_start3A_168] : memref<16x80x2x125xi32, #tpu.memory_space<hbm>> -> memref<1x80x2x125xi32, #tpu.memory_space<hbm>>
        %dma_start3A_170 = tpu.memref_squeeze %dma_start3A_169 : memref<1x80x2x125xi32, #tpu.memory_space<hbm>> -> memref<80x2x125xi32, #tpu.memory_space<hbm>>
        %dma_start3A_171 = arith.constant 0 : i32
        %dma_start3A_172 = arith.constant 0 : i32
        %dma_start3A_173 = tpu.memref_slice %dma_start3A_170[%add3A_159, %dma_start3A_171, %dma_start3A_172] : memref<80x2x125xi32, #tpu.memory_space<hbm>> -> memref<1x2x125xi32, #tpu.memory_space<hbm>>
        %dma_start3A_174 = tpu.memref_squeeze %dma_start3A_173 : memref<1x2x125xi32, #tpu.memory_space<hbm>> -> memref<2x125xi32, #tpu.memory_space<hbm>>
        %dma_start3A_175 = arith.constant 0 : i32
        %dma_start3A_176 = arith.constant 0 : i32
        %dma_start3A_177 = arith.constant 0 : i32
        %dma_start3A_178 = arith.constant 0 : i32
        %dma_start3A_179 = tpu.memref_slice %arg3[%arg0, %dma_start3A_175, %dma_start3A_176, %dma_start3A_177, %dma_start3A_178] : memref<2x16x80x2x125xi32, #tpu.memory_space<hbm>> -> memref<1x16x80x2x125xi32, #tpu.memory_space<hbm>>
        %dma_start3A_180 = tpu.memref_squeeze %dma_start3A_179 : memref<1x16x80x2x125xi32, #tpu.memory_space<hbm>> -> memref<16x80x2x125xi32, #tpu.memory_space<hbm>>
        %dma_start3A_181 = arith.constant 0 : i32
        %dma_start3A_182 = arith.constant 0 : i32
        %dma_start3A_183 = arith.constant 0 : i32
        %dma_start3A_184 = tpu.memref_slice %dma_start3A_180[%arg1, %dma_start3A_181, %dma_start3A_182, %dma_start3A_183] : memref<16x80x2x125xi32, #tpu.memory_space<hbm>> -> memref<1x80x2x125xi32, #tpu.memory_space<hbm>>
        %dma_start3A_185 = tpu.memref_squeeze %dma_start3A_184 : memref<1x80x2x125xi32, #tpu.memory_space<hbm>> -> memref<80x2x125xi32, #tpu.memory_space<hbm>>
        %dma_start3A_186 = arith.constant 0 : i32
        %dma_start3A_187 = arith.constant 0 : i32
        %dma_start3A_188 = tpu.memref_slice %dma_start3A_185[%add3A_159, %dma_start3A_186, %dma_start3A_187] : memref<80x2x125xi32, #tpu.memory_space<hbm>> -> memref<1x2x125xi32, #tpu.memory_space<hbm>>
        %dma_start3A_189 = tpu.memref_squeeze %dma_start3A_188 : memref<1x2x125xi32, #tpu.memory_space<hbm>> -> memref<2x125xi32, #tpu.memory_space<hbm>>
        tpu.enqueue_dma source(%dma_start3A_189 : memref<2x125xi32, #tpu.memory_space<hbm>>) target(%arg6 : memref<2x125xi32, #tpu.memory_space<vmem>>) target_semaphore(%arg11 : memref<!tpu.dma_semaphore, #tpu.memory_space<semaphore_mem>>)
      } else {
      }
      %mul3A_132 = arith.constant 2 : i32
      %mul3A_133 = arith.muli %mul3A_132, %scan3A_110 : i32
      %add3A_134 = arith.constant 1 : i32
      %add3A_135 = arith.addi %mul3A_133, %add3A_134 : i32
      %add3A_136 = arith.constant 1 : i32
      %add3A_137 = arith.addi %add3A_135, %add3A_136 : i32
      %lt3A_138 = arith.constant 80 : i32
      %lt3A_139 = arith.cmpi slt, %add3A_137, %lt3A_138 : i32
      %convert_element_type3A_140 = arith.extui %lt3A_139 : i1 to i32
      %cond3A_141 = arith.constant 0 : i32
      %cond3A_142 = arith.cmpi ne, %convert_element_type3A_140, %cond3A_141 : i32
      scf.if %cond3A_142 {
        %add3A_158 = arith.constant 1 : i32
        %add3A_159 = arith.addi %add3A_135, %add3A_158 : i32
        %dma_wait3A_160 = arith.constant 0 : i32
        %dma_wait3A_161 = arith.constant 0 : i32
        %dma_wait3A_162 = arith.constant 0 : i32
        %dma_wait3A_163 = arith.constant 0 : i32
        %dma_wait3A_164 = tpu.memref_slice %arg3[%arg0, %dma_wait3A_160, %dma_wait3A_161, %dma_wait3A_162, %dma_wait3A_163] : memref<2x16x80x2x125xi32, #tpu.memory_space<hbm>> -> memref<1x16x80x2x125xi32, #tpu.memory_space<hbm>>
        %dma_wait3A_165 = tpu.memref_squeeze %dma_wait3A_164 : memref<1x16x80x2x125xi32, #tpu.memory_space<hbm>> -> memref<16x80x2x125xi32, #tpu.memory_space<hbm>>
        %dma_wait3A_166 = arith.constant 0 : i32
        %dma_wait3A_167 = arith.constant 0 : i32
        %dma_wait3A_168 = arith.constant 0 : i32
        %dma_wait3A_169 = tpu.memref_slice %dma_wait3A_165[%arg1, %dma_wait3A_166, %dma_wait3A_167, %dma_wait3A_168] : memref<16x80x2x125xi32, #tpu.memory_space<hbm>> -> memref<1x80x2x125xi32, #tpu.memory_space<hbm>>
        %dma_wait3A_170 = tpu.memref_squeeze %dma_wait3A_169 : memref<1x80x2x125xi32, #tpu.memory_space<hbm>> -> memref<80x2x125xi32, #tpu.memory_space<hbm>>
        %dma_wait3A_171 = arith.constant 0 : i32
        %dma_wait3A_172 = arith.constant 0 : i32
        %dma_wait3A_173 = tpu.memref_slice %dma_wait3A_170[%add3A_159, %dma_wait3A_171, %dma_wait3A_172] : memref<80x2x125xi32, #tpu.memory_space<hbm>> -> memref<1x2x125xi32, #tpu.memory_space<hbm>>
        %dma_wait3A_174 = tpu.memref_squeeze %dma_wait3A_173 : memref<1x2x125xi32, #tpu.memory_space<hbm>> -> memref<2x125xi32, #tpu.memory_space<hbm>>
        %dma_wait3A_175 = arith.constant 0 : i32
        %dma_wait3A_176 = arith.constant 0 : i32
        %dma_wait3A_177 = arith.constant 0 : i32
        %dma_wait3A_178 = arith.constant 0 : i32
        %dma_wait3A_179 = tpu.memref_slice %arg3[%arg0, %dma_wait3A_175, %dma_wait3A_176, %dma_wait3A_177, %dma_wait3A_178] : memref<2x16x80x2x125xi32, #tpu.memory_space<hbm>> -> memref<1x16x80x2x125xi32, #tpu.memory_space<hbm>>
        %dma_wait3A_180 = tpu.memref_squeeze %dma_wait3A_179 : memref<1x16x80x2x125xi32, #tpu.memory_space<hbm>> -> memref<16x80x2x125xi32, #tpu.memory_space<hbm>>
        %dma_wait3A_181 = arith.constant 0 : i32
        %dma_wait3A_182 = arith.constant 0 : i32
        %dma_wait3A_183 = arith.constant 0 : i32
        %dma_wait3A_184 = tpu.memref_slice %dma_wait3A_180[%arg1, %dma_wait3A_181, %dma_wait3A_182, %dma_wait3A_183] : memref<16x80x2x125xi32, #tpu.memory_space<hbm>> -> memref<1x80x2x125xi32, #tpu.memory_space<hbm>>
        %dma_wait3A_185 = tpu.memref_squeeze %dma_wait3A_184 : memref<1x80x2x125xi32, #tpu.memory_space<hbm>> -> memref<80x2x125xi32, #tpu.memory_space<hbm>>
        %dma_wait3A_186 = arith.constant 0 : i32
        %dma_wait3A_187 = arith.constant 0 : i32
        %dma_wait3A_188 = tpu.memref_slice %dma_wait3A_185[%add3A_159, %dma_wait3A_186, %dma_wait3A_187] : memref<80x2x125xi32, #tpu.memory_space<hbm>> -> memref<1x2x125xi32, #tpu.memory_space<hbm>>
        %dma_wait3A_189 = tpu.memref_squeeze %dma_wait3A_188 : memref<1x2x125xi32, #tpu.memory_space<hbm>> -> memref<2x125xi32, #tpu.memory_space<hbm>>
        tpu.wait_dma2 semaphore(%arg11 : memref<!tpu.dma_semaphore, #tpu.memory_space<semaphore_mem>>) src(%dma_wait3A_189 : memref<2x125xi32, #tpu.memory_space<hbm>>) dst(%arg6 : memref<2x125xi32, #tpu.memory_space<vmem>>)
        %dma_start3A_190 = arith.constant 0 : i32
        %dma_start3A_191 = arith.constant 0 : i32
        %dma_start3A_192 = tpu.memref_slice %arg6[%dma_start3A_190, %dma_start3A_191] : memref<2x125xi32, #tpu.memory_space<vmem>> -> memref<1x125xi32, #tpu.memory_space<vmem>>
        %dma_start3A_193 = tpu.memref_squeeze %dma_start3A_192 : memref<1x125xi32, #tpu.memory_space<vmem>> -> memref<125xi32, #tpu.memory_space<vmem>>
        %dma_start3A_194 = arith.constant 0 : i32
        %dma_start3A_195 = arith.constant 0 : i32
        %dma_start3A_196 = tpu.memref_slice %arg2[%dma_start3A_194, %dma_start3A_195] : memref<10240x128xf32, #tpu.memory_space<hbm>> -> memref<10240x128xf32, #tpu.memory_space<hbm>>
        tpu.enqueue_indirect_dma source(%dma_start3A_196 : memref<10240x128xf32, #tpu.memory_space<hbm>>) target(%arg8 : memref<125x128xf32, #tpu.memory_space<vmem>>) offsets(%dma_start3A_193 : memref<125xi32, #tpu.memory_space<vmem>>) semaphore(%arg13 : memref<!tpu.dma_semaphore, #tpu.memory_space<semaphore_mem>>)
      } else {
      }
      %dma_wait3A_143 = arith.constant 0 : i32
      %dma_wait3A_144 = arith.constant 0 : i32
      %dma_wait3A_145 = tpu.memref_slice %arg7[%dma_wait3A_143, %dma_wait3A_144] : memref<2x125xi32, #tpu.memory_space<vmem>> -> memref<1x125xi32, #tpu.memory_space<vmem>>
      %dma_wait3A_146 = tpu.memref_squeeze %dma_wait3A_145 : memref<1x125xi32, #tpu.memory_space<vmem>> -> memref<125xi32, #tpu.memory_space<vmem>>
      %dma_wait3A_147 = arith.constant 0 : i32
      %dma_wait3A_148 = arith.constant 0 : i32
      %dma_wait3A_149 = tpu.memref_slice %arg2[%dma_wait3A_147, %dma_wait3A_148] : memref<10240x128xf32, #tpu.memory_space<hbm>> -> memref<10240x128xf32, #tpu.memory_space<hbm>>
      tpu.wait_indirect_dma semaphore(%arg14 : memref<!tpu.dma_semaphore, #tpu.memory_space<semaphore_mem>>) src(%dma_wait3A_149 : memref<10240x128xf32, #tpu.memory_space<hbm>>) dst(%arg9 : memref<125x128xf32, #tpu.memory_space<vmem>>)
      %run_scoped3A_150 = arith.constant 1 : i32
      "tpu.region"() ({
        %run_scoped3A_158 = tpu.sem_alloc : memref<!tpu.dma_semaphore, #tpu.memory_space<semaphore_mem>>
        %dma_start3A_159 = arith.constant 0 : i32
        %dma_start3A_160 = tpu.memref_slice %arg7[%run_scoped3A_150, %dma_start3A_159] : memref<2x125xi32, #tpu.memory_space<vmem>> -> memref<1x125xi32, #tpu.memory_space<vmem>>
        %dma_start3A_161 = tpu.memref_squeeze %dma_start3A_160 : memref<1x125xi32, #tpu.memory_space<vmem>> -> memref<125xi32, #tpu.memory_space<vmem>>
        %dma_start3A_162 = arith.constant 0 : i32
        %dma_start3A_163 = arith.constant 0 : i32
        %dma_start3A_164 = tpu.memref_slice %arg10[%dma_start3A_162, %dma_start3A_163] : memref<10240x128xf32, #tpu.memory_space<vmem_shared>> -> memref<10240x128xf32, #tpu.memory_space<vmem_shared>>
        tpu.enqueue_indirect_dma source(%arg9 : memref<125x128xf32, #tpu.memory_space<vmem>>) target(%dma_start3A_164 : memref<10240x128xf32, #tpu.memory_space<vmem_shared>>) offsets(%dma_start3A_161 : memref<125xi32, #tpu.memory_space<vmem>>) semaphore(%run_scoped3A_158 : memref<!tpu.dma_semaphore, #tpu.memory_space<semaphore_mem>>) {add = true}
        %dma_wait3A_165 = arith.constant 0 : i32
        %dma_wait3A_166 = tpu.memref_slice %arg7[%run_scoped3A_150, %dma_wait3A_165] : memref<2x125xi32, #tpu.memory_space<vmem>> -> memref<1x125xi32, #tpu.memory_space<vmem>>
        %dma_wait3A_167 = tpu.memref_squeeze %dma_wait3A_166 : memref<1x125xi32, #tpu.memory_space<vmem>> -> memref<125xi32, #tpu.memory_space<vmem>>
        %dma_wait3A_168 = arith.constant 0 : i32
        %dma_wait3A_169 = arith.constant 0 : i32
        %dma_wait3A_170 = tpu.memref_slice %arg10[%dma_wait3A_168, %dma_wait3A_169] : memref<10240x128xf32, #tpu.memory_space<vmem_shared>> -> memref<10240x128xf32, #tpu.memory_space<vmem_shared>>
        tpu.wait_indirect_dma semaphore(%run_scoped3A_158 : memref<!tpu.dma_semaphore, #tpu.memory_space<semaphore_mem>>) src(%arg9 : memref<125x128xf32, #tpu.memory_space<vmem>>) dst(%dma_wait3A_170 : memref<10240x128xf32, #tpu.memory_space<vmem_shared>>)
        tpu.yield
      }) : () -> ()
      %add3A_151 = arith.constant 2 : i32
      %add3A_152 = arith.addi %add3A_135, %add3A_151 : i32
      %lt3A_153 = arith.constant 80 : i32
      %lt3A_154 = arith.cmpi slt, %add3A_152, %lt3A_153 : i32
      %convert_element_type3A_155 = arith.extui %lt3A_154 : i1 to i32
      %cond3A_156 = arith.constant 0 : i32
      %cond3A_157 = arith.cmpi ne, %convert_element_type3A_155, %cond3A_156 : i32
      scf.if %cond3A_157 {
        %add3A_158 = arith.constant 2 : i32
        %add3A_159 = arith.addi %add3A_135, %add3A_158 : i32
        %dma_start3A_160 = arith.constant 0 : i32
        %dma_start3A_161 = arith.constant 0 : i32
        %dma_start3A_162 = arith.constant 0 : i32
        %dma_start3A_163 = arith.constant 0 : i32
        %dma_start3A_164 = tpu.memref_slice %arg3[%arg0, %dma_start3A_160, %dma_start3A_161, %dma_start3A_162, %dma_start3A_163] : memref<2x16x80x2x125xi32, #tpu.memory_space<hbm>> -> memref<1x16x80x2x125xi32, #tpu.memory_space<hbm>>
        %dma_start3A_165 = tpu.memref_squeeze %dma_start3A_164 : memref<1x16x80x2x125xi32, #tpu.memory_space<hbm>> -> memref<16x80x2x125xi32, #tpu.memory_space<hbm>>
        %dma_start3A_166 = arith.constant 0 : i32
        %dma_start3A_167 = arith.constant 0 : i32
        %dma_start3A_168 = arith.constant 0 : i32
        %dma_start3A_169 = tpu.memref_slice %dma_start3A_165[%arg1, %dma_start3A_166, %dma_start3A_167, %dma_start3A_168] : memref<16x80x2x125xi32, #tpu.memory_space<hbm>> -> memref<1x80x2x125xi32, #tpu.memory_space<hbm>>
        %dma_start3A_170 = tpu.memref_squeeze %dma_start3A_169 : memref<1x80x2x125xi32, #tpu.memory_space<hbm>> -> memref<80x2x125xi32, #tpu.memory_space<hbm>>
        %dma_start3A_171 = arith.constant 0 : i32
        %dma_start3A_172 = arith.constant 0 : i32
        %dma_start3A_173 = tpu.memref_slice %dma_start3A_170[%add3A_159, %dma_start3A_171, %dma_start3A_172] : memref<80x2x125xi32, #tpu.memory_space<hbm>> -> memref<1x2x125xi32, #tpu.memory_space<hbm>>
        %dma_start3A_174 = tpu.memref_squeeze %dma_start3A_173 : memref<1x2x125xi32, #tpu.memory_space<hbm>> -> memref<2x125xi32, #tpu.memory_space<hbm>>
        %dma_start3A_175 = arith.constant 0 : i32
        %dma_start3A_176 = arith.constant 0 : i32
        %dma_start3A_177 = arith.constant 0 : i32
        %dma_start3A_178 = arith.constant 0 : i32
        %dma_start3A_179 = tpu.memref_slice %arg3[%arg0, %dma_start3A_175, %dma_start3A_176, %dma_start3A_177, %dma_start3A_178] : memref<2x16x80x2x125xi32, #tpu.memory_space<hbm>> -> memref<1x16x80x2x125xi32, #tpu.memory_space<hbm>>
        %dma_start3A_180 = tpu.memref_squeeze %dma_start3A_179 : memref<1x16x80x2x125xi32, #tpu.memory_space<hbm>> -> memref<16x80x2x125xi32, #tpu.memory_space<hbm>>
        %dma_start3A_181 = arith.constant 0 : i32
        %dma_start3A_182 = arith.constant 0 : i32
        %dma_start3A_183 = arith.constant 0 : i32
        %dma_start3A_184 = tpu.memref_slice %dma_start3A_180[%arg1, %dma_start3A_181, %dma_start3A_182, %dma_start3A_183] : memref<16x80x2x125xi32, #tpu.memory_space<hbm>> -> memref<1x80x2x125xi32, #tpu.memory_space<hbm>>
        %dma_start3A_185 = tpu.memref_squeeze %dma_start3A_184 : memref<1x80x2x125xi32, #tpu.memory_space<hbm>> -> memref<80x2x125xi32, #tpu.memory_space<hbm>>
        %dma_start3A_186 = arith.constant 0 : i32
        %dma_start3A_187 = arith.constant 0 : i32
        %dma_start3A_188 = tpu.memref_slice %dma_start3A_185[%add3A_159, %dma_start3A_186, %dma_start3A_187] : memref<80x2x125xi32, #tpu.memory_space<hbm>> -> memref<1x2x125xi32, #tpu.memory_space<hbm>>
        %dma_start3A_189 = tpu.memref_squeeze %dma_start3A_188 : memref<1x2x125xi32, #tpu.memory_space<hbm>> -> memref<2x125xi32, #tpu.memory_space<hbm>>
        tpu.enqueue_dma source(%dma_start3A_189 : memref<2x125xi32, #tpu.memory_space<hbm>>) target(%arg7 : memref<2x125xi32, #tpu.memory_space<vmem>>) target_semaphore(%arg12 : memref<!tpu.dma_semaphore, #tpu.memory_space<semaphore_mem>>)
      } else {
      }
    }
    %scan3A_104 = arith.constant 40 : i32
    %barrier3A_105 = arith.constant 0 : index
    tpu.barrier barrier_id(%barrier3A_105)
    %mul3A_106 = arith.constant 640 : i32
    %mul3A_107 = arith.muli %arg1, %mul3A_106 : i32
    %mul3A_108 = arith.constant 640 : i32
    %mul3A_109 = arith.muli %arg1, %mul3A_108 : i32
    "tpu.region"() ({
      %run_scoped3A = tpu.sem_alloc : memref<!tpu.dma_semaphore, #tpu.memory_space<semaphore_mem>>
      %dma_start3A_110 = arith.constant 0 : i32
      %dma_start3A_111 = tpu.memref_slice %arg5[%arg0, %mul3A_109, %dma_start3A_110] : memref<2x10240x128xf32, #tpu.memory_space<hbm>> -> memref<1x640x128xf32, #tpu.memory_space<hbm>>
      %dma_start3A_112 = tpu.memref_squeeze %dma_start3A_111 : memref<1x640x128xf32, #tpu.memory_space<hbm>> -> memref<640x128xf32, #tpu.memory_space<hbm>>
      %dma_start3A_113 = arith.constant 0 : i32
      %dma_start3A_114 = tpu.memref_slice %arg10[%mul3A_107, %dma_start3A_113] : memref<10240x128xf32, #tpu.memory_space<vmem_shared>> -> memref<640x128xf32, #tpu.memory_space<vmem_shared>>
      tpu.enqueue_dma source(%dma_start3A_114 : memref<640x128xf32, #tpu.memory_space<vmem_shared>>) target(%dma_start3A_112 : memref<640x128xf32, #tpu.memory_space<hbm>>) target_semaphore(%run_scoped3A : memref<!tpu.dma_semaphore, #tpu.memory_space<semaphore_mem>>)
      %dma_wait3A_115 = arith.constant 0 : i32
      %dma_wait3A_116 = tpu.memref_slice %arg5[%arg0, %mul3A_109, %dma_wait3A_115] : memref<2x10240x128xf32, #tpu.memory_space<hbm>> -> memref<1x640x128xf32, #tpu.memory_space<hbm>>
      %dma_wait3A_117 = tpu.memref_squeeze %dma_wait3A_116 : memref<1x640x128xf32, #tpu.memory_space<hbm>> -> memref<640x128xf32, #tpu.memory_space<hbm>>
      %dma_wait3A_118 = arith.constant 0 : i32
      %dma_wait3A_119 = tpu.memref_slice %arg10[%mul3A_107, %dma_wait3A_118] : memref<10240x128xf32, #tpu.memory_space<vmem_shared>> -> memref<640x128xf32, #tpu.memory_space<vmem_shared>>
      tpu.wait_dma2 semaphore(%run_scoped3A : memref<!tpu.dma_semaphore, #tpu.memory_space<semaphore_mem>>) src(%dma_wait3A_119 : memref<640x128xf32, #tpu.memory_space<vmem_shared>>) dst(%dma_wait3A_117 : memref<640x128xf32, #tpu.memory_space<hbm>>)
      tpu.yield
    }) : () -> ()
    return
  }
}

module attributes {stable_mosaic.version = 14 : i64} {
  func.func @_tc_sage1_body(%arg0: i32, %arg1: memref<2x2048x128xf32, #tpu.memory_space<vmem>>, %arg2: memref<2048x128xf32, #tpu.memory_space<vmem>>, %arg3: memref<2x2048x128xf32, #tpu.memory_space<vmem>>, %arg4: memref<128x128xf32, #tpu.memory_space<vmem>>, %arg5: memref<1x128xf32, #tpu.memory_space<vmem>>, %arg6: memref<128x128xf32, #tpu.memory_space<vmem>>, %arg7: memref<2048x128xf32, #tpu.memory_space<vmem>>) attributes {dimension_semantics = [#tpu.dimension_semantics<arbitrary>], iteration_bounds = array<i64: 5>, scalar_prefetch = 0 : i64, scratch_operands = 0 : i64, tpu.core_type = #tpu.core_type<tc>, window_params = [{transform_indices = @transform_0, window_bounds = array<i64: 2, 2048, 128>}, {transform_indices = @transform_1, window_bounds = array<i64: 2048, 128>}, {transform_indices = @transform_2, window_bounds = array<i64: 2, 2048, 128>}, {pipeline_mode = #tpu.pipeline_mode<synchronous>, transform_indices = @transform_3, window_bounds = array<i64: 128, 128>}, {pipeline_mode = #tpu.pipeline_mode<synchronous>, transform_indices = @transform_4, window_bounds = array<i64: 1, 128>}, {pipeline_mode = #tpu.pipeline_mode<synchronous>, transform_indices = @transform_5, window_bounds = array<i64: 128, 128>}, {transform_indices = @transform_6, window_bounds = array<i64: 2048, 128>}]} {
    %get3A = arith.constant 0 : index
    %get3A_0 = arith.constant 0 : index
    %get3A_1 = arith.constant 0 : index
    %get3A_2 = vector.load %arg3[%get3A, %get3A_0, %get3A_1] : memref<2x2048x128xf32, #tpu.memory_space<vmem>>, vector<1x2048x1xf32>
    %get3A_3 = vector.shape_cast %get3A_2 : vector<1x2048x1xf32> to vector<2048x1xf32>
    %get3A_4 = arith.constant 1 : index
    %get3A_5 = arith.constant 0 : index
    %get3A_6 = arith.constant 0 : index
    %get3A_7 = vector.load %arg3[%get3A_4, %get3A_5, %get3A_6] : memref<2x2048x128xf32, #tpu.memory_space<vmem>>, vector<1x2048x1xf32>
    %get3A_8 = vector.shape_cast %get3A_7 : vector<1x2048x1xf32> to vector<2048x1xf32>
    %add3A = arith.addf %get3A_3, %get3A_8 : vector<2048x1xf32>
    %max3A = arith.constant 1.000000e+00 : f32
    %max3A_9 = vector.broadcast %max3A : f32 to vector<2048x1xf32>
    %max3A_10 = arith.maximumf %add3A, %max3A_9 : vector<2048x1xf32>
    %div3A = arith.constant 1.000000e+00 : f32
    %div3A_11 = vector.broadcast %div3A : f32 to vector<2048x1xf32>
    %div3A_12 = arith.divf %div3A_11, %max3A_10 : vector<2048x1xf32>
    %get3A_13 = arith.constant 0 : index
    %get3A_14 = arith.constant 0 : index
    %get3A_15 = arith.constant 0 : index
    %get3A_16 = vector.load %arg1[%get3A_13, %get3A_14, %get3A_15] : memref<2x2048x128xf32, #tpu.memory_space<vmem>>, vector<1x2048x128xf32>
    %get3A_17 = vector.shape_cast %get3A_16 : vector<1x2048x128xf32> to vector<2048x128xf32>
    %get3A_18 = arith.constant 1 : index
    %get3A_19 = arith.constant 0 : index
    %get3A_20 = arith.constant 0 : index
    %get3A_21 = vector.load %arg1[%get3A_18, %get3A_19, %get3A_20] : memref<2x2048x128xf32, #tpu.memory_space<vmem>>, vector<1x2048x128xf32>
    %get3A_22 = vector.shape_cast %get3A_21 : vector<1x2048x128xf32> to vector<2048x128xf32>
    %add3A_23 = arith.addf %get3A_17, %get3A_22 : vector<2048x128xf32>
    %mul3A = vector.broadcast %div3A_12 : vector<2048x1xf32> to vector<2048x128xf32>
    %mul3A_24 = arith.mulf %add3A_23, %mul3A : vector<2048x128xf32>
    %get3A_25 = arith.constant 0 : index
    %get3A_26 = arith.constant 0 : index
    %get3A_27 = vector.load %arg4[%get3A_25, %get3A_26] : memref<128x128xf32, #tpu.memory_space<vmem>>, vector<128x128xf32>
    %dot_general3A = arith.constant dense<0.000000e+00> : vector<2048x128xf32>
    %dot_general3A_28 = tpu.matmul %mul3A_24, %get3A_27, %dot_general3A {dimension_numbers = #tpu.dot_dimension_numbers<[1], [1], [0], [0], [0, 0, 1, 0], [], []>, transpose_lhs_hint = false} : vector<2048x128xf32>, vector<128x128xf32>, vector<2048x128xf32> -> vector<2048x128xf32>
    %get3A_29 = arith.constant 0 : index
    %get3A_30 = arith.constant 0 : index
    %get3A_31 = vector.load %arg5[%get3A_29, %get3A_30] : memref<1x128xf32, #tpu.memory_space<vmem>>, vector<1x128xf32>
    %add3A_32 = vector.broadcast %get3A_31 : vector<1x128xf32> to vector<2048x128xf32>
    %add3A_33 = arith.addf %dot_general3A_28, %add3A_32 : vector<2048x128xf32>
    %get3A_34 = arith.constant 0 : index
    %get3A_35 = arith.constant 0 : index
    %get3A_36 = vector.load %arg2[%get3A_34, %get3A_35] : memref<2048x128xf32, #tpu.memory_space<vmem>>, vector<2048x128xf32>
    %get3A_37 = arith.constant 0 : index
    %get3A_38 = arith.constant 0 : index
    %get3A_39 = vector.load %arg6[%get3A_37, %get3A_38] : memref<128x128xf32, #tpu.memory_space<vmem>>, vector<128x128xf32>
    %dot_general3A_40 = arith.constant dense<0.000000e+00> : vector<2048x128xf32>
    %dot_general3A_41 = tpu.matmul %get3A_36, %get3A_39, %dot_general3A_40 {dimension_numbers = #tpu.dot_dimension_numbers<[1], [1], [0], [0], [0, 0, 1, 0], [], []>, transpose_lhs_hint = false} : vector<2048x128xf32>, vector<128x128xf32>, vector<2048x128xf32> -> vector<2048x128xf32>
    %add3A_42 = arith.addf %add3A_33, %dot_general3A_41 : vector<2048x128xf32>
    %max3A_43 = arith.constant 0.000000e+00 : f32
    %max3A_44 = vector.broadcast %max3A_43 : f32 to vector<2048x128xf32>
    %max3A_45 = arith.maximumf %add3A_42, %max3A_44 : vector<2048x128xf32>
    %swap3A = arith.constant 0 : index
    %swap3A_46 = arith.constant 0 : index
    %swap3A_47 = vector.load %arg7[%swap3A, %swap3A_46] : memref<2048x128xf32, #tpu.memory_space<vmem>>, vector<2048x128xf32>
    tpu.vector_store %arg7[%swap3A, %swap3A_46], %max3A_45 {strides = array<i32>} : memref<2048x128xf32, #tpu.memory_space<vmem>>, vector<2048x128xf32>,
    return
  }
  func.func @transform_0(%arg0: i32) -> (i32, i32, i32) {
    %c0_i32 = arith.constant 0 : i32
    %c0_i32_0 = arith.constant 0 : i32
    %c0_i32_1 = arith.constant 0 : i32
    return %c0_i32, %arg0, %c0_i32_0 : i32, i32, i32
  }
  func.func @transform_1(%arg0: i32) -> (i32, i32) {
    %c0_i32 = arith.constant 0 : i32
    %c0_i32_0 = arith.constant 0 : i32
    return %arg0, %c0_i32 : i32, i32
  }
  func.func @transform_2(%arg0: i32) -> (i32, i32, i32) {
    %c0_i32 = arith.constant 0 : i32
    %c0_i32_0 = arith.constant 0 : i32
    %c0_i32_1 = arith.constant 0 : i32
    return %c0_i32, %arg0, %c0_i32_0 : i32, i32, i32
  }
  func.func @transform_3(%arg0: i32) -> (i32, i32) {
    %c0_i32 = arith.constant 0 : i32
    %c0_i32_0 = arith.constant 0 : i32
    %c0_i32_1 = arith.constant 0 : i32
    return %c0_i32, %c0_i32_0 : i32, i32
  }
  func.func @transform_4(%arg0: i32) -> (i32, i32) {
    %c0_i32 = arith.constant 0 : i32
    %c0_i32_0 = arith.constant 0 : i32
    %c0_i32_1 = arith.constant 0 : i32
    return %c0_i32, %c0_i32_0 : i32, i32
  }
  func.func @transform_5(%arg0: i32) -> (i32, i32) {
    %c0_i32 = arith.constant 0 : i32
    %c0_i32_0 = arith.constant 0 : i32
    %c0_i32_1 = arith.constant 0 : i32
    return %c0_i32, %c0_i32_0 : i32, i32
  }
  func.func @transform_6(%arg0: i32) -> (i32, i32) {
    %c0_i32 = arith.constant 0 : i32
    %c0_i32_0 = arith.constant 0 : i32
    return %arg0, %c0_i32 : i32, i32
  }
}

module attributes {stable_mosaic.version = 14 : i64} {
  func.func @_tc_step_body(%arg0: i32, %arg1: memref<2x2048x128xf32, #tpu.memory_space<vmem>>, %arg2: memref<2048x128xf32, #tpu.memory_space<vmem>>, %arg3: memref<2x2048x128xf32, #tpu.memory_space<vmem>>, %arg4: memref<2048x128xf32, #tpu.memory_space<vmem>>, %arg5: memref<128x128xf32, #tpu.memory_space<vmem>>, %arg6: memref<1x128xf32, #tpu.memory_space<vmem>>, %arg7: memref<128x128xf32, #tpu.memory_space<vmem>>, %arg8: memref<1x128xf32, #tpu.memory_space<vmem>>, %arg9: memref<1x128xf32, #tpu.memory_space<vmem>>, %arg10: memref<384x128xf32, #tpu.memory_space<vmem>>, %arg11: memref<1x384xf32, #tpu.memory_space<vmem>>, %arg12: memref<384x128xf32, #tpu.memory_space<vmem>>, %arg13: memref<1x384xf32, #tpu.memory_space<vmem>>, %arg14: memref<128x128xf32, #tpu.memory_space<vmem>>, %arg15: memref<1x128xf32, #tpu.memory_space<vmem>>, %arg16: memref<128x128xf32, #tpu.memory_space<vmem>>, %arg17: memref<128x128xf32, #tpu.memory_space<vmem>>, %arg18: memref<1x128xf32, #tpu.memory_space<vmem>>, %arg19: memref<128x128xf32, #tpu.memory_space<vmem>>, %arg20: memref<1x128xf32, #tpu.memory_space<vmem>>, %arg21: memref<2048x128xf32, #tpu.memory_space<vmem>>, %arg22: memref<2048x128xf32, #tpu.memory_space<vmem>>) attributes {dimension_semantics = [#tpu.dimension_semantics<arbitrary>], iteration_bounds = array<i64: 5>, scalar_prefetch = 0 : i64, scratch_operands = 0 : i64, tpu.core_type = #tpu.core_type<tc>, window_params = [{transform_indices = @transform_0, window_bounds = array<i64: 2, 2048, 128>}, {transform_indices = @transform_1, window_bounds = array<i64: 2048, 128>}, {transform_indices = @transform_2, window_bounds = array<i64: 2, 2048, 128>}, {transform_indices = @transform_3, window_bounds = array<i64: 2048, 128>}, {pipeline_mode = #tpu.pipeline_mode<synchronous>, transform_indices = @transform_4, window_bounds = array<i64: 128, 128>}, {pipeline_mode = #tpu.pipeline_mode<synchronous>, transform_indices = @transform_5, window_bounds = array<i64: 1, 128>}, {pipeline_mode = #tpu.pipeline_mode<synchronous>, transform_indices = @transform_6, window_bounds = array<i64: 128, 128>}, {pipeline_mode = #tpu.pipeline_mode<synchronous>, transform_indices = @transform_7, window_bounds = array<i64: 1, 128>}, {pipeline_mode = #tpu.pipeline_mode<synchronous>, transform_indices = @transform_8, window_bounds = array<i64: 1, 128>}, {pipeline_mode = #tpu.pipeline_mode<synchronous>, transform_indices = @transform_9, window_bounds = array<i64: 384, 128>}, {pipeline_mode = #tpu.pipeline_mode<synchronous>, transform_indices = @transform_10, window_bounds = array<i64: 1, 384>}, {pipeline_mode = #tpu.pipeline_mode<synchronous>, transform_indices = @transform_11, window_bounds = array<i64: 384, 128>}, {pipeline_mode = #tpu.pipeline_mode<synchronous>, transform_indices = @transform_12, window_bounds = array<i64: 1, 384>}, {pipeline_mode = #tpu.pipeline_mode<synchronous>, transform_indices = @transform_13, window_bounds = array<i64: 128, 128>}, {pipeline_mode = #tpu.pipeline_mode<synchronous>, transform_indices = @transform_14, window_bounds = array<i64: 1, 128>}, {pipeline_mode = #tpu.pipeline_mode<synchronous>, transform_indices = @transform_15, window_bounds = array<i64: 128, 128>}, {pipeline_mode = #tpu.pipeline_mode<synchronous>, transform_indices = @transform_16, window_bounds = array<i64: 128, 128>}, {pipeline_mode = #tpu.pipeline_mode<synchronous>, transform_indices = @transform_17, window_bounds = array<i64: 1, 128>}, {pipeline_mode = #tpu.pipeline_mode<synchronous>, transform_indices = @transform_18, window_bounds = array<i64: 128, 128>}, {pipeline_mode = #tpu.pipeline_mode<synchronous>, transform_indices = @transform_19, window_bounds = array<i64: 1, 128>}, {transform_indices = @transform_20, window_bounds = array<i64: 2048, 128>}, {transform_indices = @transform_21, window_bounds = array<i64: 2048, 128>}]} {
    %get3A = arith.constant 0 : index
    %get3A_0 = arith.constant 0 : index
    %get3A_1 = arith.constant 0 : index
    %get3A_2 = vector.load %arg3[%get3A, %get3A_0, %get3A_1] : memref<2x2048x128xf32, #tpu.memory_space<vmem>>, vector<1x2048x1xf32>
    %get3A_3 = vector.shape_cast %get3A_2 : vector<1x2048x1xf32> to vector<2048x1xf32>
    %get3A_4 = arith.constant 1 : index
    %get3A_5 = arith.constant 0 : index
    %get3A_6 = arith.constant 0 : index
    %get3A_7 = vector.load %arg3[%get3A_4, %get3A_5, %get3A_6] : memref<2x2048x128xf32, #tpu.memory_space<vmem>>, vector<1x2048x1xf32>
    %get3A_8 = vector.shape_cast %get3A_7 : vector<1x2048x1xf32> to vector<2048x1xf32>
    %add3A = arith.addf %get3A_3, %get3A_8 : vector<2048x1xf32>
    %max3A = arith.constant 1.000000e+00 : f32
    %max3A_9 = vector.broadcast %max3A : f32 to vector<2048x1xf32>
    %max3A_10 = arith.maximumf %add3A, %max3A_9 : vector<2048x1xf32>
    %div3A = arith.constant 1.000000e+00 : f32
    %div3A_11 = vector.broadcast %div3A : f32 to vector<2048x1xf32>
    %div3A_12 = arith.divf %div3A_11, %max3A_10 : vector<2048x1xf32>
    %get3A_13 = arith.constant 0 : index
    %get3A_14 = arith.constant 0 : index
    %get3A_15 = arith.constant 0 : index
    %get3A_16 = vector.load %arg1[%get3A_13, %get3A_14, %get3A_15] : memref<2x2048x128xf32, #tpu.memory_space<vmem>>, vector<1x2048x128xf32>
    %get3A_17 = vector.shape_cast %get3A_16 : vector<1x2048x128xf32> to vector<2048x128xf32>
    %get3A_18 = arith.constant 1 : index
    %get3A_19 = arith.constant 0 : index
    %get3A_20 = arith.constant 0 : index
    %get3A_21 = vector.load %arg1[%get3A_18, %get3A_19, %get3A_20] : memref<2x2048x128xf32, #tpu.memory_space<vmem>>, vector<1x2048x128xf32>
    %get3A_22 = vector.shape_cast %get3A_21 : vector<1x2048x128xf32> to vector<2048x128xf32>
    %add3A_23 = arith.addf %get3A_17, %get3A_22 : vector<2048x128xf32>
    %mul3A = vector.broadcast %div3A_12 : vector<2048x1xf32> to vector<2048x128xf32>
    %mul3A_24 = arith.mulf %add3A_23, %mul3A : vector<2048x128xf32>
    %get3A_25 = arith.constant 0 : index
    %get3A_26 = arith.constant 0 : index
    %get3A_27 = vector.load %arg5[%get3A_25, %get3A_26] : memref<128x128xf32, #tpu.memory_space<vmem>>, vector<128x128xf32>
    %dot_general3A = arith.constant dense<0.000000e+00> : vector<2048x128xf32>
    %dot_general3A_28 = tpu.matmul %mul3A_24, %get3A_27, %dot_general3A {dimension_numbers = #tpu.dot_dimension_numbers<[1], [1], [0], [0], [0, 0, 1, 0], [], []>, transpose_lhs_hint = false} : vector<2048x128xf32>, vector<128x128xf32>, vector<2048x128xf32> -> vector<2048x128xf32>
    %get3A_29 = arith.constant 0 : index
    %get3A_30 = arith.constant 0 : index
    %get3A_31 = vector.load %arg6[%get3A_29, %get3A_30] : memref<1x128xf32, #tpu.memory_space<vmem>>, vector<1x128xf32>
    %add3A_32 = vector.broadcast %get3A_31 : vector<1x128xf32> to vector<2048x128xf32>
    %add3A_33 = arith.addf %dot_general3A_28, %add3A_32 : vector<2048x128xf32>
    %get3A_34 = arith.constant 0 : index
    %get3A_35 = arith.constant 0 : index
    %get3A_36 = vector.load %arg2[%get3A_34, %get3A_35] : memref<2048x128xf32, #tpu.memory_space<vmem>>, vector<2048x128xf32>
    %get3A_37 = arith.constant 0 : index
    %get3A_38 = arith.constant 0 : index
    %get3A_39 = vector.load %arg7[%get3A_37, %get3A_38] : memref<128x128xf32, #tpu.memory_space<vmem>>, vector<128x128xf32>
    %dot_general3A_40 = arith.constant dense<0.000000e+00> : vector<2048x128xf32>
    %dot_general3A_41 = tpu.matmul %get3A_36, %get3A_39, %dot_general3A_40 {dimension_numbers = #tpu.dot_dimension_numbers<[1], [1], [0], [0], [0, 0, 1, 0], [], []>, transpose_lhs_hint = false} : vector<2048x128xf32>, vector<128x128xf32>, vector<2048x128xf32> -> vector<2048x128xf32>
    %add3A_42 = arith.addf %add3A_33, %dot_general3A_41 : vector<2048x128xf32>
    %max3A_43 = arith.constant 0.000000e+00 : f32
    %max3A_44 = vector.broadcast %max3A_43 : f32 to vector<2048x128xf32>
    %max3A_45 = arith.maximumf %add3A_42, %max3A_44 : vector<2048x128xf32>
    %reduce_sum3A = arith.constant dense<0.000000e+00> : vector<2048xf32>
    %reduce_sum3A_46 = vector.multi_reduction <add>, %max3A_45, %reduce_sum3A [1] : vector<2048x128xf32> to vector<2048xf32>
    %broadcast_in_dim3A = vector.shape_cast %reduce_sum3A_46 : vector<2048xf32> to vector<2048x1xf32>
    %div3A_47 = arith.constant 1.280000e+02 : f32
    %div3A_48 = vector.broadcast %div3A_47 : f32 to vector<2048x1xf32>
    %div3A_49 = arith.divf %broadcast_in_dim3A, %div3A_48 : vector<2048x1xf32>
    %sub3A = vector.broadcast %div3A_49 : vector<2048x1xf32> to vector<2048x128xf32>
    %sub3A_50 = arith.subf %max3A_45, %sub3A : vector<2048x128xf32>
    %integer_pow3A = arith.mulf %sub3A_50, %sub3A_50 : vector<2048x128xf32>
    %reduce_sum3A_51 = arith.constant dense<0.000000e+00> : vector<2048xf32>
    %reduce_sum3A_52 = vector.multi_reduction <add>, %integer_pow3A, %reduce_sum3A_51 [1] : vector<2048x128xf32> to vector<2048xf32>
    %broadcast_in_dim3A_53 = vector.shape_cast %reduce_sum3A_52 : vector<2048xf32> to vector<2048x1xf32>
    %div3A_54 = arith.constant 1.280000e+02 : f32
    %div3A_55 = vector.broadcast %div3A_54 : f32 to vector<2048x1xf32>
    %div3A_56 = arith.divf %broadcast_in_dim3A_53, %div3A_55 : vector<2048x1xf32>
    %sub3A_57 = vector.broadcast %div3A_49 : vector<2048x1xf32> to vector<2048x128xf32>
    %sub3A_58 = arith.subf %max3A_45, %sub3A_57 : vector<2048x128xf32>
    %add3A_59 = arith.constant 9.99999974E-6 : f32
    %add3A_60 = vector.broadcast %add3A_59 : f32 to vector<2048x1xf32>
    %add3A_61 = arith.addf %div3A_56, %add3A_60 : vector<2048x1xf32>
    %sqrt3A = math.sqrt %add3A_61 : vector<2048x1xf32>
    %div3A_62 = vector.broadcast %sqrt3A : vector<2048x1xf32> to vector<2048x128xf32>
    %div3A_63 = arith.divf %sub3A_58, %div3A_62 : vector<2048x128xf32>
    %get3A_64 = arith.constant 0 : index
    %get3A_65 = arith.constant 0 : index
    %get3A_66 = vector.load %arg8[%get3A_64, %get3A_65] : memref<1x128xf32, #tpu.memory_space<vmem>>, vector<1x128xf32>
    %mul3A_67 = vector.broadcast %get3A_66 : vector<1x128xf32> to vector<2048x128xf32>
    %mul3A_68 = arith.mulf %div3A_63, %mul3A_67 : vector<2048x128xf32>
    %get3A_69 = arith.constant 0 : index
    %get3A_70 = arith.constant 0 : index
    %get3A_71 = vector.load %arg9[%get3A_69, %get3A_70] : memref<1x128xf32, #tpu.memory_space<vmem>>, vector<1x128xf32>
    %add3A_72 = vector.broadcast %get3A_71 : vector<1x128xf32> to vector<2048x128xf32>
    %add3A_73 = arith.addf %mul3A_68, %add3A_72 : vector<2048x128xf32>
    %get3A_74 = arith.constant 0 : index
    %get3A_75 = arith.constant 0 : index
    %get3A_76 = vector.load %arg4[%get3A_74, %get3A_75] : memref<2048x128xf32, #tpu.memory_space<vmem>>, vector<2048x128xf32>
    %get3A_77 = arith.constant 0 : index
    %get3A_78 = arith.constant 0 : index
    %get3A_79 = vector.load %arg10[%get3A_77, %get3A_78] : memref<384x128xf32, #tpu.memory_space<vmem>>, vector<384x128xf32>
    %dot_general3A_80 = arith.constant dense<0.000000e+00> : vector<2048x384xf32>
    %dot_general3A_81 = tpu.matmul %add3A_73, %get3A_79, %dot_general3A_80 {dimension_numbers = #tpu.dot_dimension_numbers<[1], [1], [0], [0], [0, 0, 1, 0], [], []>, transpose_lhs_hint = false} : vector<2048x128xf32>, vector<384x128xf32>, vector<2048x384xf32> -> vector<2048x384xf32>
    %get3A_82 = arith.constant 0 : index
    %get3A_83 = arith.constant 0 : index
    %get3A_84 = vector.load %arg11[%get3A_82, %get3A_83] : memref<1x384xf32, #tpu.memory_space<vmem>>, vector<1x384xf32>
    %add3A_85 = vector.broadcast %get3A_84 : vector<1x384xf32> to vector<2048x384xf32>
    %add3A_86 = arith.addf %dot_general3A_81, %add3A_85 : vector<2048x384xf32>
    %get3A_87 = arith.constant 0 : index
    %get3A_88 = arith.constant 0 : index
    %get3A_89 = vector.load %arg12[%get3A_87, %get3A_88] : memref<384x128xf32, #tpu.memory_space<vmem>>, vector<384x128xf32>
    %dot_general3A_90 = arith.constant dense<0.000000e+00> : vector<2048x384xf32>
    %dot_general3A_91 = tpu.matmul %get3A_76, %get3A_89, %dot_general3A_90 {dimension_numbers = #tpu.dot_dimension_numbers<[1], [1], [0], [0], [0, 0, 1, 0], [], []>, transpose_lhs_hint = false} : vector<2048x128xf32>, vector<384x128xf32>, vector<2048x384xf32> -> vector<2048x384xf32>
    %get3A_92 = arith.constant 0 : index
    %get3A_93 = arith.constant 0 : index
    %get3A_94 = vector.load %arg13[%get3A_92, %get3A_93] : memref<1x384xf32, #tpu.memory_space<vmem>>, vector<1x384xf32>
    %add3A_95 = vector.broadcast %get3A_94 : vector<1x384xf32> to vector<2048x384xf32>
    %add3A_96 = arith.addf %dot_general3A_91, %add3A_95 : vector<2048x384xf32>
    %slice3A = vector.extract_strided_slice %add3A_86 {offsets = [0, 0], sizes = [2048, 128], strides = [1, 1]} : vector<2048x384xf32> to vector<2048x128xf32>
    %slice3A_97 = vector.extract_strided_slice %add3A_96 {offsets = [0, 0], sizes = [2048, 128], strides = [1, 1]} : vector<2048x384xf32> to vector<2048x128xf32>
    %add3A_98 = arith.addf %slice3A, %slice3A_97 : vector<2048x128xf32>
    %logistic3A = arith.negf %add3A_98 : vector<2048x128xf32>
    %logistic3A_99 = math.exp %logistic3A : vector<2048x128xf32>
    %logistic3A_100 = arith.constant 1.000000e+00 : f32
    %logistic3A_101 = vector.broadcast %logistic3A_100 : f32 to vector<2048x128xf32>
    %logistic3A_102 = arith.addf %logistic3A_101, %logistic3A_99 : vector<2048x128xf32>
    %logistic3A_103 = arith.divf %logistic3A_101, %logistic3A_102 : vector<2048x128xf32>
    %slice3A_104 = vector.extract_strided_slice %add3A_86 {offsets = [0, 128], sizes = [2048, 128], strides = [1, 1]} : vector<2048x384xf32> to vector<2048x128xf32>
    %slice3A_105 = vector.extract_strided_slice %add3A_96 {offsets = [0, 128], sizes = [2048, 128], strides = [1, 1]} : vector<2048x384xf32> to vector<2048x128xf32>
    %add3A_106 = arith.addf %slice3A_104, %slice3A_105 : vector<2048x128xf32>
    %logistic3A_107 = arith.negf %add3A_106 : vector<2048x128xf32>
    %logistic3A_108 = math.exp %logistic3A_107 : vector<2048x128xf32>
    %logistic3A_109 = arith.constant 1.000000e+00 : f32
    %logistic3A_110 = vector.broadcast %logistic3A_109 : f32 to vector<2048x128xf32>
    %logistic3A_111 = arith.addf %logistic3A_110, %logistic3A_108 : vector<2048x128xf32>
    %logistic3A_112 = arith.divf %logistic3A_110, %logistic3A_111 : vector<2048x128xf32>
    %slice3A_113 = vector.extract_strided_slice %add3A_86 {offsets = [0, 256], sizes = [2048, 128], strides = [1, 1]} : vector<2048x384xf32> to vector<2048x128xf32>
    %slice3A_114 = vector.extract_strided_slice %add3A_96 {offsets = [0, 256], sizes = [2048, 128], strides = [1, 1]} : vector<2048x384xf32> to vector<2048x128xf32>
    %mul3A_115 = arith.mulf %logistic3A_103, %slice3A_114 : vector<2048x128xf32>
    %add3A_116 = arith.addf %slice3A_113, %mul3A_115 : vector<2048x128xf32>
    %tanh3A = math.tanh %add3A_116 : vector<2048x128xf32>
    %sub3A_117 = arith.constant 1.000000e+00 : f32
    %sub3A_118 = vector.broadcast %sub3A_117 : f32 to vector<2048x128xf32>
    %sub3A_119 = arith.subf %sub3A_118, %logistic3A_112 : vector<2048x128xf32>
    %mul3A_120 = arith.mulf %sub3A_119, %tanh3A : vector<2048x128xf32>
    %mul3A_121 = arith.mulf %logistic3A_112, %get3A_76 : vector<2048x128xf32>
    %add3A_122 = arith.addf %mul3A_120, %mul3A_121 : vector<2048x128xf32>
    %swap3A = arith.constant 0 : index
    %swap3A_123 = arith.constant 0 : index
    %swap3A_124 = vector.load %arg21[%swap3A, %swap3A_123] : memref<2048x128xf32, #tpu.memory_space<vmem>>, vector<2048x128xf32>
    tpu.vector_store %arg21[%swap3A, %swap3A_123], %add3A_122 {strides = array<i32>} : memref<2048x128xf32, #tpu.memory_space<vmem>>, vector<2048x128xf32>,
    %get3A_125 = arith.constant 0 : index
    %get3A_126 = arith.constant 0 : index
    %get3A_127 = vector.load %arg14[%get3A_125, %get3A_126] : memref<128x128xf32, #tpu.memory_space<vmem>>, vector<128x128xf32>
    %dot_general3A_128 = arith.constant dense<0.000000e+00> : vector<2048x128xf32>
    %dot_general3A_129 = tpu.matmul %add3A_122, %get3A_127, %dot_general3A_128 {dimension_numbers = #tpu.dot_dimension_numbers<[1], [1], [0], [0], [0, 0, 1, 0], [], []>, transpose_lhs_hint = false} : vector<2048x128xf32>, vector<128x128xf32>, vector<2048x128xf32> -> vector<2048x128xf32>
    %get3A_130 = arith.constant 0 : index
    %get3A_131 = arith.constant 0 : index
    %get3A_132 = vector.load %arg15[%get3A_130, %get3A_131] : memref<1x128xf32, #tpu.memory_space<vmem>>, vector<1x128xf32>
    %add3A_133 = vector.broadcast %get3A_132 : vector<1x128xf32> to vector<2048x128xf32>
    %add3A_134 = arith.addf %dot_general3A_129, %add3A_133 : vector<2048x128xf32>
    %max3A_135 = arith.constant 0.000000e+00 : f32
    %max3A_136 = vector.broadcast %max3A_135 : f32 to vector<2048x128xf32>
    %max3A_137 = arith.maximumf %add3A_134, %max3A_136 : vector<2048x128xf32>
    %get3A_138 = arith.constant 0 : index
    %get3A_139 = arith.constant 0 : index
    %get3A_140 = vector.load %arg16[%get3A_138, %get3A_139] : memref<128x128xf32, #tpu.memory_space<vmem>>, vector<128x128xf32>
    %dot_general3A_141 = arith.constant dense<0.000000e+00> : vector<2048x128xf32>
    %dot_general3A_142 = tpu.matmul %max3A_137, %get3A_140, %dot_general3A_141 {dimension_numbers = #tpu.dot_dimension_numbers<[1], [1], [0], [0], [0, 0, 1, 0], [], []>, transpose_lhs_hint = false} : vector<2048x128xf32>, vector<128x128xf32>, vector<2048x128xf32> -> vector<2048x128xf32>
    %get3A_143 = arith.constant 0 : index
    %get3A_144 = arith.constant 0 : index
    %get3A_145 = vector.load %arg17[%get3A_143, %get3A_144] : memref<128x128xf32, #tpu.memory_space<vmem>>, vector<128x128xf32>
    %dot_general3A_146 = arith.constant dense<0.000000e+00> : vector<2048x128xf32>
    %dot_general3A_147 = tpu.matmul %add3A_122, %get3A_145, %dot_general3A_146 {dimension_numbers = #tpu.dot_dimension_numbers<[1], [1], [0], [0], [0, 0, 1, 0], [], []>, transpose_lhs_hint = false} : vector<2048x128xf32>, vector<128x128xf32>, vector<2048x128xf32> -> vector<2048x128xf32>
    %get3A_148 = arith.constant 0 : index
    %get3A_149 = arith.constant 0 : index
    %get3A_150 = vector.load %arg18[%get3A_148, %get3A_149] : memref<1x128xf32, #tpu.memory_space<vmem>>, vector<1x128xf32>
    %add3A_151 = vector.broadcast %get3A_150 : vector<1x128xf32> to vector<2048x128xf32>
    %add3A_152 = arith.addf %dot_general3A_147, %add3A_151 : vector<2048x128xf32>
    %max3A_153 = arith.constant 0.000000e+00 : f32
    %max3A_154 = vector.broadcast %max3A_153 : f32 to vector<2048x128xf32>
    %max3A_155 = arith.maximumf %add3A_152, %max3A_154 : vector<2048x128xf32>
    %get3A_156 = arith.constant 0 : index
    %get3A_157 = arith.constant 0 : index
    %get3A_158 = vector.load %arg19[%get3A_156, %get3A_157] : memref<128x128xf32, #tpu.memory_space<vmem>>, vector<128x128xf32>
    %dot_general3A_159 = arith.constant dense<0.000000e+00> : vector<2048x128xf32>
    %dot_general3A_160 = tpu.matmul %max3A_155, %get3A_158, %dot_general3A_159 {dimension_numbers = #tpu.dot_dimension_numbers<[1], [1], [0], [0], [0, 0, 1, 0], [], []>, transpose_lhs_hint = false} : vector<2048x128xf32>, vector<128x128xf32>, vector<2048x128xf32> -> vector<2048x128xf32>
    %add3A_161 = arith.addf %dot_general3A_142, %dot_general3A_160 : vector<2048x128xf32>
    %get3A_162 = arith.constant 0 : index
    %get3A_163 = arith.constant 0 : index
    %get3A_164 = vector.load %arg20[%get3A_162, %get3A_163] : memref<1x128xf32, #tpu.memory_space<vmem>>, vector<1x128xf32>
    %add3A_165 = vector.broadcast %get3A_164 : vector<1x128xf32> to vector<2048x128xf32>
    %add3A_166 = arith.addf %add3A_161, %add3A_165 : vector<2048x128xf32>
    %swap3A_167 = arith.constant 0 : index
    %swap3A_168 = arith.constant 0 : index
    %swap3A_169 = vector.load %arg22[%swap3A_167, %swap3A_168] : memref<2048x128xf32, #tpu.memory_space<vmem>>, vector<2048x128xf32>
    tpu.vector_store %arg22[%swap3A_167, %swap3A_168], %add3A_166 {strides = array<i32>} : memref<2048x128xf32, #tpu.memory_space<vmem>>, vector<2048x128xf32>,
    return
  }
  func.func @transform_0(%arg0: i32) -> (i32, i32, i32) {
    %c0_i32 = arith.constant 0 : i32
    %c0_i32_0 = arith.constant 0 : i32
    %c0_i32_1 = arith.constant 0 : i32
    return %c0_i32, %arg0, %c0_i32_0 : i32, i32, i32
  }
  func.func @transform_1(%arg0: i32) -> (i32, i32) {
    %c0_i32 = arith.constant 0 : i32
    %c0_i32_0 = arith.constant 0 : i32
    return %arg0, %c0_i32 : i32, i32
  }
  func.func @transform_2(%arg0: i32) -> (i32, i32, i32) {
    %c0_i32 = arith.constant 0 : i32
    %c0_i32_0 = arith.constant 0 : i32
    %c0_i32_1 = arith.constant 0 : i32
    return %c0_i32, %arg0, %c0_i32_0 : i32, i32, i32
  }
  func.func @transform_3(%arg0: i32) -> (i32, i32) {
    %c0_i32 = arith.constant 0 : i32
    %c0_i32_0 = arith.constant 0 : i32
    return %arg0, %c0_i32 : i32, i32
  }
  func.func @transform_4(%arg0: i32) -> (i32, i32) {
    %c0_i32 = arith.constant 0 : i32
    %c0_i32_0 = arith.constant 0 : i32
    %c0_i32_1 = arith.constant 0 : i32
    return %c0_i32, %c0_i32_0 : i32, i32
  }
  func.func @transform_5(%arg0: i32) -> (i32, i32) {
    %c0_i32 = arith.constant 0 : i32
    %c0_i32_0 = arith.constant 0 : i32
    %c0_i32_1 = arith.constant 0 : i32
    return %c0_i32, %c0_i32_0 : i32, i32
  }
  func.func @transform_6(%arg0: i32) -> (i32, i32) {
    %c0_i32 = arith.constant 0 : i32
    %c0_i32_0 = arith.constant 0 : i32
    %c0_i32_1 = arith.constant 0 : i32
    return %c0_i32, %c0_i32_0 : i32, i32
  }
  func.func @transform_7(%arg0: i32) -> (i32, i32) {
    %c0_i32 = arith.constant 0 : i32
    %c0_i32_0 = arith.constant 0 : i32
    %c0_i32_1 = arith.constant 0 : i32
    return %c0_i32, %c0_i32_0 : i32, i32
  }
  func.func @transform_8(%arg0: i32) -> (i32, i32) {
    %c0_i32 = arith.constant 0 : i32
    %c0_i32_0 = arith.constant 0 : i32
    %c0_i32_1 = arith.constant 0 : i32
    return %c0_i32, %c0_i32_0 : i32, i32
  }
  func.func @transform_9(%arg0: i32) -> (i32, i32) {
    %c0_i32 = arith.constant 0 : i32
    %c0_i32_0 = arith.constant 0 : i32
    %c0_i32_1 = arith.constant 0 : i32
    return %c0_i32, %c0_i32_0 : i32, i32
  }
  func.func @transform_10(%arg0: i32) -> (i32, i32) {
    %c0_i32 = arith.constant 0 : i32
    %c0_i32_0 = arith.constant 0 : i32
    %c0_i32_1 = arith.constant 0 : i32
    return %c0_i32, %c0_i32_0 : i32, i32
  }
  func.func @transform_11(%arg0: i32) -> (i32, i32) {
    %c0_i32 = arith.constant 0 : i32
    %c0_i32_0 = arith.constant 0 : i32
    %c0_i32_1 = arith.constant 0 : i32
    return %c0_i32, %c0_i32_0 : i32, i32
  }
  func.func @transform_12(%arg0: i32) -> (i32, i32) {
    %c0_i32 = arith.constant 0 : i32
    %c0_i32_0 = arith.constant 0 : i32
    %c0_i32_1 = arith.constant 0 : i32
    return %c0_i32, %c0_i32_0 : i32, i32
  }
  func.func @transform_13(%arg0: i32) -> (i32, i32) {
    %c0_i32 = arith.constant 0 : i32
    %c0_i32_0 = arith.constant 0 : i32
    %c0_i32_1 = arith.constant 0 : i32
    return %c0_i32, %c0_i32_0 : i32, i32
  }
  func.func @transform_14(%arg0: i32) -> (i32, i32) {
    %c0_i32 = arith.constant 0 : i32
    %c0_i32_0 = arith.constant 0 : i32
    %c0_i32_1 = arith.constant 0 : i32
    return %c0_i32, %c0_i32_0 : i32, i32
  }
  func.func @transform_15(%arg0: i32) -> (i32, i32) {
    %c0_i32 = arith.constant 0 : i32
    %c0_i32_0 = arith.constant 0 : i32
    %c0_i32_1 = arith.constant 0 : i32
    return %c0_i32, %c0_i32_0 : i32, i32
  }
  func.func @transform_16(%arg0: i32) -> (i32, i32) {
    %c0_i32 = arith.constant 0 : i32
    %c0_i32_0 = arith.constant 0 : i32
    %c0_i32_1 = arith.constant 0 : i32
    return %c0_i32, %c0_i32_0 : i32, i32
  }
  func.func @transform_17(%arg0: i32) -> (i32, i32) {
    %c0_i32 = arith.constant 0 : i32
    %c0_i32_0 = arith.constant 0 : i32
    %c0_i32_1 = arith.constant 0 : i32
    return %c0_i32, %c0_i32_0 : i32, i32
  }
  func.func @transform_18(%arg0: i32) -> (i32, i32) {
    %c0_i32 = arith.constant 0 : i32
    %c0_i32_0 = arith.constant 0 : i32
    %c0_i32_1 = arith.constant 0 : i32
    return %c0_i32, %c0_i32_0 : i32, i32
  }
  func.func @transform_19(%arg0: i32) -> (i32, i32) {
    %c0_i32 = arith.constant 0 : i32
    %c0_i32_0 = arith.constant 0 : i32
    %c0_i32_1 = arith.constant 0 : i32
    return %c0_i32, %c0_i32_0 : i32, i32
  }
  func.func @transform_20(%arg0: i32) -> (i32, i32) {
    %c0_i32 = arith.constant 0 : i32
    %c0_i32_0 = arith.constant 0 : i32
    return %arg0, %c0_i32 : i32, i32
  }
  func.func @transform_21(%arg0: i32) -> (i32, i32) {
    %c0_i32 = arith.constant 0 : i32
    %c0_i32_0 = arith.constant 0 : i32
    return %arg0, %c0_i32 : i32, i32
  }
}

</mosaic_0001>

<sc_bundles>
// kernel: closed_call.21.cloned.1.call-start
scs
__scs_entry_jumppad:
0x0: {  	(pc) =	sbr.rel $0x88, $3  }
0x1: {  	(tag) =	ssettag $0x0;
	lr =	simm.s32 $0x1  }
0x2: {  	[smem:$0x3F8B] =	sst lr;
	_ =	strace $0xD0000000  }
0x3: {  	_ = 	snop  }
0x4: {  	_ = 	snop  }
0x5: {  	_ = 	snop  }
0x6: {  	_ = 	snop  }
0x7: {  	_ = 	snop  }
__scs_overlays_trampoline_lowered:
0x8: {  	[smem:$0x3F9A] =	sst s0  }
0x9: {  	[smem:$0x3F9B] =	sst s1  }
0xa: {  	[smem:$0x3F9C] =	sst s2  }
0xb: {  	[smem:$0x3F9D] =	sst s3  }
0xc: {  	[smem:$0x3F9E] =	sst s4  }
0xd: {  	[smem:$0x3F9F] =	sst s5  }
0xe: {  	[smem:$0x3FA0] =	sst s6  }
0xf: {  	[smem:$0x3FA1] =	sst s7  }
0x10: {  	[smem:$0x3FA2] =	sst s8  }
0x11: {  	[smem:$0x3FA3] =	sst s9;
	s0 =	simm.s32 @!p0 $0x0  }
0x12: {  	s1 =	sld [smem:$0x3F89];
	s0 =	simm.s32 @p0 $0x1  }
0x13: {  	[smem:$0x3FA4] =	sst s0;
	s0 =	simm.s32 @!p1 $0x0  }
0x14: {  	s2 =	sld [smem:$0x3F88];
	s0 =	simm.s32 @p1 $0x1  }
0x15: {  	[smem:$0x3FA5] =	sst s0;
	s0 =	simm.s32 @!p2 $0x0  }
0x16: {  	s3 =	sld [smem:$0x3FDB];
	s0 =	simm.s32 @p2 $0x1  }
0x17: {  	s4 =	simm.s32 $0x1BF5;
	[smem:$0x3FA7] =	sst s0  }
0x18: {  	s0 =	sld [smem:$0x3F8A];
	_ =	swait.ge [sflag:s4], $0x0  }
0x19: {  	s7 =	sld [smem:$0x3F8B]  }
0x1a: {  	s8 =	sadd.s32 $0xFFFFE003, lr  }
0x1b: {  	s9 =	sadd.s32 $0xFFFFFEF7, lr;
	s5 =	simm.s32 $0xFFFFFFFF;
	p2 =	slt.u32 s8, $0xFFFFF086  }
0x1c: {  	p1 =	slt.u32 s9, $0xF7A;
	s5 =	simm.s32 @!p2 $0x0  }
0x1d: {  	s5 =	simm.s32 @p1 $0x1;
	p0 =	seq.s32 s7, s2  }
0x1e: {  	s7 =	smul.u32 @!p0 $0xF7A, s2;
	p2 =	seq.s32 @!p0 s5, $0x0  }
0x1f: {  	s9 =	smul.u32 $0xF7A, s1;
	s8 =	simm.s32 @!p0 $0x1BF5;
	p2 =	por !p2, p0  }
0x20: {  	[sflag:s8] =	ssyncset.s32 @!p0 $0xFFFFF086;
	s6 =	sadd.s32 @!p0 s3, s7;
	s7 =	simm.s32 @!p0 $0x108  }
0x21: {  	s3 =	sadd.s32 s3, s9;
	s6 =	sadd.s32 @!p0 $0x88, s6;
	s7 =	simm.s32 @p2 $0x1082  }
0x22: {  	[simem:s7], [sflag:s8] =	dma.local @!p0 [hbm:s6], $0xF7A  }
0x23: {  	s9 =	sor.u32 $0xD0000000, s2;
	s6 =	simm.s32 $0x108;
	_ =	swait.ge @!p0 [sflag:s8], $0x0  }
0x24: {  	s3 =	sadd.s32 $0x88, s3;
	s6 =	simm.s32 @!p1 $0x1082;
	[sflag:s4] =	ssyncset.s32 $0xFFFFF086  }
0x25: {  	[simem:s6], [sflag:s4] =	dma.local [hbm:s3], $0xF7A  }
0x26: {  	[smem:$0x3F8B] =	sst s1;
	(tag) =	ssettag s2;
	_ =	strace s9  }
0x27: {  	s1 =	sld [smem:$0x3F9B]  }
0x28: {  	s2 =	sld [smem:$0x3F9C]  }
0x29: {  	s4 =	sld [smem:$0x3F9E]  }
0x2a: {  	p0 =	seq.s32 s5, $0x0;
	s5 =	sld [smem:$0x3F9F]  }
0x2b: {  	s6 =	sld [smem:$0x3FA0]  }
0x2c: {  	s7 =	sld [smem:$0x3FA1]  }
0x2d: {  	s3 =	simm.s32 $0x108;
	s8 =	sld [smem:$0x3FA2]  }
0x2e: {  	s3 =	simm.s32 @!p0 $0x1082;
	s9 =	sld [smem:$0x3FA3]  }
0x2f: {  	lr =	sadd.s32 s0, s3;
	s0 =	sld [smem:$0x3F9A]  }
0x30: {  	s3 =	sld [smem:$0x3F9D]  }
0x31: {  	[smem:$0x3FA6] =	sst s10  }
0x32: {  	s10 =	sld [smem:$0x3FA4];
	_ =	sdelay $0x3  }
0x33: {  	p0 =	seq.s32 s10, $0x1;
	s10 =	sld [smem:$0x3FA6];
	_ =	sdelay $0x3  }
0x34: {  	[smem:$0x3FA6] =	sst s10  }
0x35: {  	s10 =	sld [smem:$0x3FA5];
	_ =	sdelay $0x3  }
0x36: {  	p1 =	seq.s32 s10, $0x1;
	s10 =	sld [smem:$0x3FA6];
	_ =	sdelay $0x3  }
0x37: {  	[smem:$0x3FA6] =	sst s10  }
0x38: {  	s10 =	sld [smem:$0x3FA7]  }
0x39: {  	_ = 	snop;
	(pc) =	sbr.ind lr, $3  }
0x3a: {  	_ = 	snop  }
0x3b: {  	_ = 	snop  }
0x3c: {  	p2 =	seq.s32 s10, $0x1;
	s10 =	sld [smem:$0x3FA6]  }
0x3d: {  	_ =	shalt  }
0x3e: {  	_ =	shalt  }
0x3f: {  	_ =	shalt  }
0x40: {  	_ =	shalt  }
0x41: {  	_ =	shalt  }
0x42: {  	_ =	shalt  }
0x43: {  	_ =	shalt  }
0x44: {  	_ =	shalt  }
0x45: {  	_ =	shalt  }
0x46: {  	_ =	shalt  }
0x47: {  	_ =	shalt  }
0x48: {  	_ =	shalt  }
0x49: {  	_ =	shalt  }
0x4a: {  	_ =	shalt  }
0x4b: {  	_ =	shalt  }
0x4c: {  	_ =	shalt  }
0x4d: {  	_ =	shalt  }
0x4e: {  	_ =	shalt  }
0x4f: {  	_ =	shalt  }
0x50: {  	_ =	shalt  }
0x51: {  	_ =	shalt  }
0x52: {  	_ =	shalt  }
0x53: {  	_ =	shalt  }
0x54: {  	_ =	shalt  }
0x55: {  	_ =	shalt  }
0x56: {  	_ =	shalt  }
0x57: {  	_ =	shalt  }
0x58: {  	_ =	shalt  }
0x59: {  	_ =	shalt  }
0x5a: {  	_ =	shalt  }
0x5b: {  	_ =	shalt  }
0x5c: {  	_ =	shalt  }
0x5d: {  	_ =	shalt  }
0x5e: {  	_ =	shalt  }
0x5f: {  	_ =	shalt  }
0x60: {  	_ =	shalt  }
0x61: {  	_ =	shalt  }
0x62: {  	_ =	shalt  }
0x63: {  	_ =	shalt  }
0x64: {  	_ =	shalt  }
0x65: {  	_ =	shalt  }
0x66: {  	_ =	shalt  }
0x67: {  	_ =	shalt  }
0x68: {  	_ =	shalt  }
0x69: {  	_ =	shalt  }
0x6a: {  	_ =	shalt  }
0x6b: {  	_ =	shalt  }
0x6c: {  	_ =	shalt  }
0x6d: {  	_ =	shalt  }
0x6e: {  	_ =	shalt  }
0x6f: {  	_ =	shalt  }
0x70: {  	_ =	shalt  }
0x71: {  	_ =	shalt  }
0x72: {  	_ =	shalt  }
0x73: {  	_ =	shalt  }
0x74: {  	_ =	shalt  }
0x75: {  	_ =	shalt  }
0x76: {  	_ =	shalt  }
0x77: {  	_ =	shalt  }
0x78: {  	_ =	shalt  }
0x79: {  	_ =	shalt  }
0x7a: {  	_ =	shalt  }
0x7b: {  	_ =	shalt  }
0x7c: {  	_ =	shalt  }
0x7d: {  	_ =	shalt  }
0x7e: {  	_ =	shalt  }
0x7f: {  	_ =	shalt  }
0x80: {  	_ =	shalt  }
0x81: {  	_ =	shalt  }
0x82: {  	_ =	shalt  }
0x83: {  	_ =	shalt  }
0x84: {  	_ =	shalt  }
0x85: {  	_ =	shalt  }
0x86: {  	_ =	shalt  }
0x87: {  	_ =	shalt  }
.Lfunc_end0:
.L_simem_size_0:
called_computation_lowered:
.L_overlay_start_0:
0x88: {  	s2 =	sld [smem:$0x3FD9]  }
0x89: {  	s3 =	sld [smem:$0x3FFE];
	_ =	sdelay $0x1  }
0x8a: {  	s1 =	srdreg.scid  }
0x8b: {  	s0 =	sand.u32 $0x1, s1  }
0x8c: {  	s16 =	sshll.u32 s0, $0xA;
	s2 =	sadd.s32 s3, s2  }
0x8d: {  	s2 =	sadd.s32 s2, s16  }
0x8e: {  	[smem:$0x3FB2] =	sst s2  }
0x8f: {  	_ = 	snop  }
0x90: {  	(tm) =	ssettm $0x1  }
0x91: {  	s17 =	sld [smem:$0x3FFB];
	_ =	sdelay $0x3  }
0x92: {  	_ =	strace s17  }
0x93: {  	s2 =	sld [smem:$0x3FFC];
	_ =	sdelay $0x3  }
0x94: {  	_ =	strace s2  }
0x95: {  	s2 =	sld [smem:$0x3FFD];
	_ =	sdelay $0x3  }
0x96: {  	_ =	strace s2  }
0x97: {  	_ =	strace $0x8FFFFFFF  }
0x98: {  	s18 =	sld [smem:$0x3FDB];
	_ =	sdelay $0x1  }
0x99: {  	s19 =	simm.s32 $_scs_section_size  }
0x9a: {  	s4 =	simm.s32 $_size__tile_overlayer_lowered;
	s5 =	simm.s32 $_tile_overlayer_lowered  }
0x9b: {  	s22 =	simm.s32 $0x1BFF;
	s21 =	sshll.u32 s5, $0x1;
	s2 =	sadd.s32 s19, s18  }
0x9c: {  	s6 =	simm.s32 $0x0;
	s20 =	sshll.u32 s4, $0x1;
	s4 =	sadd.s32 s21, s2  }
0x9d: {  	[timem:s6], [sflag:s22] =	dma.local [hbm:s4], s20  }
0x9e: {  	_ =	swait.ge [sflag:s22], s20  }
0x9f: {  	s3 =	ssub.s32 $0x0, s20;
	[sflag:s22] =	ssyncset.done $0x0  }
0xa0: {  	[sflag:s22] =	ssyncadd.s32 s3;
	_ =	sdelay $0x1  }
0xa1: {  	s23 =	simm.s32 $0x1B8B  }
0xa2: {  	_ =	swait.ge [sflag:s23], $0x1  }
0xa3: {  	[sflag:s23] =	ssyncset.done $0x0  }
0xa4: {  	s25 =	simm.s32 $0x1B8E;
	s24 =	sld [smem:$0x3FFE];
	[sflag:s23] =	ssyncadd.s32 $0xFFFFFFFF  }
0xa5: {  	s26 =	simm.s32 $execute0_lowered;
	[smem:$0x3FD2] =	sst s25  }
0xa6: {  	s4 =	sshll.u32 s26, $0x1;
	_ =	strace $0x8000004C;
	[dreg:$0x1] =	wrdreg $0xFFFFFFFF  }
0xa7: {  	s28 =	simm.s32 $_size_execute0_lowered;
	s2 =	sadd.s32 s2, s4;
	[dreg:$0x0] =	wrdreg $0x0  }
0xa8: {  	s4 =	sshll.u32 s28, $0x1;
	[dreg:$0x2] =	wrdreg s2  }
0xa9: {  	[dreg:$0x3] =	wrdreg s4  }
0xaa: {  	[dreg:$0x4] =	wrdreg $0xC0  }
0xab: {  	_ =	task [dreg:s6], $0x5FFFF  }
0xac: {  	[dreg:$0x1] =	wrdreg $0xFFFFFFFF  }
0xad: {  	[dreg:$0x0] =	wrdreg $0x60  }
0xae: {  	[dreg:$0x2] =	wrdreg s24  }
0xaf: {  	[dreg:$0x3] =	wrdreg $0x82000  }
0xb0: {  	[dreg:$0x4] =	wrdreg $0x9  }
0xb1: {  	_ =	task.clear_ibuf [dreg:s6], $0x5FFFF;
	_ =	strace $0x9000004C  }
0xb2: {  	s29 =	simm.s32 $0x9;
	_ =	strace $0x8000004E  }
0xb3: {  	_ =	swait.ge [sflag:s29], $0x1  }
0xb4: {  	[sflag:s29] =	ssyncadd.s32 $0xFFFFFFFF  }
0xb5: {  	_ =	strace $0x9000004E  }
0xb6: {  	_ =	sfence  }
0xb7: {  	s30 =	sld [smem:$0x0];
	_ =	sdelay $0x2  }
0xb8: {  	s31 =	sshll.u32 s1, $0xD;
	s1 =	sshrl.u32 s1, $0x2  }
0xb9: {  	s3 =	sand.u32 $0x4000, s31;
	s1 =	sadd.s32 s1, s30  }
0xba: {  	s0 =	sor.u32 s3, s0;
	s1 =	sshll.u32 s1, $0x11  }
0xbb: {  	s0 =	sor.u32 s1, s0  }
0xbc: {  	s0 =	sadd.s32 $0x8F2B, s0  }
0xbd: {  	[sflag:s0] =	ssyncadd.remote.s32 $0x1  }
0xbe: {  	_ =	sfence.sel $0xFFFF  }
0xbf: {  	[dreg:$0x0] =	wrdreg $0xFFFFFFFF;
	(pc) =	sbr.abs _section_cstart, $3  }
0xc0: {  	[dreg:$0x1] =	wrdreg $0xFFFFFFFF  }
0xc1: {  	_ =	task.clear_ibuf [dreg:s6], $0x2FFFF;
	_ =	strace $0x9FFFFFFF  }
0xc2: {  	(tm) =	ssettm $0x7FFFFFFF  }
0xc3: {  	_ =	shalt  }
tec
execute0_lowered:
.L_overlay_start_1:
0x0: {  	(tag) =	ssettag $0x1  }
0x1: {  	s5 =	rddreg [dreg:$0x0];
	s0 =	srdreg.scid  }
0x2: {  	s2 =	rddreg [dreg:$0x1];
	s1 =	stileid.u32;
	s3 =	simm.s32 $0x0  }
0x3: {  	s14 =	simm.s32 $0x1;
	s15 =	simm.s32 $0x7D;
	s16 =	simm.s32 $0x200  }
0x4: {  	s17 =	simm.s32 $0x2;
	s18 =	simm.s32 $0x4200;
	s19 =	simm.s32 $0x3  }
0x5: {  	s20 =	simm.s32 $0x80;
	s21 =	simm.s32 $0x4;
	s8 =	smul.u32 $0x14000, s1  }
0x6: {  	s22 =	simm.s32 $0x180;
	s23 =	simm.s32 $0x0;
	s29 =	smul.u32 $0x50000, s1  }
0x7: {  	s6 =	sand.u32 $0x1, s0;
	s0 =	rddreg [dreg:$0x2];
	s12 =	smul.u32 $0xA00, s1  }
0x8: {  	[smem:$0x7FF] =	sst s3;
	s4 =	sadd.s32 $0x19A00, s5;
	s7 =	smul.u32 $0xA000, s6  }
0x9: {  	s31 =	sshll.u32 s1, $0x6;
	s9 =	smul.u32 $0x140000, s6;
	s6 =	ssub.s32 $0x2, s6  }
0xa: {  	_ =	strace $0x8000004D;
	s10 =	sshrl.u32 s8, $0x3;
	s30 =	sshrl.u32 s6, $0x1  }
0xb: {  	s7 =	sadd.s32 s7, s5;
	s8 =	sadd.s32 s8, s9;
	s10 =	sadd.s32 s10, s5  }
0xc: {  	s9 =	sshrl.u32 s29, $0x2;
	s11 =	ssub.s32 s6, s30;
	s6 =	sor.u32 $0x1C05, s31  }
0xd: {  	s8 =	sshrl.u32 s8, $0x3;
	s9 =	sadd.s32 s9, s2;
	s13 =	sadd.s32 $0x5A00, s7  }
0xe: {  	s8 =	sadd.s32 s8, s5;
	s5 =	sadd.s32 $0x91A00, s10;
	s9 =	sshrl.u32 s9, $0x3  }
0xf: {  	s7 =	sadd.s32 $0x749A00, s8;
	s8 =	smax.u32 s11, $0x1;
	s11 =	sadd.s32 s12, s13  }
0x10: {  	s10 =	simm.s32 $0x5;
	s13 =	simm.s32 $0x100;
	s12 =	sadd.s32 $0x20, s11  }
.LBB2_1:
0x11: {  	[spmem:s9], [sflag:s6] =	dma.local [hbm:s5], $0x2800  }
0x12: {  	_ =	swait.ge [sflag:s10], $0x2800  }
0x13: {  	[sflag:s10] =	ssyncset.done $0x0  }
0x14: {  	[sflag:s10] =	ssyncadd.s32 $0xFFFFD800  }
0x15: {  	[bflag:$0x0] =	sbarrier.arrive $0xFFFF  }
0x16: {  	[tilespmem:s3], [sflag:$0x1] =	stream.linear.gather [hbm4b:s11+s3], $0x100, $0x38;
	[tilespmem:$0x1C200] =	vst v63  }
0x17: {  	_ = 	snop  }
0x18: {  	[tilespmem:s13], [sflag:$0x2] =	stream.linear.gather [hbm4b:s12+s3], $0x100, $0x38;
	[tilespmem:$0x1C200] =	vst v63  }
0x19: {  	_ =	swait.ge [sflag:s14], $0x100  }
0x1a: {  	[sflag:s14] =	ssyncset.done $0x0  }
0x1b: {  	[sflag:s14] =	ssyncadd.s32 $0xFFFFFF00  }
0x1c: {  	[tilespmem:s16], [sflag:$0x3] =	stream.indirect.gather [hbm4b:s4+s15], $0x80, s3, s15, $0xb8;
	[tilespmem:$0x1C200] =	vst v63  }
0x1d: {  	_ =	swait.ge [sflag:s17], $0x100  }
0x1e: {  	[sflag:s17] =	ssyncset.done $0x0  }
0x1f: {  	[sflag:s17] =	ssyncadd.s32 $0xFFFFFF00  }
0x20: {  	[tilespmem:s18], [sflag:$0x4] =	stream.indirect.gather [hbm4b:s4+s15], $0x80, s13, s15, $0xb8;
	[tilespmem:$0x1C200] =	vst v63  }
0x21: {  	_ =	swait.ge [sflag:s19], $0x3E80  }
0x22: {  	[sflag:s19] =	ssyncset.done $0x0  }
0x23: {  	[sflag:s19] =	ssyncadd.s32 $0xFFFFC180  }
0x24: {  	[spmem:s2] =	stream.indirect.scatter.add.f32 [tilespmem:s16], [sflag:$0x5], $0x80, s20, s15, $0xb8;
	[tilespmem:$0x1C200] =	vst v63  }
0x25: {  	_ =	swait.ge [sflag:s10], $0x3E80  }
0x26: {  	s25 =	sadd.s32 $0xFFFFF640, s11;
	[sflag:s10] =	ssyncset.done $0x0  }
0x27: {  	s24 =	sadd.s32 $0xA00, s25;
	[sflag:s10] =	ssyncadd.s32 $0xFFFFC180  }
0x28: {  	[tilespmem:s3], [sflag:$0x1] =	stream.linear.gather [hbm4b:s24+s3], $0x100, $0x38;
	[tilespmem:$0x1C200] =	vst v63  }
0x29: {  	_ =	swait.ge [sflag:s14], $0x100  }
0x2a: {  	[sflag:s14] =	ssyncset.done $0x0  }
0x2b: {  	[sflag:s14] =	ssyncadd.s32 $0xFFFFFF00  }
0x2c: {  	[tilespmem:s16], [sflag:$0x3] =	stream.indirect.gather [hbm4b:s4+s15], $0x80, s3, s15, $0xb8;
	[tilespmem:$0x1C200] =	vst v63  }
0x2d: {  	_ =	swait.ge [sflag:s21], $0x3E80  }
0x2e: {  	[sflag:s21] =	ssyncset.done $0x0  }
0x2f: {  	[sflag:s21] =	ssyncadd.s32 $0xFFFFC180  }
0x30: {  	[spmem:s2] =	stream.indirect.scatter.add.f32 [tilespmem:s18], [sflag:$0x5], $0x80, s22, s15, $0xb8;
	[tilespmem:$0x1C200] =	vst v63  }
0x31: {  	_ =	swait.ge [sflag:s10], $0x3E80  }
0x32: {  	[sflag:s10] =	ssyncset.done $0x0  }
0x33: {  	s25 =	sadd.s32 $0xA20, s25;
	s24 =	simm.s32 $0xFFFFF680;
	[sflag:s10] =	ssyncadd.s32 $0xFFFFC180  }
.LBB2_2:
0x34: {  	[tilespmem:s13], [sflag:$0x2] =	stream.linear.gather [hbm4b:s25+s3], $0x100, $0x38;
	[tilespmem:$0x1C200] =	vst v63  }
0x35: {  	s25 =	smov.u32 s24  }
0x36: {  	p0 =	sne.s32 s24, $0xFFFFFFC0;
	s24 =	sadd.s32 $0x40, s24;
	_ =	swait.ge [sflag:s17], $0x100  }
0x37: {  	[sflag:s17] =	ssyncset.done $0x0  }
0x38: {  	[sflag:s17] =	ssyncadd.s32 $0xFFFFFF00  }
0x39: {  	[tilespmem:s18], [sflag:$0x4] =	stream.indirect.gather [hbm4b:s4+s15], $0x80, s13, s15, $0xb8;
	[tilespmem:$0x1C200] =	vst v63  }
0x3a: {  	_ =	swait.ge [sflag:s19], $0x3E80  }
0x3b: {  	[sflag:s19] =	ssyncset.done $0x0  }
0x3c: {  	[sflag:s19] =	ssyncadd.s32 $0xFFFFC180  }
0x3d: {  	[spmem:s2] =	stream.indirect.scatter.add.f32 [tilespmem:s16], [sflag:$0x5], $0x80, s20, s15, $0xb8;
	[tilespmem:$0x1C200] =	vst v63  }
0x3e: {  	_ =	swait.ge [sflag:s10], $0x3E80  }
0x3f: {  	s25 =	sadd.s32 s25, s11;
	[sflag:s10] =	ssyncset.done $0x0  }
0x40: {  	s26 =	sadd.s32 $0xA00, s25;
	[sflag:s10] =	ssyncadd.s32 $0xFFFFC180  }
0x41: {  	[tilespmem:s3], [sflag:$0x1] =	stream.linear.gather [hbm4b:s26+s3], $0x100, $0x38;
	[tilespmem:$0x1C200] =	vst v63  }
0x42: {  	_ =	swait.ge [sflag:s14], $0x100  }
0x43: {  	[sflag:s14] =	ssyncset.done $0x0  }
0x44: {  	[sflag:s14] =	ssyncadd.s32 $0xFFFFFF00  }
0x45: {  	[tilespmem:s16], [sflag:$0x3] =	stream.indirect.gather [hbm4b:s4+s15], $0x80, s3, s15, $0xb8;
	[tilespmem:$0x1C200] =	vst v63  }
0x46: {  	_ =	swait.ge [sflag:s21], $0x3E80  }
0x47: {  	[sflag:s21] =	ssyncset.done $0x0  }
.Ltmp0:
0x48: {  	[sflag:s21] =	ssyncadd.s32 $0xFFFFC180;
	(pc) =	sbr.rel @p0 .LBB2_2-.Ltmp0, $4  }
0x49: {  	[spmem:s2] =	stream.indirect.scatter.add.f32 [tilespmem:s18], [sflag:$0x5], $0x80, s22, s15, $0xb8;
	[tilespmem:$0x1C200] =	vst v63  }
0x4a: {  	_ =	swait.ge [sflag:s10], $0x3E80  }
0x4b: {  	[sflag:s10] =	ssyncset.done $0x0  }
0x4c: {  	s25 =	sadd.s32 $0xA20, s25;
	[sflag:s10] =	ssyncadd.s32 $0xFFFFC180  }
0x4d: {  	[tilespmem:s13], [sflag:$0x2] =	stream.linear.gather [hbm4b:s25+s3], $0x100, $0x38;
	[tilespmem:$0x1C200] =	vst v63  }
0x4e: {  	_ =	swait.ge [sflag:s17], $0x100  }
0x4f: {  	[sflag:s17] =	ssyncset.done $0x0  }
0x50: {  	[sflag:s17] =	ssyncadd.s32 $0xFFFFFF00  }
0x51: {  	[tilespmem:s18], [sflag:$0x4] =	stream.indirect.gather [hbm4b:s4+s15], $0x80, s13, s15, $0xb8;
	[tilespmem:$0x1C200] =	vst v63  }
0x52: {  	_ =	swait.ge [sflag:s19], $0x3E80  }
0x53: {  	[sflag:s19] =	ssyncset.done $0x0  }
0x54: {  	[sflag:s19] =	ssyncadd.s32 $0xFFFFC180  }
0x55: {  	[spmem:s2] =	stream.indirect.scatter.add.f32 [tilespmem:s16], [sflag:$0x5], $0x80, s20, s15, $0xb8;
	[tilespmem:$0x1C200] =	vst v63  }
0x56: {  	_ =	swait.ge [sflag:s10], $0x3E80  }
0x57: {  	[sflag:s10] =	ssyncset.done $0x0  }
0x58: {  	[sflag:s10] =	ssyncadd.s32 $0xFFFFC180  }
0x59: {  	_ =	swait.ge [sflag:s21], $0x3E80  }
0x5a: {  	[sflag:s21] =	ssyncset.done $0x0  }
0x5b: {  	[sflag:s21] =	ssyncadd.s32 $0xFFFFC180  }
0x5c: {  	[spmem:s2] =	stream.indirect.scatter.add.f32 [tilespmem:s18], [sflag:$0x5], $0x80, s22, s15, $0xb8;
	[tilespmem:$0x1C200] =	vst v63  }
0x5d: {  	_ =	swait.ge [sflag:s10], $0x3E80  }
0x5e: {  	s23 =	sadd.s32 $0x1, s23;
	[sflag:s10] =	ssyncset.done $0x0  }
0x5f: {  	p0 =	sne.s32 s23, s8;
	[sflag:s10] =	ssyncadd.s32 $0xFFFFC180  }
.Ltmp1:
0x60: {  	[bflag:$0x0] =	sbarrier.arrive $0xFFFF;
	(pc) =	sbr.rel @p0 .LBB2_1-.Ltmp1, $4  }
0x61: {  	[hbm:s7], [sflag:s6] =	dma.local [spmem:s9], $0x2800  }
0x62: {  	_ =	swait.ge [sflag:s10], $0x2800  }
0x63: {  	[sflag:s10] =	ssyncset.done $0x0  }
0x64: {  	[sflag:s10] =	ssyncadd.s32 $0xFFFFD800  }
0x65: {  	_ =	sfence.sel $0x180000  }
0x66: {  	[bflag:$0x0] =	sbarrier.arrive $0xFFFF  }
0x67: {  	p0 =	sne.s32 s1, $0x0;
	_ =	strace $0x9000004D  }
0x68: {  	s0 =	sadd.s32 @!p0 $0x100000, s0;
	[bflag:$0x2] =	sbarrier.arrive $0xFFFF  }
0x69: {  	[sflag:s0] =	ssyncadd.tile.s32 @!p0 $0x1;
	_ =	shalt  }
.Lfunc_end2:
_tile_overlayer_lowered:
.L_overlay_start_2:
0x6a: {  	(tag) =	ssettag $0x2  }
0x6b: {  	s0 =	rddreg [dreg:$0x0];
	s2 =	stileid.u32  }
0x6c: {  	s1 =	rddreg [dreg:$0x1];
	p0 =	sne.s32 s2, $0x0  }
0x6d: {  	s3 =	rddreg [dreg:$0x2];
	[bflag:$0x3] =	sbarrier.arrive $0xFFFF;
	s2 =	simm.s32 @!p0 $0x1C05  }
0x6e: {  	[timem:s3], [sflag:s2] =	dma.local @!p0 [hbm:s0], s1  }
0x6f: {  	s0 =	simm.s32 @!p0 $0x5  }
0x70: {  	_ =	swait.ge @!p0 [sflag:s0], s1  }
0x71: {  	s1 =	ssub.s32 @!p0 $0x0, s1;
	[sflag:s0] =	ssyncset.done @!p0 $0x0  }
0x72: {  	[sflag:s0] =	ssyncadd.s32 @!p0 s1  }
0x73: {  	[bflag:$0x3] =	sbarrier.arrive $0xFFFF  }
0x74: {  	_ =	shalt  }

// kernel: closed_call.24.cloned.1.call-start
scs
__scs_entry_jumppad:
0x0: {  	(pc) =	sbr.rel $0x88, $3  }
0x1: {  	(tag) =	ssettag $0x0;
	lr =	simm.s32 $0x1  }
0x2: {  	[smem:$0x3F8B] =	sst lr;
	_ =	strace $0xD0000000  }
0x3: {  	_ = 	snop  }
0x4: {  	_ = 	snop  }
0x5: {  	_ = 	snop  }
0x6: {  	_ = 	snop  }
0x7: {  	_ = 	snop  }
__scs_overlays_trampoline_lowered:
0x8: {  	[smem:$0x3F9A] =	sst s0  }
0x9: {  	[smem:$0x3F9B] =	sst s1  }
0xa: {  	[smem:$0x3F9C] =	sst s2  }
0xb: {  	[smem:$0x3F9D] =	sst s3  }
0xc: {  	[smem:$0x3F9E] =	sst s4  }
0xd: {  	[smem:$0x3F9F] =	sst s5  }
0xe: {  	[smem:$0x3FA0] =	sst s6  }
0xf: {  	[smem:$0x3FA1] =	sst s7  }
0x10: {  	[smem:$0x3FA2] =	sst s8  }
0x11: {  	[smem:$0x3FA3] =	sst s9;
	s0 =	simm.s32 @!p0 $0x0  }
0x12: {  	s1 =	sld [smem:$0x3F89];
	s0 =	simm.s32 @p0 $0x1  }
0x13: {  	[smem:$0x3FA4] =	sst s0;
	s0 =	simm.s32 @!p1 $0x0  }
0x14: {  	s2 =	sld [smem:$0x3F88];
	s0 =	simm.s32 @p1 $0x1  }
0x15: {  	[smem:$0x3FA5] =	sst s0;
	s0 =	simm.s32 @!p2 $0x0  }
0x16: {  	s3 =	sld [smem:$0x3FDB];
	s0 =	simm.s32 @p2 $0x1  }
0x17: {  	s4 =	simm.s32 $0x1BF5;
	[smem:$0x3FA7] =	sst s0  }
0x18: {  	s0 =	sld [smem:$0x3F8A];
	_ =	swait.ge [sflag:s4], $0x0  }
0x19: {  	s7 =	sld [smem:$0x3F8B]  }
0x1a: {  	s8 =	sadd.s32 $0xFFFFE003, lr  }
0x1b: {  	s9 =	sadd.s32 $0xFFFFFEF7, lr;
	s5 =	simm.s32 $0xFFFFFFFF;
	p2 =	slt.u32 s8, $0xFFFFF086  }
0x1c: {  	p1 =	slt.u32 s9, $0xF7A;
	s5 =	simm.s32 @!p2 $0x0  }
0x1d: {  	s5 =	simm.s32 @p1 $0x1;
	p0 =	seq.s32 s7, s2  }
0x1e: {  	s7 =	smul.u32 @!p0 $0xF7A, s2;
	p2 =	seq.s32 @!p0 s5, $0x0  }
0x1f: {  	s9 =	smul.u32 $0xF7A, s1;
	s8 =	simm.s32 @!p0 $0x1BF5;
	p2 =	por !p2, p0  }
0x20: {  	[sflag:s8] =	ssyncset.s32 @!p0 $0xFFFFF086;
	s6 =	sadd.s32 @!p0 s3, s7;
	s7 =	simm.s32 @!p0 $0x108  }
0x21: {  	s3 =	sadd.s32 s3, s9;
	s6 =	sadd.s32 @!p0 $0x88, s6;
	s7 =	simm.s32 @p2 $0x1082  }
0x22: {  	[simem:s7], [sflag:s8] =	dma.local @!p0 [hbm:s6], $0xF7A  }
0x23: {  	s9 =	sor.u32 $0xD0000000, s2;
	s6 =	simm.s32 $0x108;
	_ =	swait.ge @!p0 [sflag:s8], $0x0  }
0x24: {  	s3 =	sadd.s32 $0x88, s3;
	s6 =	simm.s32 @!p1 $0x1082;
	[sflag:s4] =	ssyncset.s32 $0xFFFFF086  }
0x25: {  	[simem:s6], [sflag:s4] =	dma.local [hbm:s3], $0xF7A  }
0x26: {  	[smem:$0x3F8B] =	sst s1;
	(tag) =	ssettag s2;
	_ =	strace s9  }
0x27: {  	s1 =	sld [smem:$0x3F9B]  }
0x28: {  	s2 =	sld [smem:$0x3F9C]  }
0x29: {  	s4 =	sld [smem:$0x3F9E]  }
0x2a: {  	p0 =	seq.s32 s5, $0x0;
	s5 =	sld [smem:$0x3F9F]  }
0x2b: {  	s6 =	sld [smem:$0x3FA0]  }
0x2c: {  	s7 =	sld [smem:$0x3FA1]  }
0x2d: {  	s3 =	simm.s32 $0x108;
	s8 =	sld [smem:$0x3FA2]  }
0x2e: {  	s3 =	simm.s32 @!p0 $0x1082;
	s9 =	sld [smem:$0x3FA3]  }
0x2f: {  	lr =	sadd.s32 s0, s3;
	s0 =	sld [smem:$0x3F9A]  }
0x30: {  	s3 =	sld [smem:$0x3F9D]  }
0x31: {  	[smem:$0x3FA6] =	sst s10  }
0x32: {  	s10 =	sld [smem:$0x3FA4];
	_ =	sdelay $0x3  }
0x33: {  	p0 =	seq.s32 s10, $0x1;
	s10 =	sld [smem:$0x3FA6];
	_ =	sdelay $0x3  }
0x34: {  	[smem:$0x3FA6] =	sst s10  }
0x35: {  	s10 =	sld [smem:$0x3FA5];
	_ =	sdelay $0x3  }
0x36: {  	p1 =	seq.s32 s10, $0x1;
	s10 =	sld [smem:$0x3FA6];
	_ =	sdelay $0x3  }
0x37: {  	[smem:$0x3FA6] =	sst s10  }
0x38: {  	s10 =	sld [smem:$0x3FA7]  }
0x39: {  	_ = 	snop;
	(pc) =	sbr.ind lr, $3  }
0x3a: {  	_ = 	snop  }
0x3b: {  	_ = 	snop  }
0x3c: {  	p2 =	seq.s32 s10, $0x1;
	s10 =	sld [smem:$0x3FA6]  }
0x3d: {  	_ =	shalt  }
0x3e: {  	_ =	shalt  }
0x3f: {  	_ =	shalt  }
0x40: {  	_ =	shalt  }
0x41: {  	_ =	shalt  }
0x42: {  	_ =	shalt  }
0x43: {  	_ =	shalt  }
0x44: {  	_ =	shalt  }
0x45: {  	_ =	shalt  }
0x46: {  	_ =	shalt  }
0x47: {  	_ =	shalt  }
0x48: {  	_ =	shalt  }
0x49: {  	_ =	shalt  }
0x4a: {  	_ =	shalt  }
0x4b: {  	_ =	shalt  }
0x4c: {  	_ =	shalt  }
0x4d: {  	_ =	shalt  }
0x4e: {  	_ =	shalt  }
0x4f: {  	_ =	shalt  }
0x50: {  	_ =	shalt  }
0x51: {  	_ =	shalt  }
0x52: {  	_ =	shalt  }
0x53: {  	_ =	shalt  }
0x54: {  	_ =	shalt  }
0x55: {  	_ =	shalt  }
0x56: {  	_ =	shalt  }
0x57: {  	_ =	shalt  }
0x58: {  	_ =	shalt  }
0x59: {  	_ =	shalt  }
0x5a: {  	_ =	shalt  }
0x5b: {  	_ =	shalt  }
0x5c: {  	_ =	shalt  }
0x5d: {  	_ =	shalt  }
0x5e: {  	_ =	shalt  }
0x5f: {  	_ =	shalt  }
0x60: {  	_ =	shalt  }
0x61: {  	_ =	shalt  }
0x62: {  	_ =	shalt  }
0x63: {  	_ =	shalt  }
0x64: {  	_ =	shalt  }
0x65: {  	_ =	shalt  }
0x66: {  	_ =	shalt  }
0x67: {  	_ =	shalt  }
0x68: {  	_ =	shalt  }
0x69: {  	_ =	shalt  }
0x6a: {  	_ =	shalt  }
0x6b: {  	_ =	shalt  }
0x6c: {  	_ =	shalt  }
0x6d: {  	_ =	shalt  }
0x6e: {  	_ =	shalt  }
0x6f: {  	_ =	shalt  }
0x70: {  	_ =	shalt  }
0x71: {  	_ =	shalt  }
0x72: {  	_ =	shalt  }
0x73: {  	_ =	shalt  }
0x74: {  	_ =	shalt  }
0x75: {  	_ =	shalt  }
0x76: {  	_ =	shalt  }
0x77: {  	_ =	shalt  }
0x78: {  	_ =	shalt  }
0x79: {  	_ =	shalt  }
0x7a: {  	_ =	shalt  }
0x7b: {  	_ =	shalt  }
0x7c: {  	_ =	shalt  }
0x7d: {  	_ =	shalt  }
0x7e: {  	_ =	shalt  }
0x7f: {  	_ =	shalt  }
0x80: {  	_ =	shalt  }
0x81: {  	_ =	shalt  }
0x82: {  	_ =	shalt  }
0x83: {  	_ =	shalt  }
0x84: {  	_ =	shalt  }
0x85: {  	_ =	shalt  }
0x86: {  	_ =	shalt  }
0x87: {  	_ =	shalt  }
.Lfunc_end0:
.L_simem_size_0:
called_computation.1_lowered:
.L_overlay_start_0:
0x88: {  	s2 =	sld [smem:$0x3FD9]  }
0x89: {  	s3 =	sld [smem:$0x3FFE];
	_ =	sdelay $0x1  }
0x8a: {  	s1 =	srdreg.scid  }
0x8b: {  	s0 =	sand.u32 $0x1, s1  }
0x8c: {  	s15 =	sshll.u32 s0, $0xA;
	s2 =	sadd.s32 s3, s2  }
0x8d: {  	s2 =	sadd.s32 s2, s15  }
0x8e: {  	[smem:$0x3FB2] =	sst s2  }
0x8f: {  	_ = 	snop  }
0x90: {  	s2 =	sld [smem:$0x3FD0];
	_ =	sdelay $0x2  }
0x91: {  	s16 =	simm.s32 $0xB;
	s4 =	simm.s32 $0x10  }
0x92: {  	[smem:s4], [sflag:s16] =	dma.local [hbm:s2], $0x1  }
0x93: {  	_ =	swait.eq [sflag:s16], $0x1  }
0x94: {  	[sflag:s16] =	ssyncset.done $0x0  }
0x95: {  	[sflag:s16] =	ssyncadd.s32 $0xFFFFFFFF  }
0x96: {  	s17 =	sld [smem:$0x11];
	(tm) =	ssettm $0x1  }
0x97: {  	s18 =	sld [smem:$0x3FFB];
	_ =	sdelay $0x3  }
0x98: {  	_ =	strace s18  }
0x99: {  	s2 =	sld [smem:$0x3FFC];
	_ =	sdelay $0x3  }
0x9a: {  	_ =	strace s2  }
0x9b: {  	s2 =	sld [smem:$0x3FFD];
	_ =	sdelay $0x3  }
0x9c: {  	_ =	strace s2  }
0x9d: {  	_ =	strace $0x8FFFFFFF  }
0x9e: {  	s19 =	sld [smem:$0x3FDB];
	_ =	sdelay $0x1  }
0x9f: {  	s20 =	simm.s32 $_scs_section_size  }
0xa0: {  	s5 =	simm.s32 $_size__tile_overlayer_lowered;
	s6 =	simm.s32 $_tile_overlayer_lowered  }
0xa1: {  	s7 =	simm.s32 $0x1BFF;
	s21 =	sshll.u32 s6, $0x1;
	s4 =	sadd.s32 s20, s19  }
0xa2: {  	s22 =	simm.s32 $0x0;
	s5 =	sshll.u32 s5, $0x1;
	s6 =	sadd.s32 s21, s4  }
0xa3: {  	[timem:s22], [sflag:s7] =	dma.local [hbm:s6], s5  }
0xa4: {  	_ =	swait.ge [sflag:s7], s5  }
0xa5: {  	s5 =	ssub.s32 $0x0, s5;
	[sflag:s7] =	ssyncset.done $0x0  }
0xa6: {  	[sflag:s7] =	ssyncadd.s32 s5;
	_ =	sdelay $0x1  }
0xa7: {  	s23 =	simm.s32 $0x1B8B  }
0xa8: {  	_ =	swait.ge [sflag:s23], $0x1  }
0xa9: {  	[sflag:s23] =	ssyncset.done $0x0  }
0xaa: {  	[sflag:s23] =	ssyncadd.s32 $0xFFFFFFFF  }
0xab: {  	s5 =	sld [smem:$0x0]  }
0xac: {  	s6 =	sand.u32 $0xFFFFFFFE, s1  }
0xad: {  	p0 =	sne.s32 s1, s6  }
0xae: {  	s6 =	sshll.u32 @p0 s6, $0xE  }
0xaf: {  	s6 =	sadd.s32 @p0 $0x11B8D, s6;
	s7 =	sshll.u32 @p0 s5, $0x11  }
0xb0: {  	s6 =	sor.u32 @p0 s7, s6  }
0xb1: {  	[sflag:s6] =	ssyncadd.remote.s32 @p0 $0x1;
	_ =	sdelay $0x1  }
0xb2: {  	s6 =	simm.s32 @p0 $0x1B8D  }
0xb3: {  	_ =	swait.eq @p0 [sflag:s6], $0x1  }
0xb4: {  	[sflag:s6] =	ssyncadd.s32 @p0 $0xFFFFFFFF  }
0xb5: {  	s7 =	sshll.u32 @!p0 s1, $0xE  }
0xb6: {  	s7 =	sor.u32 @!p0 $0x4000, s7;
	s6 =	simm.s32 @!p0 $0x1B8D  }
0xb7: {  	s5 =	sshll.u32 @!p0 s5, $0x11;
	s7 =	sadd.s32 @!p0 $0x11B8D, s7;
	_ =	swait.eq @!p0 [sflag:s6], $0x1  }
0xb8: {  	s5 =	sor.u32 @!p0 s5, s7;
	[sflag:s6] =	ssyncadd.s32 @!p0 $0xFFFFFFFF  }
0xb9: {  	s25 =	simm.s32 $0x1B8E;
	s24 =	sld [smem:$0x3FFE];
	[sflag:s5] =	ssyncadd.remote.s32 @!p0 $0x1  }
0xba: {  	s26 =	simm.s32 $execute0_lowered;
	[smem:$0x3FD2] =	sst s25  }
0xbb: {  	s6 =	sshll.u32 s26, $0x1;
	_ =	strace $0x8000004F;
	[dreg:$0x1] =	wrdreg $0xFFFFFFFF  }
0xbc: {  	s28 =	simm.s32 $_size_execute0_lowered;
	s4 =	sadd.s32 s4, s6;
	[dreg:$0x0] =	wrdreg $0x0  }
0xbd: {  	s6 =	sshll.u32 s28, $0x1;
	[dreg:$0x2] =	wrdreg s4  }
0xbe: {  	[dreg:$0x3] =	wrdreg s6  }
0xbf: {  	[dreg:$0x4] =	wrdreg $0xC0  }
0xc0: {  	_ =	task [dreg:s22], $0x5FFFF  }
0xc1: {  	[dreg:$0x1] =	wrdreg $0xFFFFFFFF  }
0xc2: {  	[dreg:$0x0] =	wrdreg $0x60  }
0xc3: {  	[dreg:$0x2] =	wrdreg s17  }
0xc4: {  	[dreg:$0x3] =	wrdreg s24  }
0xc5: {  	[dreg:$0x4] =	wrdreg $0x82000  }
0xc6: {  	[dreg:$0x5] =	wrdreg $0xA  }
0xc7: {  	_ =	task.clear_ibuf [dreg:s22], $0x6FFFF;
	_ =	strace $0x9000004F  }
0xc8: {  	s29 =	simm.s32 $0xA;
	_ =	strace $0x80000051  }
0xc9: {  	_ =	swait.ge [sflag:s29], $0x1  }
0xca: {  	[sflag:s29] =	ssyncadd.s32 $0xFFFFFFFF  }
0xcb: {  	_ =	strace $0x90000051  }
0xcc: {  	_ =	sfence  }
0xcd: {  	s30 =	sld [smem:$0x0];
	_ =	sdelay $0x2  }
0xce: {  	s31 =	sshll.u32 s1, $0xD;
	s1 =	sshrl.u32 s1, $0x2  }
0xcf: {  	s4 =	sand.u32 $0x4000, s31;
	s1 =	sadd.s32 s1, s30  }
0xd0: {  	s0 =	sor.u32 s4, s0;
	s1 =	sshll.u32 s1, $0x11  }
0xd1: {  	s0 =	sor.u32 s1, s0  }
0xd2: {  	s0 =	sadd.s32 $0x8F2B, s0  }
0xd3: {  	[sflag:s0] =	ssyncadd.remote.s32 $0x1  }
0xd4: {  	_ =	sfence.sel $0xFFFF  }
0xd5: {  	[dreg:$0x0] =	wrdreg $0xFFFFFFFF;
	(pc) =	sbr.abs _section_cstart, $3  }
0xd6: {  	[dreg:$0x1] =	wrdreg $0xFFFFFFFF  }
0xd7: {  	_ =	task.clear_ibuf [dreg:s22], $0x2FFFF;
	_ =	strace $0x9FFFFFFF  }
0xd8: {  	(tm) =	ssettm $0x7FFFFFFF  }
0xd9: {  	_ =	shalt  }
tec
execute0_lowered:
.L_overlay_start_1:
0x0: {  	(tag) =	ssettag $0x1  }
0x1: {  	s0 =	rddreg [dreg:$0x0]  }
0x2: {  	s5 =	rddreg [dreg:$0x1];
	s1 =	srdreg.scid  }
0x3: {  	s3 =	rddreg [dreg:$0x2];
	s2 =	stileid.u32  }
0x4: {  	s4 =	simm.s32 $0x0;
	s14 =	simm.s32 $0x1;
	s15 =	simm.s32 $0x7D  }
0x5: {  	s16 =	simm.s32 $0x200;
	s17 =	simm.s32 $0x2;
	s18 =	simm.s32 $0x4200  }
0x6: {  	s19 =	simm.s32 $0x3;
	s20 =	simm.s32 $0x80;
	s8 =	smul.u32 $0x14000, s2  }
0x7: {  	s21 =	simm.s32 $0x4;
	s22 =	simm.s32 $0x180;
	s29 =	smul.u32 $0x50000, s2  }
0x8: {  	s6 =	sand.u32 $0x1, s1;
	s1 =	rddreg [dreg:$0x3];
	s12 =	smul.u32 $0xA00, s2  }
0x9: {  	s23 =	simm.s32 $0x0;
	[smem:$0x7FF] =	sst s4;
	s7 =	smul.u32 $0xA000, s6  }
0xa: {  	s31 =	sshll.u32 s2, $0x6;
	s9 =	smul.u32 $0x140000, s6;
	s6 =	ssub.s32 $0x2, s6  }
0xb: {  	_ =	strace $0x80000050;
	s10 =	sshrl.u32 s8, $0x3;
	s30 =	sshrl.u32 s6, $0x1  }
0xc: {  	s7 =	sadd.s32 s7, s5;
	s8 =	sadd.s32 s8, s9;
	s10 =	sadd.s32 s10, s5  }
0xd: {  	s9 =	sshrl.u32 s29, $0x2;
	s11 =	ssub.s32 s6, s30;
	s6 =	sor.u32 $0x1C05, s31  }
0xe: {  	s8 =	sshrl.u32 s8, $0x3;
	s9 =	sadd.s32 s9, s3;
	s13 =	sadd.s32 $0x5A00, s7  }
0xf: {  	s8 =	sadd.s32 s8, s5;
	s5 =	sadd.s32 $0x91A00, s10;
	s9 =	sshrl.u32 s9, $0x3  }
0x10: {  	s7 =	sadd.s32 $0xB9A00, s8;
	s8 =	smax.u32 s11, $0x1;
	s11 =	sadd.s32 s12, s13  }
0x11: {  	s10 =	simm.s32 $0x5;
	s13 =	simm.s32 $0x100;
	s12 =	sadd.s32 $0x20, s11  }
.LBB2_1:
0x12: {  	[spmem:s9], [sflag:s6] =	dma.local [hbm:s5], $0x2800  }
0x13: {  	_ =	swait.ge [sflag:s10], $0x2800  }
0x14: {  	[sflag:s10] =	ssyncset.done $0x0  }
0x15: {  	[sflag:s10] =	ssyncadd.s32 $0xFFFFD800  }
0x16: {  	[bflag:$0x0] =	sbarrier.arrive $0xFFFF  }
0x17: {  	[tilespmem:s4], [sflag:$0x1] =	stream.linear.gather [hbm4b:s11+s4], $0x100, $0x38;
	[tilespmem:$0x1C200] =	vst v63  }
0x18: {  	_ = 	snop  }
0x19: {  	[tilespmem:s13], [sflag:$0x2] =	stream.linear.gather [hbm4b:s12+s4], $0x100, $0x38;
	[tilespmem:$0x1C200] =	vst v63  }
0x1a: {  	_ =	swait.ge [sflag:s14], $0x100  }
0x1b: {  	[sflag:s14] =	ssyncset.done $0x0  }
0x1c: {  	[sflag:s14] =	ssyncadd.s32 $0xFFFFFF00  }
0x1d: {  	[tilespmem:s16], [sflag:$0x3] =	stream.indirect.gather [hbm4b:s0+s15], $0x80, s4, s15, $0xb8;
	[tilespmem:$0x1C200] =	vst v63  }
0x1e: {  	_ =	swait.ge [sflag:s17], $0x100  }
0x1f: {  	[sflag:s17] =	ssyncset.done $0x0  }
0x20: {  	[sflag:s17] =	ssyncadd.s32 $0xFFFFFF00  }
0x21: {  	[tilespmem:s18], [sflag:$0x4] =	stream.indirect.gather [hbm4b:s0+s15], $0x80, s13, s15, $0xb8;
	[tilespmem:$0x1C200] =	vst v63  }
0x22: {  	_ =	swait.ge [sflag:s19], $0x3E80  }
0x23: {  	[sflag:s19] =	ssyncset.done $0x0  }
0x24: {  	[sflag:s19] =	ssyncadd.s32 $0xFFFFC180  }
0x25: {  	[spmem:s3] =	stream.indirect.scatter.add.f32 [tilespmem:s16], [sflag:$0x5], $0x80, s20, s15, $0xb8;
	[tilespmem:$0x1C200] =	vst v63  }
0x26: {  	_ =	swait.ge [sflag:s10], $0x3E80  }
0x27: {  	s25 =	sadd.s32 $0xFFFFF640, s11;
	[sflag:s10] =	ssyncset.done $0x0  }
0x28: {  	s24 =	sadd.s32 $0xA00, s25;
	[sflag:s10] =	ssyncadd.s32 $0xFFFFC180  }
0x29: {  	[tilespmem:s4], [sflag:$0x1] =	stream.linear.gather [hbm4b:s24+s4], $0x100, $0x38;
	[tilespmem:$0x1C200] =	vst v63  }
0x2a: {  	_ =	swait.ge [sflag:s14], $0x100  }
0x2b: {  	[sflag:s14] =	ssyncset.done $0x0  }
0x2c: {  	[sflag:s14] =	ssyncadd.s32 $0xFFFFFF00  }
0x2d: {  	[tilespmem:s16], [sflag:$0x3] =	stream.indirect.gather [hbm4b:s0+s15], $0x80, s4, s15, $0xb8;
	[tilespmem:$0x1C200] =	vst v63  }
0x2e: {  	_ =	swait.ge [sflag:s21], $0x3E80  }
0x2f: {  	[sflag:s21] =	ssyncset.done $0x0  }
0x30: {  	[sflag:s21] =	ssyncadd.s32 $0xFFFFC180  }
0x31: {  	[spmem:s3] =	stream.indirect.scatter.add.f32 [tilespmem:s18], [sflag:$0x5], $0x80, s22, s15, $0xb8;
	[tilespmem:$0x1C200] =	vst v63  }
0x32: {  	_ =	swait.ge [sflag:s10], $0x3E80  }
0x33: {  	[sflag:s10] =	ssyncset.done $0x0  }
0x34: {  	s25 =	sadd.s32 $0xA20, s25;
	s24 =	simm.s32 $0xFFFFF680;
	[sflag:s10] =	ssyncadd.s32 $0xFFFFC180  }
.LBB2_2:
0x35: {  	[tilespmem:s13], [sflag:$0x2] =	stream.linear.gather [hbm4b:s25+s4], $0x100, $0x38;
	[tilespmem:$0x1C200] =	vst v63  }
0x36: {  	s25 =	smov.u32 s24  }
0x37: {  	p0 =	sne.s32 s24, $0xFFFFFFC0;
	s24 =	sadd.s32 $0x40, s24;
	_ =	swait.ge [sflag:s17], $0x100  }
0x38: {  	[sflag:s17] =	ssyncset.done $0x0  }
0x39: {  	[sflag:s17] =	ssyncadd.s32 $0xFFFFFF00  }
0x3a: {  	[tilespmem:s18], [sflag:$0x4] =	stream.indirect.gather [hbm4b:s0+s15], $0x80, s13, s15, $0xb8;
	[tilespmem:$0x1C200] =	vst v63  }
0x3b: {  	_ =	swait.ge [sflag:s19], $0x3E80  }
0x3c: {  	[sflag:s19] =	ssyncset.done $0x0  }
0x3d: {  	[sflag:s19] =	ssyncadd.s32 $0xFFFFC180  }
0x3e: {  	[spmem:s3] =	stream.indirect.scatter.add.f32 [tilespmem:s16], [sflag:$0x5], $0x80, s20, s15, $0xb8;
	[tilespmem:$0x1C200] =	vst v63  }
0x3f: {  	_ =	swait.ge [sflag:s10], $0x3E80  }
0x40: {  	s25 =	sadd.s32 s25, s11;
	[sflag:s10] =	ssyncset.done $0x0  }
0x41: {  	s26 =	sadd.s32 $0xA00, s25;
	[sflag:s10] =	ssyncadd.s32 $0xFFFFC180  }
0x42: {  	[tilespmem:s4], [sflag:$0x1] =	stream.linear.gather [hbm4b:s26+s4], $0x100, $0x38;
	[tilespmem:$0x1C200] =	vst v63  }
0x43: {  	_ =	swait.ge [sflag:s14], $0x100  }
0x44: {  	[sflag:s14] =	ssyncset.done $0x0  }
0x45: {  	[sflag:s14] =	ssyncadd.s32 $0xFFFFFF00  }
0x46: {  	[tilespmem:s16], [sflag:$0x3] =	stream.indirect.gather [hbm4b:s0+s15], $0x80, s4, s15, $0xb8;
	[tilespmem:$0x1C200] =	vst v63  }
0x47: {  	_ =	swait.ge [sflag:s21], $0x3E80  }
0x48: {  	[sflag:s21] =	ssyncset.done $0x0  }
.Ltmp0:
0x49: {  	[sflag:s21] =	ssyncadd.s32 $0xFFFFC180;
	(pc) =	sbr.rel @p0 .LBB2_2-.Ltmp0, $4  }
0x4a: {  	[spmem:s3] =	stream.indirect.scatter.add.f32 [tilespmem:s18], [sflag:$0x5], $0x80, s22, s15, $0xb8;
	[tilespmem:$0x1C200] =	vst v63  }
0x4b: {  	_ =	swait.ge [sflag:s10], $0x3E80  }
0x4c: {  	[sflag:s10] =	ssyncset.done $0x0  }
0x4d: {  	s25 =	sadd.s32 $0xA20, s25;
	[sflag:s10] =	ssyncadd.s32 $0xFFFFC180  }
0x4e: {  	[tilespmem:s13], [sflag:$0x2] =	stream.linear.gather [hbm4b:s25+s4], $0x100, $0x38;
	[tilespmem:$0x1C200] =	vst v63  }
0x4f: {  	_ =	swait.ge [sflag:s17], $0x100  }
0x50: {  	[sflag:s17] =	ssyncset.done $0x0  }
0x51: {  	[sflag:s17] =	ssyncadd.s32 $0xFFFFFF00  }
0x52: {  	[tilespmem:s18], [sflag:$0x4] =	stream.indirect.gather [hbm4b:s0+s15], $0x80, s13, s15, $0xb8;
	[tilespmem:$0x1C200] =	vst v63  }
0x53: {  	_ =	swait.ge [sflag:s19], $0x3E80  }
0x54: {  	[sflag:s19] =	ssyncset.done $0x0  }
0x55: {  	[sflag:s19] =	ssyncadd.s32 $0xFFFFC180  }
0x56: {  	[spmem:s3] =	stream.indirect.scatter.add.f32 [tilespmem:s16], [sflag:$0x5], $0x80, s20, s15, $0xb8;
	[tilespmem:$0x1C200] =	vst v63  }
0x57: {  	_ =	swait.ge [sflag:s10], $0x3E80  }
0x58: {  	[sflag:s10] =	ssyncset.done $0x0  }
0x59: {  	[sflag:s10] =	ssyncadd.s32 $0xFFFFC180  }
0x5a: {  	_ =	swait.ge [sflag:s21], $0x3E80  }
0x5b: {  	[sflag:s21] =	ssyncset.done $0x0  }
0x5c: {  	[sflag:s21] =	ssyncadd.s32 $0xFFFFC180  }
0x5d: {  	[spmem:s3] =	stream.indirect.scatter.add.f32 [tilespmem:s18], [sflag:$0x5], $0x80, s22, s15, $0xb8;
	[tilespmem:$0x1C200] =	vst v63  }
0x5e: {  	_ =	swait.ge [sflag:s10], $0x3E80  }
0x5f: {  	s23 =	sadd.s32 $0x1, s23;
	[sflag:s10] =	ssyncset.done $0x0  }
0x60: {  	p0 =	sne.s32 s23, s8;
	[sflag:s10] =	ssyncadd.s32 $0xFFFFC180  }
.Ltmp1:
0x61: {  	[bflag:$0x0] =	sbarrier.arrive $0xFFFF;
	(pc) =	sbr.rel @p0 .LBB2_1-.Ltmp1, $4  }
0x62: {  	[hbm:s7], [sflag:s6] =	dma.local [spmem:s9], $0x2800  }
0x63: {  	_ =	swait.ge [sflag:s10], $0x2800  }
0x64: {  	[sflag:s10] =	ssyncset.done $0x0  }
0x65: {  	[sflag:s10] =	ssyncadd.s32 $0xFFFFD800  }
0x66: {  	_ =	sfence.sel $0x180000  }
0x67: {  	[bflag:$0x0] =	sbarrier.arrive $0xFFFF  }
0x68: {  	p0 =	sne.s32 s2, $0x0;
	_ =	strace $0x90000050  }
0x69: {  	s0 =	sadd.s32 @!p0 $0x100000, s1;
	[bflag:$0x2] =	sbarrier.arrive $0xFFFF  }
0x6a: {  	[sflag:s0] =	ssyncadd.tile.s32 @!p0 $0x1;
	_ =	shalt  }
.Lfunc_end2:
_tile_overlayer_lowered:
.L_overlay_start_2:
0x6b: {  	(tag) =	ssettag $0x2  }
0x6c: {  	s0 =	rddreg [dreg:$0x0];
	s2 =	stileid.u32  }
0x6d: {  	s1 =	rddreg [dreg:$0x1];
	p0 =	sne.s32 s2, $0x0  }
0x6e: {  	s3 =	rddreg [dreg:$0x2];
	[bflag:$0x3] =	sbarrier.arrive $0xFFFF;
	s2 =	simm.s32 @!p0 $0x1C05  }
0x6f: {  	[timem:s3], [sflag:s2] =	dma.local @!p0 [hbm:s0], s1  }
0x70: {  	s0 =	simm.s32 @!p0 $0x5  }
0x71: {  	_ =	swait.ge @!p0 [sflag:s0], s1  }
0x72: {  	s1 =	ssub.s32 @!p0 $0x0, s1;
	[sflag:s0] =	ssyncset.done @!p0 $0x0  }
0x73: {  	[sflag:s0] =	ssyncadd.s32 @!p0 s1  }
0x74: {  	[bflag:$0x3] =	sbarrier.arrive $0xFFFF  }
0x75: {  	_ =	shalt  }

// kernel: kernel.4.cloned.1.call-start
scs
__scs_entry_jumppad:
0x0: {  	(pc) =	sbr.rel $0x88, $3  }
0x1: {  	(tag) =	ssettag $0x0;
	lr =	simm.s32 $0x1  }
0x2: {  	[smem:$0x3F8B] =	sst lr;
	_ =	strace $0xD0000000  }
0x3: {  	_ = 	snop  }
0x4: {  	_ = 	snop  }
0x5: {  	_ = 	snop  }
0x6: {  	_ = 	snop  }
0x7: {  	_ = 	snop  }
__scs_overlays_trampoline_lowered:
0x8: {  	[smem:$0x3F9A] =	sst s0  }
0x9: {  	[smem:$0x3F9B] =	sst s1  }
0xa: {  	[smem:$0x3F9C] =	sst s2  }
0xb: {  	[smem:$0x3F9D] =	sst s3  }
0xc: {  	[smem:$0x3F9E] =	sst s4  }
0xd: {  	[smem:$0x3F9F] =	sst s5  }
0xe: {  	[smem:$0x3FA0] =	sst s6  }
0xf: {  	[smem:$0x3FA1] =	sst s7  }
0x10: {  	[smem:$0x3FA2] =	sst s8  }
0x11: {  	[smem:$0x3FA3] =	sst s9;
	s0 =	simm.s32 @!p0 $0x0  }
0x12: {  	s1 =	sld [smem:$0x3F89];
	s0 =	simm.s32 @p0 $0x1  }
0x13: {  	[smem:$0x3FA4] =	sst s0;
	s0 =	simm.s32 @!p1 $0x0  }
0x14: {  	s2 =	sld [smem:$0x3F88];
	s0 =	simm.s32 @p1 $0x1  }
0x15: {  	[smem:$0x3FA5] =	sst s0;
	s0 =	simm.s32 @!p2 $0x0  }
0x16: {  	s3 =	sld [smem:$0x3FDB];
	s0 =	simm.s32 @p2 $0x1  }
0x17: {  	s4 =	simm.s32 $0x1BF5;
	[smem:$0x3FA7] =	sst s0  }
0x18: {  	s0 =	sld [smem:$0x3F8A];
	_ =	swait.ge [sflag:s4], $0x0  }
0x19: {  	s7 =	sld [smem:$0x3F8B]  }
0x1a: {  	s8 =	sadd.s32 $0xFFFFE003, lr  }
0x1b: {  	s9 =	sadd.s32 $0xFFFFFEF7, lr;
	s5 =	simm.s32 $0xFFFFFFFF;
	p2 =	slt.u32 s8, $0xFFFFF086  }
0x1c: {  	p1 =	slt.u32 s9, $0xF7A;
	s5 =	simm.s32 @!p2 $0x0  }
0x1d: {  	s5 =	simm.s32 @p1 $0x1;
	p0 =	seq.s32 s7, s2  }
0x1e: {  	s7 =	smul.u32 @!p0 $0xF7A, s2;
	p2 =	seq.s32 @!p0 s5, $0x0  }
0x1f: {  	s9 =	smul.u32 $0xF7A, s1;
	s8 =	simm.s32 @!p0 $0x1BF5;
	p2 =	por !p2, p0  }
0x20: {  	[sflag:s8] =	ssyncset.s32 @!p0 $0xFFFFF086;
	s6 =	sadd.s32 @!p0 s3, s7;
	s7 =	simm.s32 @!p0 $0x108  }
0x21: {  	s3 =	sadd.s32 s3, s9;
	s6 =	sadd.s32 @!p0 $0x88, s6;
	s7 =	simm.s32 @p2 $0x1082  }
0x22: {  	[simem:s7], [sflag:s8] =	dma.local @!p0 [hbm:s6], $0xF7A  }
0x23: {  	s9 =	sor.u32 $0xD0000000, s2;
	s6 =	simm.s32 $0x108;
	_ =	swait.ge @!p0 [sflag:s8], $0x0  }
0x24: {  	s3 =	sadd.s32 $0x88, s3;
	s6 =	simm.s32 @!p1 $0x1082;
	[sflag:s4] =	ssyncset.s32 $0xFFFFF086  }
0x25: {  	[simem:s6], [sflag:s4] =	dma.local [hbm:s3], $0xF7A  }
0x26: {  	[smem:$0x3F8B] =	sst s1;
	(tag) =	ssettag s2;
	_ =	strace s9  }
0x27: {  	s1 =	sld [smem:$0x3F9B]  }
0x28: {  	s2 =	sld [smem:$0x3F9C]  }
0x29: {  	s4 =	sld [smem:$0x3F9E]  }
0x2a: {  	p0 =	seq.s32 s5, $0x0;
	s5 =	sld [smem:$0x3F9F]  }
0x2b: {  	s6 =	sld [smem:$0x3FA0]  }
0x2c: {  	s7 =	sld [smem:$0x3FA1]  }
0x2d: {  	s3 =	simm.s32 $0x108;
	s8 =	sld [smem:$0x3FA2]  }
0x2e: {  	s3 =	simm.s32 @!p0 $0x1082;
	s9 =	sld [smem:$0x3FA3]  }
0x2f: {  	lr =	sadd.s32 s0, s3;
	s0 =	sld [smem:$0x3F9A]  }
0x30: {  	s3 =	sld [smem:$0x3F9D]  }
0x31: {  	[smem:$0x3FA6] =	sst s10  }
0x32: {  	s10 =	sld [smem:$0x3FA4];
	_ =	sdelay $0x3  }
0x33: {  	p0 =	seq.s32 s10, $0x1;
	s10 =	sld [smem:$0x3FA6];
	_ =	sdelay $0x3  }
0x34: {  	[smem:$0x3FA6] =	sst s10  }
0x35: {  	s10 =	sld [smem:$0x3FA5];
	_ =	sdelay $0x3  }
0x36: {  	p1 =	seq.s32 s10, $0x1;
	s10 =	sld [smem:$0x3FA6];
	_ =	sdelay $0x3  }
0x37: {  	[smem:$0x3FA6] =	sst s10  }
0x38: {  	s10 =	sld [smem:$0x3FA7]  }
0x39: {  	_ = 	snop;
	(pc) =	sbr.ind lr, $3  }
0x3a: {  	_ = 	snop  }
0x3b: {  	_ = 	snop  }
0x3c: {  	p2 =	seq.s32 s10, $0x1;
	s10 =	sld [smem:$0x3FA6]  }
0x3d: {  	_ =	shalt  }
0x3e: {  	_ =	shalt  }
0x3f: {  	_ =	shalt  }
0x40: {  	_ =	shalt  }
0x41: {  	_ =	shalt  }
0x42: {  	_ =	shalt  }
0x43: {  	_ =	shalt  }
0x44: {  	_ =	shalt  }
0x45: {  	_ =	shalt  }
0x46: {  	_ =	shalt  }
0x47: {  	_ =	shalt  }
0x48: {  	_ =	shalt  }
0x49: {  	_ =	shalt  }
0x4a: {  	_ =	shalt  }
0x4b: {  	_ =	shalt  }
0x4c: {  	_ =	shalt  }
0x4d: {  	_ =	shalt  }
0x4e: {  	_ =	shalt  }
0x4f: {  	_ =	shalt  }
0x50: {  	_ =	shalt  }
0x51: {  	_ =	shalt  }
0x52: {  	_ =	shalt  }
0x53: {  	_ =	shalt  }
0x54: {  	_ =	shalt  }
0x55: {  	_ =	shalt  }
0x56: {  	_ =	shalt  }
0x57: {  	_ =	shalt  }
0x58: {  	_ =	shalt  }
0x59: {  	_ =	shalt  }
0x5a: {  	_ =	shalt  }
0x5b: {  	_ =	shalt  }
0x5c: {  	_ =	shalt  }
0x5d: {  	_ =	shalt  }
0x5e: {  	_ =	shalt  }
0x5f: {  	_ =	shalt  }
0x60: {  	_ =	shalt  }
0x61: {  	_ =	shalt  }
0x62: {  	_ =	shalt  }
0x63: {  	_ =	shalt  }
0x64: {  	_ =	shalt  }
0x65: {  	_ =	shalt  }
0x66: {  	_ =	shalt  }
0x67: {  	_ =	shalt  }
0x68: {  	_ =	shalt  }
0x69: {  	_ =	shalt  }
0x6a: {  	_ =	shalt  }
0x6b: {  	_ =	shalt  }
0x6c: {  	_ =	shalt  }
0x6d: {  	_ =	shalt  }
0x6e: {  	_ =	shalt  }
0x6f: {  	_ =	shalt  }
0x70: {  	_ =	shalt  }
0x71: {  	_ =	shalt  }
0x72: {  	_ =	shalt  }
0x73: {  	_ =	shalt  }
0x74: {  	_ =	shalt  }
0x75: {  	_ =	shalt  }
0x76: {  	_ =	shalt  }
0x77: {  	_ =	shalt  }
0x78: {  	_ =	shalt  }
0x79: {  	_ =	shalt  }
0x7a: {  	_ =	shalt  }
0x7b: {  	_ =	shalt  }
0x7c: {  	_ =	shalt  }
0x7d: {  	_ =	shalt  }
0x7e: {  	_ =	shalt  }
0x7f: {  	_ =	shalt  }
0x80: {  	_ =	shalt  }
0x81: {  	_ =	shalt  }
0x82: {  	_ =	shalt  }
0x83: {  	_ =	shalt  }
0x84: {  	_ =	shalt  }
0x85: {  	_ =	shalt  }
0x86: {  	_ =	shalt  }
0x87: {  	_ =	shalt  }
.Lfunc_end0:
.L_simem_size_0:
called_computation.2_lowered:
.L_overlay_start_0:
0x88: {  	s2 =	sld [smem:$0x3FD9]  }
0x89: {  	s3 =	sld [smem:$0x3FFE];
	_ =	sdelay $0x1  }
0x8a: {  	s1 =	srdreg.scid  }
0x8b: {  	s0 =	sand.u32 $0x1, s1  }
0x8c: {  	s14 =	sshll.u32 s0, $0xA;
	s2 =	sadd.s32 s3, s2  }
0x8d: {  	s2 =	sadd.s32 s2, s14  }
0x8e: {  	[smem:$0x3FB2] =	sst s2  }
0x8f: {  	_ = 	snop  }
0x90: {  	s2 =	sld [smem:$0x3FD0];
	_ =	sdelay $0x2  }
0x91: {  	s15 =	simm.s32 $0xB;
	s4 =	simm.s32 $0x10  }
0x92: {  	[smem:s4], [sflag:s15] =	dma.local [hbm:s2], $0x1  }
0x93: {  	_ =	swait.eq [sflag:s15], $0x1  }
0x94: {  	[sflag:s15] =	ssyncset.done $0x0  }
0x95: {  	[sflag:s15] =	ssyncadd.s32 $0xFFFFFFFF  }
0x96: {  	s16 =	sld [smem:$0x11];
	(tm) =	ssettm $0x1  }
0x97: {  	s17 =	sld [smem:$0x3FFB];
	_ =	sdelay $0x3  }
0x98: {  	_ =	strace s17  }
0x99: {  	s3 =	sld [smem:$0x3FFC];
	_ =	sdelay $0x3  }
0x9a: {  	_ =	strace s3  }
0x9b: {  	s3 =	sld [smem:$0x3FFD];
	_ =	sdelay $0x3  }
0x9c: {  	_ =	strace s3  }
0x9d: {  	_ =	strace $0x8FFFFFFF  }
0x9e: {  	s18 =	sld [smem:$0x3FDB];
	_ =	sdelay $0x1  }
0x9f: {  	s19 =	simm.s32 $_scs_section_size  }
0xa0: {  	s5 =	simm.s32 $_size__tile_overlayer_lowered;
	s6 =	simm.s32 $_tile_overlayer_lowered  }
0xa1: {  	s22 =	simm.s32 $0x1BFF;
	s21 =	sshll.u32 s6, $0x1;
	s3 =	sadd.s32 s19, s18  }
0xa2: {  	s7 =	simm.s32 $0x0;
	s20 =	sshll.u32 s5, $0x1;
	s5 =	sadd.s32 s21, s3  }
0xa3: {  	[timem:s7], [sflag:s22] =	dma.local [hbm:s5], s20  }
0xa4: {  	_ =	swait.ge [sflag:s22], s20  }
0xa5: {  	s4 =	ssub.s32 $0x0, s20;
	[sflag:s22] =	ssyncset.done $0x0  }
0xa6: {  	[sflag:s22] =	ssyncadd.s32 s4;
	_ =	sdelay $0x1  }
0xa7: {  	s23 =	simm.s32 $0x1B8B  }
0xa8: {  	_ =	swait.ge [sflag:s23], $0x1  }
0xa9: {  	[sflag:s23] =	ssyncset.done $0x0  }
0xaa: {  	s25 =	simm.s32 $0x1B8E;
	s24 =	sld [smem:$0x3FFE];
	[sflag:s23] =	ssyncadd.s32 $0xFFFFFFFF  }
0xab: {  	s26 =	simm.s32 $execute0_lowered;
	[smem:$0x3FD2] =	sst s25  }
0xac: {  	s5 =	sshll.u32 s26, $0x1;
	_ =	strace $0x80000046;
	[dreg:$0x1] =	wrdreg $0xFFFFFFFF  }
0xad: {  	s28 =	simm.s32 $_size_execute0_lowered;
	s3 =	sadd.s32 s3, s5;
	[dreg:$0x0] =	wrdreg $0x0  }
0xae: {  	s5 =	sshll.u32 s28, $0x1;
	[dreg:$0x2] =	wrdreg s3  }
0xaf: {  	[dreg:$0x3] =	wrdreg s5  }
0xb0: {  	[dreg:$0x4] =	wrdreg $0xC0  }
0xb1: {  	_ =	task [dreg:s7], $0x5FFFF  }
0xb2: {  	[dreg:$0x1] =	wrdreg $0xFFFFFFFF  }
0xb3: {  	[dreg:$0x0] =	wrdreg $0x60  }
0xb4: {  	[dreg:$0x2] =	wrdreg s24  }
0xb5: {  	[dreg:$0x3] =	wrdreg s16  }
0xb6: {  	[dreg:$0x4] =	wrdreg $0x82000  }
0xb7: {  	[dreg:$0x5] =	wrdreg $0x9  }
0xb8: {  	_ =	task.clear_ibuf [dreg:s7], $0x6FFFF;
	_ =	strace $0x90000046  }
0xb9: {  	s29 =	simm.s32 $0x9;
	_ =	strace $0x80000048  }
0xba: {  	_ =	swait.ge [sflag:s29], $0x1  }
0xbb: {  	[sflag:s29] =	ssyncadd.s32 $0xFFFFFFFF  }
0xbc: {  	_ =	strace $0x90000048  }
0xbd: {  	_ =	sfence  }
0xbe: {  	s30 =	sld [smem:$0x0];
	_ =	sdelay $0x2  }
0xbf: {  	s31 =	sshll.u32 s1, $0xD;
	s1 =	sshrl.u32 s1, $0x2  }
0xc0: {  	s3 =	sand.u32 $0x4000, s31;
	s1 =	sadd.s32 s1, s30  }
0xc1: {  	s0 =	sor.u32 s3, s0;
	s1 =	sshll.u32 s1, $0x11  }
0xc2: {  	s0 =	sor.u32 s1, s0  }
0xc3: {  	s0 =	sadd.s32 $0x8F2B, s0  }
0xc4: {  	[sflag:s0] =	ssyncadd.remote.s32 $0x1  }
0xc5: {  	_ =	sfence.sel $0xFFFF  }
0xc6: {  	[dreg:$0x0] =	wrdreg $0xFFFFFFFF;
	(pc) =	sbr.abs _section_cstart, $3  }
0xc7: {  	[dreg:$0x1] =	wrdreg $0xFFFFFFFF  }
0xc8: {  	_ =	task.clear_ibuf [dreg:s7], $0x2FFFF;
	_ =	strace $0x9FFFFFFF  }
0xc9: {  	(tm) =	ssettm $0x7FFFFFFF  }
tec
execute0_lowered:
.L_overlay_start_1:
0x0: {  	(tag) =	ssettag $0x1  }
0x1: {  	s5 =	rddreg [dreg:$0x0]  }
0x2: {  	s6 =	rddreg [dreg:$0x1]  }
0x3: {  	s2 =	rddreg [dreg:$0x2]  }
0x4: {  	s0 =	rddreg [dreg:$0x3];
	s4 =	srdreg.scid  }
0x5: {  	s1 =	stileid.u32;
	s3 =	simm.s32 $0x0;
	s15 =	simm.s32 $0x7D  }
0x6: {  	s16 =	simm.s32 $0x200;
	s17 =	simm.s32 $0x2;
	s18 =	simm.s32 $0x4200  }
0x7: {  	s19 =	simm.s32 $0x3;
	s20 =	simm.s32 $0x80;
	s8 =	smul.u32 $0x14000, s1  }
0x8: {  	s21 =	simm.s32 $0x4;
	s22 =	simm.s32 $0x180;
	s11 =	smul.u32 $0x50000, s1  }
0x9: {  	s23 =	simm.s32 $0x0;
	s7 =	sand.u32 $0x1, s4;
	s13 =	smul.u32 $0xA00, s1  }
0xa: {  	[smem:$0x7FF] =	sst s3;
	s4 =	sadd.s32 $0x19A00, s5;
	s9 =	smul.u32 $0x140000, s7  }
0xb: {  	s31 =	sshll.u32 s1, $0x6;
	s10 =	smul.u32 $0xA000, s7;
	s7 =	ssub.s32 $0x2, s7  }
0xc: {  	_ =	strace $0x80000047;
	s12 =	sshrl.u32 s7, $0x1;
	s29 =	sshrl.u32 s11, $0x2  }
0xd: {  	s30 =	sshrl.u32 s8, $0x3;
	s9 =	sadd.s32 s8, s9;
	s10 =	sadd.s32 s10, s5  }
0xe: {  	s12 =	ssub.s32 s7, s12;
	s11 =	sadd.s32 s29, s2;
	s9 =	sshrl.u32 s9, $0x3  }
0xf: {  	s14 =	sadd.s32 $0x5A00, s10;
	s8 =	smax.u32 s12, $0x1;
	s10 =	simm.s32 $0x5  }
0x10: {  	s9 =	sadd.s32 s9, s5;
	s5 =	sadd.s32 s6, s30;
	s6 =	sor.u32 $0x1C05, s31  }
0x11: {  	s7 =	sadd.s32 $0x41A00, s9;
	s9 =	sshrl.u32 s11, $0x3;
	s11 =	sadd.s32 s13, s14  }
0x12: {  	s13 =	simm.s32 $0x100;
	s14 =	simm.s32 $0x1;
	s12 =	sadd.s32 $0x20, s11  }
.LBB2_1:
0x13: {  	[spmem:s9], [sflag:s6] =	dma.local [hbm:s5], $0x2800  }
0x14: {  	_ =	swait.ge [sflag:s10], $0x2800  }
0x15: {  	[sflag:s10] =	ssyncset.done $0x0  }
0x16: {  	[sflag:s10] =	ssyncadd.s32 $0xFFFFD800  }
0x17: {  	[bflag:$0x0] =	sbarrier.arrive $0xFFFF  }
0x18: {  	[tilespmem:s3], [sflag:$0x1] =	stream.linear.gather [hbm4b:s11+s3], $0x100, $0x38;
	[tilespmem:$0x1C200] =	vst v63  }
0x19: {  	_ = 	snop  }
0x1a: {  	[tilespmem:s13], [sflag:$0x2] =	stream.linear.gather [hbm4b:s12+s3], $0x100, $0x38;
	[tilespmem:$0x1C200] =	vst v63  }
0x1b: {  	_ =	swait.ge [sflag:s14], $0x100  }
0x1c: {  	[sflag:s14] =	ssyncset.done $0x0  }
0x1d: {  	[sflag:s14] =	ssyncadd.s32 $0xFFFFFF00  }
0x1e: {  	[tilespmem:s16], [sflag:$0x3] =	stream.indirect.gather [hbm4b:s4+s15], $0x80, s3, s15, $0xb8;
	[tilespmem:$0x1C200] =	vst v63  }
0x1f: {  	_ =	swait.ge [sflag:s17], $0x100  }
0x20: {  	[sflag:s17] =	ssyncset.done $0x0  }
0x21: {  	[sflag:s17] =	ssyncadd.s32 $0xFFFFFF00  }
0x22: {  	[tilespmem:s18], [sflag:$0x4] =	stream.indirect.gather [hbm4b:s4+s15], $0x80, s13, s15, $0xb8;
	[tilespmem:$0x1C200] =	vst v63  }
0x23: {  	_ =	swait.ge [sflag:s19], $0x3E80  }
0x24: {  	[sflag:s19] =	ssyncset.done $0x0  }
0x25: {  	[sflag:s19] =	ssyncadd.s32 $0xFFFFC180  }
0x26: {  	[spmem:s2] =	stream.indirect.scatter.add.f32 [tilespmem:s16], [sflag:$0x5], $0x80, s20, s15, $0xb8;
	[tilespmem:$0x1C200] =	vst v63  }
0x27: {  	_ =	swait.ge [sflag:s10], $0x3E80  }
0x28: {  	s25 =	sadd.s32 $0xFFFFF640, s11;
	[sflag:s10] =	ssyncset.done $0x0  }
0x29: {  	s24 =	sadd.s32 $0xA00, s25;
	[sflag:s10] =	ssyncadd.s32 $0xFFFFC180  }
0x2a: {  	[tilespmem:s3], [sflag:$0x1] =	stream.linear.gather [hbm4b:s24+s3], $0x100, $0x38;
	[tilespmem:$0x1C200] =	vst v63  }
0x2b: {  	_ =	swait.ge [sflag:s14], $0x100  }
0x2c: {  	[sflag:s14] =	ssyncset.done $0x0  }
0x2d: {  	[sflag:s14] =	ssyncadd.s32 $0xFFFFFF00  }
0x2e: {  	[tilespmem:s16], [sflag:$0x3] =	stream.indirect.gather [hbm4b:s4+s15], $0x80, s3, s15, $0xb8;
	[tilespmem:$0x1C200] =	vst v63  }
0x2f: {  	_ =	swait.ge [sflag:s21], $0x3E80  }
0x30: {  	[sflag:s21] =	ssyncset.done $0x0  }
0x31: {  	[sflag:s21] =	ssyncadd.s32 $0xFFFFC180  }
0x32: {  	[spmem:s2] =	stream.indirect.scatter.add.f32 [tilespmem:s18], [sflag:$0x5], $0x80, s22, s15, $0xb8;
	[tilespmem:$0x1C200] =	vst v63  }
0x33: {  	_ =	swait.ge [sflag:s10], $0x3E80  }
0x34: {  	[sflag:s10] =	ssyncset.done $0x0  }
0x35: {  	s25 =	sadd.s32 $0xA20, s25;
	s24 =	simm.s32 $0xFFFFF680;
	[sflag:s10] =	ssyncadd.s32 $0xFFFFC180  }
.LBB2_2:
0x36: {  	[tilespmem:s13], [sflag:$0x2] =	stream.linear.gather [hbm4b:s25+s3], $0x100, $0x38;
	[tilespmem:$0x1C200] =	vst v63  }
0x37: {  	s25 =	smov.u32 s24  }
0x38: {  	p0 =	sne.s32 s24, $0xFFFFFFC0;
	s24 =	sadd.s32 $0x40, s24;
	_ =	swait.ge [sflag:s17], $0x100  }
0x39: {  	[sflag:s17] =	ssyncset.done $0x0  }
0x3a: {  	[sflag:s17] =	ssyncadd.s32 $0xFFFFFF00  }
0x3b: {  	[tilespmem:s18], [sflag:$0x4] =	stream.indirect.gather [hbm4b:s4+s15], $0x80, s13, s15, $0xb8;
	[tilespmem:$0x1C200] =	vst v63  }
0x3c: {  	_ =	swait.ge [sflag:s19], $0x3E80  }
0x3d: {  	[sflag:s19] =	ssyncset.done $0x0  }
0x3e: {  	[sflag:s19] =	ssyncadd.s32 $0xFFFFC180  }
0x3f: {  	[spmem:s2] =	stream.indirect.scatter.add.f32 [tilespmem:s16], [sflag:$0x5], $0x80, s20, s15, $0xb8;
	[tilespmem:$0x1C200] =	vst v63  }
0x40: {  	_ =	swait.ge [sflag:s10], $0x3E80  }
0x41: {  	s25 =	sadd.s32 s25, s11;
	[sflag:s10] =	ssyncset.done $0x0  }
0x42: {  	s26 =	sadd.s32 $0xA00, s25;
	[sflag:s10] =	ssyncadd.s32 $0xFFFFC180  }
0x43: {  	[tilespmem:s3], [sflag:$0x1] =	stream.linear.gather [hbm4b:s26+s3], $0x100, $0x38;
	[tilespmem:$0x1C200] =	vst v63  }
0x44: {  	_ =	swait.ge [sflag:s14], $0x100  }
0x45: {  	[sflag:s14] =	ssyncset.done $0x0  }
0x46: {  	[sflag:s14] =	ssyncadd.s32 $0xFFFFFF00  }
0x47: {  	[tilespmem:s16], [sflag:$0x3] =	stream.indirect.gather [hbm4b:s4+s15], $0x80, s3, s15, $0xb8;
	[tilespmem:$0x1C200] =	vst v63  }
0x48: {  	_ =	swait.ge [sflag:s21], $0x3E80  }
0x49: {  	[sflag:s21] =	ssyncset.done $0x0  }
.Ltmp0:
0x4a: {  	[sflag:s21] =	ssyncadd.s32 $0xFFFFC180;
	(pc) =	sbr.rel @p0 .LBB2_2-.Ltmp0, $4  }
0x4b: {  	[spmem:s2] =	stream.indirect.scatter.add.f32 [tilespmem:s18], [sflag:$0x5], $0x80, s22, s15, $0xb8;
	[tilespmem:$0x1C200] =	vst v63  }
0x4c: {  	_ =	swait.ge [sflag:s10], $0x3E80  }
0x4d: {  	[sflag:s10] =	ssyncset.done $0x0  }
0x4e: {  	s25 =	sadd.s32 $0xA20, s25;
	[sflag:s10] =	ssyncadd.s32 $0xFFFFC180  }
0x4f: {  	[tilespmem:s13], [sflag:$0x2] =	stream.linear.gather [hbm4b:s25+s3], $0x100, $0x38;
	[tilespmem:$0x1C200] =	vst v63  }
0x50: {  	_ =	swait.ge [sflag:s17], $0x100  }
0x51: {  	[sflag:s17] =	ssyncset.done $0x0  }
0x52: {  	[sflag:s17] =	ssyncadd.s32 $0xFFFFFF00  }
0x53: {  	[tilespmem:s18], [sflag:$0x4] =	stream.indirect.gather [hbm4b:s4+s15], $0x80, s13, s15, $0xb8;
	[tilespmem:$0x1C200] =	vst v63  }
0x54: {  	_ =	swait.ge [sflag:s19], $0x3E80  }
0x55: {  	[sflag:s19] =	ssyncset.done $0x0  }
0x56: {  	[sflag:s19] =	ssyncadd.s32 $0xFFFFC180  }
0x57: {  	[spmem:s2] =	stream.indirect.scatter.add.f32 [tilespmem:s16], [sflag:$0x5], $0x80, s20, s15, $0xb8;
	[tilespmem:$0x1C200] =	vst v63  }
0x58: {  	_ =	swait.ge [sflag:s10], $0x3E80  }
0x59: {  	[sflag:s10] =	ssyncset.done $0x0  }
0x5a: {  	[sflag:s10] =	ssyncadd.s32 $0xFFFFC180  }
0x5b: {  	_ =	swait.ge [sflag:s21], $0x3E80  }
0x5c: {  	[sflag:s21] =	ssyncset.done $0x0  }
0x5d: {  	[sflag:s21] =	ssyncadd.s32 $0xFFFFC180  }
0x5e: {  	[spmem:s2] =	stream.indirect.scatter.add.f32 [tilespmem:s18], [sflag:$0x5], $0x80, s22, s15, $0xb8;
	[tilespmem:$0x1C200] =	vst v63  }
0x5f: {  	_ =	swait.ge [sflag:s10], $0x3E80  }
0x60: {  	s23 =	sadd.s32 $0x1, s23;
	[sflag:s10] =	ssyncset.done $0x0  }
0x61: {  	p0 =	sne.s32 s23, s8;
	[sflag:s10] =	ssyncadd.s32 $0xFFFFC180  }
.Ltmp1:
0x62: {  	[bflag:$0x0] =	sbarrier.arrive $0xFFFF;
	(pc) =	sbr.rel @p0 .LBB2_1-.Ltmp1, $4  }
0x63: {  	[hbm:s7], [sflag:s6] =	dma.local [spmem:s9], $0x2800  }
0x64: {  	_ =	swait.ge [sflag:s10], $0x2800  }
0x65: {  	[sflag:s10] =	ssyncset.done $0x0  }
0x66: {  	[sflag:s10] =	ssyncadd.s32 $0xFFFFD800  }
0x67: {  	_ =	sfence.sel $0x180000  }
0x68: {  	[bflag:$0x0] =	sbarrier.arrive $0xFFFF  }
0x69: {  	p0 =	sne.s32 s1, $0x0;
	_ =	strace $0x90000047  }
0x6a: {  	s0 =	sadd.s32 @!p0 $0x100000, s0;
	[bflag:$0x2] =	sbarrier.arrive $0xFFFF  }
0x6b: {  	[sflag:s0] =	ssyncadd.tile.s32 @!p0 $0x1;
	_ =	shalt  }
.Lfunc_end2:
_tile_overlayer_lowered:
.L_overlay_start_2:
0x6c: {  	(tag) =	ssettag $0x2  }
0x6d: {  	s0 =	rddreg [dreg:$0x0];
	s2 =	stileid.u32  }
0x6e: {  	s1 =	rddreg [dreg:$0x1];
	p0 =	sne.s32 s2, $0x0  }
0x6f: {  	s3 =	rddreg [dreg:$0x2];
	[bflag:$0x3] =	sbarrier.arrive $0xFFFF;
	s2 =	simm.s32 @!p0 $0x1C05  }
0x70: {  	[timem:s3], [sflag:s2] =	dma.local @!p0 [hbm:s0], s1  }
0x71: {  	s0 =	simm.s32 @!p0 $0x5  }
0x72: {  	_ =	swait.ge @!p0 [sflag:s0], s1  }
0x73: {  	s1 =	ssub.s32 @!p0 $0x0, s1;
	[sflag:s0] =	ssyncset.done @!p0 $0x0  }
0x74: {  	[sflag:s0] =	ssyncadd.s32 @!p0 s1  }
0x75: {  	[bflag:$0x3] =	sbarrier.arrive $0xFFFF  }
0x76: {  	_ =	shalt  }

// kernel: kernel.7.cloned.1.call-start
scs
__scs_entry_jumppad:
0x0: {  	(pc) =	sbr.rel $0x88, $3  }
0x1: {  	(tag) =	ssettag $0x0;
	lr =	simm.s32 $0x1  }
0x2: {  	[smem:$0x3F8B] =	sst lr;
	_ =	strace $0xD0000000  }
0x3: {  	_ = 	snop  }
0x4: {  	_ = 	snop  }
0x5: {  	_ = 	snop  }
0x6: {  	_ = 	snop  }
0x7: {  	_ = 	snop  }
__scs_overlays_trampoline_lowered:
0x8: {  	[smem:$0x3F9A] =	sst s0  }
0x9: {  	[smem:$0x3F9B] =	sst s1  }
0xa: {  	[smem:$0x3F9C] =	sst s2  }
0xb: {  	[smem:$0x3F9D] =	sst s3  }
0xc: {  	[smem:$0x3F9E] =	sst s4  }
0xd: {  	[smem:$0x3F9F] =	sst s5  }
0xe: {  	[smem:$0x3FA0] =	sst s6  }
0xf: {  	[smem:$0x3FA1] =	sst s7  }
0x10: {  	[smem:$0x3FA2] =	sst s8  }
0x11: {  	[smem:$0x3FA3] =	sst s9;
	s0 =	simm.s32 @!p0 $0x0  }
0x12: {  	s1 =	sld [smem:$0x3F89];
	s0 =	simm.s32 @p0 $0x1  }
0x13: {  	[smem:$0x3FA4] =	sst s0;
	s0 =	simm.s32 @!p1 $0x0  }
0x14: {  	s2 =	sld [smem:$0x3F88];
	s0 =	simm.s32 @p1 $0x1  }
0x15: {  	[smem:$0x3FA5] =	sst s0;
	s0 =	simm.s32 @!p2 $0x0  }
0x16: {  	s3 =	sld [smem:$0x3FDB];
	s0 =	simm.s32 @p2 $0x1  }
0x17: {  	s4 =	simm.s32 $0x1BF5;
	[smem:$0x3FA7] =	sst s0  }
0x18: {  	s0 =	sld [smem:$0x3F8A];
	_ =	swait.ge [sflag:s4], $0x0  }
0x19: {  	s7 =	sld [smem:$0x3F8B]  }
0x1a: {  	s8 =	sadd.s32 $0xFFFFE003, lr  }
0x1b: {  	s9 =	sadd.s32 $0xFFFFFEF7, lr;
	s5 =	simm.s32 $0xFFFFFFFF;
	p2 =	slt.u32 s8, $0xFFFFF086  }
0x1c: {  	p1 =	slt.u32 s9, $0xF7A;
	s5 =	simm.s32 @!p2 $0x0  }
0x1d: {  	s5 =	simm.s32 @p1 $0x1;
	p0 =	seq.s32 s7, s2  }
0x1e: {  	s7 =	smul.u32 @!p0 $0xF7A, s2;
	p2 =	seq.s32 @!p0 s5, $0x0  }
0x1f: {  	s9 =	smul.u32 $0xF7A, s1;
	s8 =	simm.s32 @!p0 $0x1BF5;
	p2 =	por !p2, p0  }
0x20: {  	[sflag:s8] =	ssyncset.s32 @!p0 $0xFFFFF086;
	s6 =	sadd.s32 @!p0 s3, s7;
	s7 =	simm.s32 @!p0 $0x108  }
0x21: {  	s3 =	sadd.s32 s3, s9;
	s6 =	sadd.s32 @!p0 $0x88, s6;
	s7 =	simm.s32 @p2 $0x1082  }
0x22: {  	[simem:s7], [sflag:s8] =	dma.local @!p0 [hbm:s6], $0xF7A  }
0x23: {  	s9 =	sor.u32 $0xD0000000, s2;
	s6 =	simm.s32 $0x108;
	_ =	swait.ge @!p0 [sflag:s8], $0x0  }
0x24: {  	s3 =	sadd.s32 $0x88, s3;
	s6 =	simm.s32 @!p1 $0x1082;
	[sflag:s4] =	ssyncset.s32 $0xFFFFF086  }
0x25: {  	[simem:s6], [sflag:s4] =	dma.local [hbm:s3], $0xF7A  }
0x26: {  	[smem:$0x3F8B] =	sst s1;
	(tag) =	ssettag s2;
	_ =	strace s9  }
0x27: {  	s1 =	sld [smem:$0x3F9B]  }
0x28: {  	s2 =	sld [smem:$0x3F9C]  }
0x29: {  	s4 =	sld [smem:$0x3F9E]  }
0x2a: {  	p0 =	seq.s32 s5, $0x0;
	s5 =	sld [smem:$0x3F9F]  }
0x2b: {  	s6 =	sld [smem:$0x3FA0]  }
0x2c: {  	s7 =	sld [smem:$0x3FA1]  }
0x2d: {  	s3 =	simm.s32 $0x108;
	s8 =	sld [smem:$0x3FA2]  }
0x2e: {  	s3 =	simm.s32 @!p0 $0x1082;
	s9 =	sld [smem:$0x3FA3]  }
0x2f: {  	lr =	sadd.s32 s0, s3;
	s0 =	sld [smem:$0x3F9A]  }
0x30: {  	s3 =	sld [smem:$0x3F9D]  }
0x31: {  	[smem:$0x3FA6] =	sst s10  }
0x32: {  	s10 =	sld [smem:$0x3FA4];
	_ =	sdelay $0x3  }
0x33: {  	p0 =	seq.s32 s10, $0x1;
	s10 =	sld [smem:$0x3FA6];
	_ =	sdelay $0x3  }
0x34: {  	[smem:$0x3FA6] =	sst s10  }
0x35: {  	s10 =	sld [smem:$0x3FA5];
	_ =	sdelay $0x3  }
0x36: {  	p1 =	seq.s32 s10, $0x1;
	s10 =	sld [smem:$0x3FA6];
	_ =	sdelay $0x3  }
0x37: {  	[smem:$0x3FA6] =	sst s10  }
0x38: {  	s10 =	sld [smem:$0x3FA7]  }
0x39: {  	_ = 	snop;
	(pc) =	sbr.ind lr, $3  }
0x3a: {  	_ = 	snop  }
0x3b: {  	_ = 	snop  }
0x3c: {  	p2 =	seq.s32 s10, $0x1;
	s10 =	sld [smem:$0x3FA6]  }
0x3d: {  	_ =	shalt  }
0x3e: {  	_ =	shalt  }
0x3f: {  	_ =	shalt  }
0x40: {  	_ =	shalt  }
0x41: {  	_ =	shalt  }
0x42: {  	_ =	shalt  }
0x43: {  	_ =	shalt  }
0x44: {  	_ =	shalt  }
0x45: {  	_ =	shalt  }
0x46: {  	_ =	shalt  }
0x47: {  	_ =	shalt  }
0x48: {  	_ =	shalt  }
0x49: {  	_ =	shalt  }
0x4a: {  	_ =	shalt  }
0x4b: {  	_ =	shalt  }
0x4c: {  	_ =	shalt  }
0x4d: {  	_ =	shalt  }
0x4e: {  	_ =	shalt  }
0x4f: {  	_ =	shalt  }
0x50: {  	_ =	shalt  }
0x51: {  	_ =	shalt  }
0x52: {  	_ =	shalt  }
0x53: {  	_ =	shalt  }
0x54: {  	_ =	shalt  }
0x55: {  	_ =	shalt  }
0x56: {  	_ =	shalt  }
0x57: {  	_ =	shalt  }
0x58: {  	_ =	shalt  }
0x59: {  	_ =	shalt  }
0x5a: {  	_ =	shalt  }
0x5b: {  	_ =	shalt  }
0x5c: {  	_ =	shalt  }
0x5d: {  	_ =	shalt  }
0x5e: {  	_ =	shalt  }
0x5f: {  	_ =	shalt  }
0x60: {  	_ =	shalt  }
0x61: {  	_ =	shalt  }
0x62: {  	_ =	shalt  }
0x63: {  	_ =	shalt  }
0x64: {  	_ =	shalt  }
0x65: {  	_ =	shalt  }
0x66: {  	_ =	shalt  }
0x67: {  	_ =	shalt  }
0x68: {  	_ =	shalt  }
0x69: {  	_ =	shalt  }
0x6a: {  	_ =	shalt  }
0x6b: {  	_ =	shalt  }
0x6c: {  	_ =	shalt  }
0x6d: {  	_ =	shalt  }
0x6e: {  	_ =	shalt  }
0x6f: {  	_ =	shalt  }
0x70: {  	_ =	shalt  }
0x71: {  	_ =	shalt  }
0x72: {  	_ =	shalt  }
0x73: {  	_ =	shalt  }
0x74: {  	_ =	shalt  }
0x75: {  	_ =	shalt  }
0x76: {  	_ =	shalt  }
0x77: {  	_ =	shalt  }
0x78: {  	_ =	shalt  }
0x79: {  	_ =	shalt  }
0x7a: {  	_ =	shalt  }
0x7b: {  	_ =	shalt  }
0x7c: {  	_ =	shalt  }
0x7d: {  	_ =	shalt  }
0x7e: {  	_ =	shalt  }
0x7f: {  	_ =	shalt  }
0x80: {  	_ =	shalt  }
0x81: {  	_ =	shalt  }
0x82: {  	_ =	shalt  }
0x83: {  	_ =	shalt  }
0x84: {  	_ =	shalt  }
0x85: {  	_ =	shalt  }
0x86: {  	_ =	shalt  }
0x87: {  	_ =	shalt  }
.Lfunc_end0:
.L_simem_size_0:
called_computation.3_lowered:
.L_overlay_start_0:
0x88: {  	s2 =	sld [smem:$0x3FD9]  }
0x89: {  	s3 =	sld [smem:$0x3FFE];
	_ =	sdelay $0x1  }
0x8a: {  	s1 =	srdreg.scid  }
0x8b: {  	s0 =	sand.u32 $0x1, s1  }
0x8c: {  	s15 =	sshll.u32 s0, $0xA;
	s2 =	sadd.s32 s3, s2  }
0x8d: {  	s2 =	sadd.s32 s2, s15  }
0x8e: {  	[smem:$0x3FB2] =	sst s2  }
0x8f: {  	_ = 	snop  }
0x90: {  	s2 =	sld [smem:$0x3FD0];
	_ =	sdelay $0x2  }
0x91: {  	s16 =	simm.s32 $0xB;
	s4 =	simm.s32 $0x10  }
0x92: {  	[smem:s4], [sflag:s16] =	dma.local [hbm:s2], $0x1  }
0x93: {  	_ =	swait.eq [sflag:s16], $0x1  }
0x94: {  	[sflag:s16] =	ssyncset.done $0x0  }
0x95: {  	[sflag:s16] =	ssyncadd.s32 $0xFFFFFFFF  }
0x96: {  	s17 =	sld [smem:$0x11];
	(tm) =	ssettm $0x1  }
0x97: {  	s18 =	sld [smem:$0x3FFB];
	_ =	sdelay $0x3  }
0x98: {  	_ =	strace s18  }
0x99: {  	s2 =	sld [smem:$0x3FFC];
	_ =	sdelay $0x3  }
0x9a: {  	_ =	strace s2  }
0x9b: {  	s2 =	sld [smem:$0x3FFD];
	_ =	sdelay $0x3  }
0x9c: {  	_ =	strace s2  }
0x9d: {  	_ =	strace $0x8FFFFFFF  }
0x9e: {  	s19 =	sld [smem:$0x3FDB];
	_ =	sdelay $0x1  }
0x9f: {  	s20 =	simm.s32 $_scs_section_size  }
0xa0: {  	s5 =	simm.s32 $_size__tile_overlayer_lowered;
	s6 =	simm.s32 $_tile_overlayer_lowered  }
0xa1: {  	s7 =	simm.s32 $0x1BFF;
	s21 =	sshll.u32 s6, $0x1;
	s4 =	sadd.s32 s20, s19  }
0xa2: {  	s22 =	simm.s32 $0x0;
	s5 =	sshll.u32 s5, $0x1;
	s6 =	sadd.s32 s21, s4  }
0xa3: {  	[timem:s22], [sflag:s7] =	dma.local [hbm:s6], s5  }
0xa4: {  	_ =	swait.ge [sflag:s7], s5  }
0xa5: {  	s5 =	ssub.s32 $0x0, s5;
	[sflag:s7] =	ssyncset.done $0x0  }
0xa6: {  	[sflag:s7] =	ssyncadd.s32 s5;
	_ =	sdelay $0x1  }
0xa7: {  	s23 =	simm.s32 $0x1B8B  }
0xa8: {  	_ =	swait.ge [sflag:s23], $0x1  }
0xa9: {  	[sflag:s23] =	ssyncset.done $0x0  }
0xaa: {  	[sflag:s23] =	ssyncadd.s32 $0xFFFFFFFF  }
0xab: {  	s5 =	sld [smem:$0x0]  }
0xac: {  	s6 =	sand.u32 $0xFFFFFFFE, s1  }
0xad: {  	p0 =	sne.s32 s1, s6  }
0xae: {  	s6 =	sshll.u32 @p0 s6, $0xE  }
0xaf: {  	s6 =	sadd.s32 @p0 $0x11B8D, s6;
	s7 =	sshll.u32 @p0 s5, $0x11  }
0xb0: {  	s6 =	sor.u32 @p0 s7, s6  }
0xb1: {  	[sflag:s6] =	ssyncadd.remote.s32 @p0 $0x1;
	_ =	sdelay $0x1  }
0xb2: {  	s6 =	simm.s32 @p0 $0x1B8D  }
0xb3: {  	_ =	swait.eq @p0 [sflag:s6], $0x1  }
0xb4: {  	[sflag:s6] =	ssyncadd.s32 @p0 $0xFFFFFFFF  }
0xb5: {  	s7 =	sshll.u32 @!p0 s1, $0xE  }
0xb6: {  	s7 =	sor.u32 @!p0 $0x4000, s7;
	s6 =	simm.s32 @!p0 $0x1B8D  }
0xb7: {  	s5 =	sshll.u32 @!p0 s5, $0x11;
	s7 =	sadd.s32 @!p0 $0x11B8D, s7;
	_ =	swait.eq @!p0 [sflag:s6], $0x1  }
0xb8: {  	s5 =	sor.u32 @!p0 s5, s7;
	[sflag:s6] =	ssyncadd.s32 @!p0 $0xFFFFFFFF  }
0xb9: {  	s25 =	simm.s32 $0x1B8E;
	s24 =	sld [smem:$0x3FFE];
	[sflag:s5] =	ssyncadd.remote.s32 @!p0 $0x1  }
0xba: {  	s26 =	simm.s32 $execute0_lowered;
	[smem:$0x3FD2] =	sst s25  }
0xbb: {  	s6 =	sshll.u32 s26, $0x1;
	_ =	strace $0x80000049;
	[dreg:$0x1] =	wrdreg $0xFFFFFFFF  }
0xbc: {  	s28 =	simm.s32 $_size_execute0_lowered;
	s4 =	sadd.s32 s4, s6;
	[dreg:$0x0] =	wrdreg $0x0  }
0xbd: {  	s6 =	sshll.u32 s28, $0x1;
	[dreg:$0x2] =	wrdreg s4  }
0xbe: {  	[dreg:$0x3] =	wrdreg s6  }
0xbf: {  	[dreg:$0x4] =	wrdreg $0xC0  }
0xc0: {  	_ =	task [dreg:s22], $0x5FFFF  }
0xc1: {  	[dreg:$0x1] =	wrdreg $0xFFFFFFFF  }
0xc2: {  	[dreg:$0x0] =	wrdreg $0x60  }
0xc3: {  	[dreg:$0x2] =	wrdreg s24  }
0xc4: {  	[dreg:$0x3] =	wrdreg s17  }
0xc5: {  	[dreg:$0x4] =	wrdreg $0x82000  }
0xc6: {  	[dreg:$0x5] =	wrdreg $0xA  }
0xc7: {  	_ =	task.clear_ibuf [dreg:s22], $0x6FFFF;
	_ =	strace $0x90000049  }
0xc8: {  	s29 =	simm.s32 $0xA;
	_ =	strace $0x8000004B  }
0xc9: {  	_ =	swait.ge [sflag:s29], $0x1  }
0xca: {  	[sflag:s29] =	ssyncadd.s32 $0xFFFFFFFF  }
0xcb: {  	_ =	strace $0x9000004B  }
0xcc: {  	_ =	sfence  }
0xcd: {  	s30 =	sld [smem:$0x0];
	_ =	sdelay $0x2  }
0xce: {  	s31 =	sshll.u32 s1, $0xD;
	s1 =	sshrl.u32 s1, $0x2  }
0xcf: {  	s4 =	sand.u32 $0x4000, s31;
	s1 =	sadd.s32 s1, s30  }
0xd0: {  	s0 =	sor.u32 s4, s0;
	s1 =	sshll.u32 s1, $0x11  }
0xd1: {  	s0 =	sor.u32 s1, s0  }
0xd2: {  	s0 =	sadd.s32 $0x8F2B, s0  }
0xd3: {  	[sflag:s0] =	ssyncadd.remote.s32 $0x1  }
0xd4: {  	_ =	sfence.sel $0xFFFF  }
0xd5: {  	[dreg:$0x0] =	wrdreg $0xFFFFFFFF;
	(pc) =	sbr.abs _section_cstart, $3  }
0xd6: {  	[dreg:$0x1] =	wrdreg $0xFFFFFFFF  }
0xd7: {  	_ =	task.clear_ibuf [dreg:s22], $0x2FFFF;
	_ =	strace $0x9FFFFFFF  }
0xd8: {  	(tm) =	ssettm $0x7FFFFFFF  }
0xd9: {  	_ =	shalt  }
tec
execute0_lowered:
.L_overlay_start_1:
0x0: {  	(tag) =	ssettag $0x1  }
0x1: {  	s5 =	rddreg [dreg:$0x0]  }
0x2: {  	s6 =	rddreg [dreg:$0x1]  }
0x3: {  	s2 =	rddreg [dreg:$0x2]  }
0x4: {  	s0 =	rddreg [dreg:$0x3];
	s4 =	srdreg.scid  }
0x5: {  	s1 =	stileid.u32;
	s3 =	simm.s32 $0x0;
	s15 =	simm.s32 $0x7D  }
0x6: {  	s16 =	simm.s32 $0x200;
	s17 =	simm.s32 $0x2;
	s18 =	simm.s32 $0x4200  }
0x7: {  	s19 =	simm.s32 $0x3;
	s20 =	simm.s32 $0x80;
	s8 =	smul.u32 $0x14000, s1  }
0x8: {  	s21 =	simm.s32 $0x4;
	s22 =	simm.s32 $0x180;
	s11 =	smul.u32 $0x50000, s1  }
0x9: {  	s23 =	simm.s32 $0x0;
	s7 =	sand.u32 $0x1, s4;
	s13 =	smul.u32 $0xA00, s1  }
0xa: {  	[smem:$0x7FF] =	sst s3;
	s4 =	sadd.s32 $0x91A00, s5;
	s9 =	smul.u32 $0x140000, s7  }
0xb: {  	s31 =	sshll.u32 s1, $0x6;
	s10 =	smul.u32 $0xA000, s7;
	s7 =	ssub.s32 $0x2, s7  }
0xc: {  	_ =	strace $0x8000004A;
	s12 =	sshrl.u32 s7, $0x1;
	s29 =	sshrl.u32 s11, $0x2  }
0xd: {  	s30 =	sshrl.u32 s8, $0x3;
	s9 =	sadd.s32 s8, s9;
	s10 =	sadd.s32 s10, s5  }
0xe: {  	s12 =	ssub.s32 s7, s12;
	s11 =	sadd.s32 s29, s2;
	s9 =	sshrl.u32 s9, $0x3  }
0xf: {  	s14 =	sadd.s32 $0x5A00, s10;
	s8 =	smax.u32 s12, $0x1;
	s10 =	simm.s32 $0x5  }
0x10: {  	s9 =	sadd.s32 s9, s5;
	s5 =	sadd.s32 s6, s30;
	s6 =	sor.u32 $0x1C05, s31  }
0x11: {  	s7 =	sadd.s32 $0xB9A00, s9;
	s9 =	sshrl.u32 s11, $0x3;
	s11 =	sadd.s32 s13, s14  }
0x12: {  	s13 =	simm.s32 $0x100;
	s14 =	simm.s32 $0x1;
	s12 =	sadd.s32 $0x20, s11  }
.LBB2_1:
0x13: {  	[spmem:s9], [sflag:s6] =	dma.local [hbm:s5], $0x2800  }
0x14: {  	_ =	swait.ge [sflag:s10], $0x2800  }
0x15: {  	[sflag:s10] =	ssyncset.done $0x0  }
0x16: {  	[sflag:s10] =	ssyncadd.s32 $0xFFFFD800  }
0x17: {  	[bflag:$0x0] =	sbarrier.arrive $0xFFFF  }
0x18: {  	[tilespmem:s3], [sflag:$0x1] =	stream.linear.gather [hbm4b:s11+s3], $0x100, $0x38;
	[tilespmem:$0x1C200] =	vst v63  }
0x19: {  	_ = 	snop  }
0x1a: {  	[tilespmem:s13], [sflag:$0x2] =	stream.linear.gather [hbm4b:s12+s3], $0x100, $0x38;
	[tilespmem:$0x1C200] =	vst v63  }
0x1b: {  	_ =	swait.ge [sflag:s14], $0x100  }
0x1c: {  	[sflag:s14] =	ssyncset.done $0x0  }
0x1d: {  	[sflag:s14] =	ssyncadd.s32 $0xFFFFFF00  }
0x1e: {  	[tilespmem:s16], [sflag:$0x3] =	stream.indirect.gather [hbm4b:s4+s15], $0x80, s3, s15, $0xb8;
	[tilespmem:$0x1C200] =	vst v63  }
0x1f: {  	_ =	swait.ge [sflag:s17], $0x100  }
0x20: {  	[sflag:s17] =	ssyncset.done $0x0  }
0x21: {  	[sflag:s17] =	ssyncadd.s32 $0xFFFFFF00  }
0x22: {  	[tilespmem:s18], [sflag:$0x4] =	stream.indirect.gather [hbm4b:s4+s15], $0x80, s13, s15, $0xb8;
	[tilespmem:$0x1C200] =	vst v63  }
0x23: {  	_ =	swait.ge [sflag:s19], $0x3E80  }
0x24: {  	[sflag:s19] =	ssyncset.done $0x0  }
0x25: {  	[sflag:s19] =	ssyncadd.s32 $0xFFFFC180  }
0x26: {  	[spmem:s2] =	stream.indirect.scatter.add.f32 [tilespmem:s16], [sflag:$0x5], $0x80, s20, s15, $0xb8;
	[tilespmem:$0x1C200] =	vst v63  }
0x27: {  	_ =	swait.ge [sflag:s10], $0x3E80  }
0x28: {  	s25 =	sadd.s32 $0xFFFFF640, s11;
	[sflag:s10] =	ssyncset.done $0x0  }
0x29: {  	s24 =	sadd.s32 $0xA00, s25;
	[sflag:s10] =	ssyncadd.s32 $0xFFFFC180  }
0x2a: {  	[tilespmem:s3], [sflag:$0x1] =	stream.linear.gather [hbm4b:s24+s3], $0x100, $0x38;
	[tilespmem:$0x1C200] =	vst v63  }
0x2b: {  	_ =	swait.ge [sflag:s14], $0x100  }
0x2c: {  	[sflag:s14] =	ssyncset.done $0x0  }
0x2d: {  	[sflag:s14] =	ssyncadd.s32 $0xFFFFFF00  }
0x2e: {  	[tilespmem:s16], [sflag:$0x3] =	stream.indirect.gather [hbm4b:s4+s15], $0x80, s3, s15, $0xb8;
	[tilespmem:$0x1C200] =	vst v63  }
0x2f: {  	_ =	swait.ge [sflag:s21], $0x3E80  }
0x30: {  	[sflag:s21] =	ssyncset.done $0x0  }
0x31: {  	[sflag:s21] =	ssyncadd.s32 $0xFFFFC180  }
0x32: {  	[spmem:s2] =	stream.indirect.scatter.add.f32 [tilespmem:s18], [sflag:$0x5], $0x80, s22, s15, $0xb8;
	[tilespmem:$0x1C200] =	vst v63  }
0x33: {  	_ =	swait.ge [sflag:s10], $0x3E80  }
0x34: {  	[sflag:s10] =	ssyncset.done $0x0  }
0x35: {  	s25 =	sadd.s32 $0xA20, s25;
	s24 =	simm.s32 $0xFFFFF680;
	[sflag:s10] =	ssyncadd.s32 $0xFFFFC180  }
.LBB2_2:
0x36: {  	[tilespmem:s13], [sflag:$0x2] =	stream.linear.gather [hbm4b:s25+s3], $0x100, $0x38;
	[tilespmem:$0x1C200] =	vst v63  }
0x37: {  	s25 =	smov.u32 s24  }
0x38: {  	p0 =	sne.s32 s24, $0xFFFFFFC0;
	s24 =	sadd.s32 $0x40, s24;
	_ =	swait.ge [sflag:s17], $0x100  }
0x39: {  	[sflag:s17] =	ssyncset.done $0x0  }
0x3a: {  	[sflag:s17] =	ssyncadd.s32 $0xFFFFFF00  }
0x3b: {  	[tilespmem:s18], [sflag:$0x4] =	stream.indirect.gather [hbm4b:s4+s15], $0x80, s13, s15, $0xb8;
	[tilespmem:$0x1C200] =	vst v63  }
0x3c: {  	_ =	swait.ge [sflag:s19], $0x3E80  }
0x3d: {  	[sflag:s19] =	ssyncset.done $0x0  }
0x3e: {  	[sflag:s19] =	ssyncadd.s32 $0xFFFFC180  }
0x3f: {  	[spmem:s2] =	stream.indirect.scatter.add.f32 [tilespmem:s16], [sflag:$0x5], $0x80, s20, s15, $0xb8;
	[tilespmem:$0x1C200] =	vst v63  }
0x40: {  	_ =	swait.ge [sflag:s10], $0x3E80  }
0x41: {  	s25 =	sadd.s32 s25, s11;
	[sflag:s10] =	ssyncset.done $0x0  }
0x42: {  	s26 =	sadd.s32 $0xA00, s25;
	[sflag:s10] =	ssyncadd.s32 $0xFFFFC180  }
0x43: {  	[tilespmem:s3], [sflag:$0x1] =	stream.linear.gather [hbm4b:s26+s3], $0x100, $0x38;
	[tilespmem:$0x1C200] =	vst v63  }
0x44: {  	_ =	swait.ge [sflag:s14], $0x100  }
0x45: {  	[sflag:s14] =	ssyncset.done $0x0  }
0x46: {  	[sflag:s14] =	ssyncadd.s32 $0xFFFFFF00  }
0x47: {  	[tilespmem:s16], [sflag:$0x3] =	stream.indirect.gather [hbm4b:s4+s15], $0x80, s3, s15, $0xb8;
	[tilespmem:$0x1C200] =	vst v63  }
0x48: {  	_ =	swait.ge [sflag:s21], $0x3E80  }
0x49: {  	[sflag:s21] =	ssyncset.done $0x0  }
.Ltmp0:
0x4a: {  	[sflag:s21] =	ssyncadd.s32 $0xFFFFC180;
	(pc) =	sbr.rel @p0 .LBB2_2-.Ltmp0, $4  }
0x4b: {  	[spmem:s2] =	stream.indirect.scatter.add.f32 [tilespmem:s18], [sflag:$0x5], $0x80, s22, s15, $0xb8;
	[tilespmem:$0x1C200] =	vst v63  }
0x4c: {  	_ =	swait.ge [sflag:s10], $0x3E80  }
0x4d: {  	[sflag:s10] =	ssyncset.done $0x0  }
0x4e: {  	s25 =	sadd.s32 $0xA20, s25;
	[sflag:s10] =	ssyncadd.s32 $0xFFFFC180  }
0x4f: {  	[tilespmem:s13], [sflag:$0x2] =	stream.linear.gather [hbm4b:s25+s3], $0x100, $0x38;
	[tilespmem:$0x1C200] =	vst v63  }
0x50: {  	_ =	swait.ge [sflag:s17], $0x100  }
0x51: {  	[sflag:s17] =	ssyncset.done $0x0  }
0x52: {  	[sflag:s17] =	ssyncadd.s32 $0xFFFFFF00  }
0x53: {  	[tilespmem:s18], [sflag:$0x4] =	stream.indirect.gather [hbm4b:s4+s15], $0x80, s13, s15, $0xb8;
	[tilespmem:$0x1C200] =	vst v63  }
0x54: {  	_ =	swait.ge [sflag:s19], $0x3E80  }
0x55: {  	[sflag:s19] =	ssyncset.done $0x0  }
0x56: {  	[sflag:s19] =	ssyncadd.s32 $0xFFFFC180  }
0x57: {  	[spmem:s2] =	stream.indirect.scatter.add.f32 [tilespmem:s16], [sflag:$0x5], $0x80, s20, s15, $0xb8;
	[tilespmem:$0x1C200] =	vst v63  }
0x58: {  	_ =	swait.ge [sflag:s10], $0x3E80  }
0x59: {  	[sflag:s10] =	ssyncset.done $0x0  }
0x5a: {  	[sflag:s10] =	ssyncadd.s32 $0xFFFFC180  }
0x5b: {  	_ =	swait.ge [sflag:s21], $0x3E80  }
0x5c: {  	[sflag:s21] =	ssyncset.done $0x0  }
0x5d: {  	[sflag:s21] =	ssyncadd.s32 $0xFFFFC180  }
0x5e: {  	[spmem:s2] =	stream.indirect.scatter.add.f32 [tilespmem:s18], [sflag:$0x5], $0x80, s22, s15, $0xb8;
	[tilespmem:$0x1C200] =	vst v63  }
0x5f: {  	_ =	swait.ge [sflag:s10], $0x3E80  }
0x60: {  	s23 =	sadd.s32 $0x1, s23;
	[sflag:s10] =	ssyncset.done $0x0  }
0x61: {  	p0 =	sne.s32 s23, s8;
	[sflag:s10] =	ssyncadd.s32 $0xFFFFC180  }
.Ltmp1:
0x62: {  	[bflag:$0x0] =	sbarrier.arrive $0xFFFF;
	(pc) =	sbr.rel @p0 .LBB2_1-.Ltmp1, $4  }
0x63: {  	[hbm:s7], [sflag:s6] =	dma.local [spmem:s9], $0x2800  }
0x64: {  	_ =	swait.ge [sflag:s10], $0x2800  }
0x65: {  	[sflag:s10] =	ssyncset.done $0x0  }
0x66: {  	[sflag:s10] =	ssyncadd.s32 $0xFFFFD800  }
0x67: {  	_ =	sfence.sel $0x180000  }
0x68: {  	[bflag:$0x0] =	sbarrier.arrive $0xFFFF  }
0x69: {  	p0 =	sne.s32 s1, $0x0;
	_ =	strace $0x9000004A  }
0x6a: {  	s0 =	sadd.s32 @!p0 $0x100000, s0;
	[bflag:$0x2] =	sbarrier.arrive $0xFFFF  }
0x6b: {  	[sflag:s0] =	ssyncadd.tile.s32 @!p0 $0x1;
	_ =	shalt  }
.Lfunc_end2:
_tile_overlayer_lowered:
.L_overlay_start_2:
0x6c: {  	(tag) =	ssettag $0x2  }
0x6d: {  	s0 =	rddreg [dreg:$0x0];
	s2 =	stileid.u32  }
0x6e: {  	s1 =	rddreg [dreg:$0x1];
	p0 =	sne.s32 s2, $0x0  }
0x6f: {  	s3 =	rddreg [dreg:$0x2];
	[bflag:$0x3] =	sbarrier.arrive $0xFFFF;
	s2 =	simm.s32 @!p0 $0x1C05  }
0x70: {  	[timem:s3], [sflag:s2] =	dma.local @!p0 [hbm:s0], s1  }
0x71: {  	s0 =	simm.s32 @!p0 $0x5  }
0x72: {  	_ =	swait.ge @!p0 [sflag:s0], s1  }
0x73: {  	s1 =	ssub.s32 @!p0 $0x0, s1;
	[sflag:s0] =	ssyncset.done @!p0 $0x0  }
0x74: {  	[sflag:s0] =	ssyncadd.s32 @!p0 s1  }
0x75: {  	[bflag:$0x3] =	sbarrier.arrive $0xFFFF  }
0x76: {  	_ =	shalt  }

</sc_bundles>
